<compile_context>
chip_gen: v7x
topology: tpu7x:2x2x1
jax: 0.10.2.dev20260603
libtpu: 0.0.44.dev20260713+nightly
codegen_flags: <defaults>
</compile_context>

<pallas_src>
import functools

import jax
import jax.numpy as jnp
from jax import lax
from jax.experimental import pallas as pl
from jax.experimental.pallas import tpu as pltpu
from jax.experimental.pallas import tpu_sc as plsc

NC = 2
NS = 16
NW = NC * NS
CHUNK = 128
NB = 4
DEGW = 16
NCH0 = 80
NCH1 = 80


def _scatter_rows(n_pad, d):
    rpt = n_pad // NS
    nchm = max(NCH0, NCH1)
    mesh = plsc.VectorSubcoreMesh(
        core_axis_name="c", subcore_axis_name="s", num_cores=NC, num_subcores=NS
    )
    scratch = (
        [pltpu.VMEM((nchm, CHUNK), jnp.int32)] * 2
        + [pltpu.VMEM((CHUNK, d), jnp.bfloat16) for _ in range(NB)]
        + [pltpu.VMEM_SHARED((n_pad, d), jnp.bfloat16)]
        + [pltpu.SemaphoreType.DMA] * (2 * NB)
    )

    @functools.partial(
        pl.kernel,
        out_type=jax.ShapeDtypeStruct((NC, n_pad, d), jnp.bfloat16),
        mesh=mesh,
        scratch_types=scratch,
        compiler_params=pltpu.CompilerParams(use_tc_tiling_on_sc=False),
    )
    def k(feat, srcs, dsts, zeros, out, sidx, didx, *rest):
        rows = rest[:NB]
        acc = rest[NB]
        gsem = rest[NB + 1 : NB + 1 + NB]
        ssem = rest[NB + 1 + NB : NB + 1 + 2 * NB]
        c = lax.axis_index("c")
        s = lax.axis_index("s")
        w = c * NS + s
        nch = jnp.where(c == 0, NCH0, NCH1)
        pltpu.sync_copy(srcs.at[w], sidx)
        pltpu.sync_copy(dsts.at[w], didx)
        pltpu.sync_copy(zeros, acc.at[pl.ds(s * rpt, rpt)])
        plsc.subcore_barrier()
        lead = NB // 2
        for b in range(lead):
            pltpu.async_copy(feat.at[sidx.at[b]], rows[b], gsem[b])

        @pl.loop(0, nch, step=NB)
        def _(g):
            for b in range(NB):
                jj = g + b
                bn = (b + lead) % NB
                pltpu.make_async_copy(feat.at[sidx.at[jj]], rows[b], gsem[b]).wait()
                pltpu.async_copy(rows[b], acc.at[didx.at[jj]], ssem[b], add=True)
                nxt = jj + lead

                @pl.when(nxt < nch)
                def _():
                    prev = nxt - NB

                    @pl.when(prev >= 0)
                    def _():
                        pltpu.make_async_copy(
                            rows[bn], acc.at[didx.at[bn]], ssem[bn]
                        ).wait()

                    pltpu.async_copy(feat.at[sidx.at[nxt]], rows[bn], gsem[bn])

        for b in range(NB):
            pltpu.make_async_copy(rows[b], acc.at[didx.at[b]], ssem[b]).wait()
        plsc.subcore_barrier()
        pltpu.sync_copy(acc.at[pl.ds(s * rpt, rpt)], out.at[c, pl.ds(s * rpt, rpt)])

    return k


def _deg_counts(n_pad):
    rpt = n_pad // NS
    nchm = max(NCH0, NCH1)
    mesh = plsc.VectorSubcoreMesh(
        core_axis_name="c", subcore_axis_name="s", num_cores=NC, num_subcores=NS
    )
    G = 8

    @functools.partial(
        pl.kernel,
        out_type=jax.ShapeDtypeStruct((NC, n_pad, DEGW), jnp.float32),
        mesh=mesh,
        scratch_types=[
            pltpu.VMEM((nchm, CHUNK), jnp.int32),
            pltpu.VMEM((CHUNK, DEGW), jnp.float32),
            pltpu.VMEM_SHARED((n_pad, DEGW), jnp.float32),
            pltpu.SemaphoreType.DMA,
        ],
        compiler_params=pltpu.CompilerParams(use_tc_tiling_on_sc=False),
    )
    def k(dsts, ones, zeros, out, didx, onev, acc, sem):
        c = lax.axis_index("c")
        s = lax.axis_index("s")
        w = c * NS + s
        nch = jnp.where(c == 0, NCH0, NCH1)
        pltpu.sync_copy(dsts.at[w], didx)
        pltpu.sync_copy(ones, onev)
        pltpu.sync_copy(zeros, acc.at[pl.ds(s * rpt, rpt)])
        plsc.subcore_barrier()

        @pl.loop(0, nch, step=G)
        def _(g0):
            for b in range(G):
                pltpu.async_copy(onev, acc.at[didx.at[g0 + b]], sem, add=True)
            for b in range(G):
                pltpu.make_async_copy(onev, acc.at[didx.at[g0 + b]], sem).wait()

        plsc.subcore_barrier()
        pltpu.sync_copy(acc.at[pl.ds(s * rpt, rpt)], out.at[c, pl.ds(s * rpt, rpt)])

    return k


def _layer1(n, dfeat, dhid, br):
    def body(x_ref, w_ref, degp_ref, s1_ref, s1b_ref, dinv_ref):
        dp = degp_ref[...]
        deg = jnp.sum(dp[:, :, 0], axis=0) + 1.0
        dinv = lax.rsqrt(deg)
        xw = jnp.dot(x_ref[...], w_ref[...], preferred_element_type=jnp.float32)
        s1 = xw * dinv[:, None]
        s1_ref[...] = s1
        s1b_ref[...] = s1.astype(jnp.bfloat16)
        dinv_ref[...] = dinv[:, None]

    return pl.pallas_call(
        body,
        grid=(n // br,),
        in_specs=[
            pl.BlockSpec((br, dfeat), lambda r: (r, 0)),
            pl.BlockSpec((dfeat, dhid), lambda r: (0, 0)),
            pl.BlockSpec((NC, br, DEGW), lambda r: (0, r, 0)),
        ],
        out_specs=[
            pl.BlockSpec((br, dhid), lambda r: (r, 0)),
            pl.BlockSpec((br, dhid), lambda r: (r, 0)),
            pl.BlockSpec((br, 1), lambda r: (r, 0)),
        ],
        out_shape=[
            jax.ShapeDtypeStruct((n, dhid), jnp.float32),
            jax.ShapeDtypeStruct((n, dhid), jnp.bfloat16),
            jax.ShapeDtypeStruct((n, 1), jnp.float32),
        ],
    )


def _layer2(n, dhid, br):
    def body(p_ref, s_ref, dinv_ref, b_ref, w_ref, out_ref, outb_ref):
        p = p_ref[...].astype(jnp.float32)
        dinv = dinv_ref[...]
        t = (jnp.sum(p, axis=0) + s_ref[...]) * dinv
        h = jnp.maximum(t + b_ref[...], 0.0)
        s2 = jnp.dot(h, w_ref[...], preferred_element_type=jnp.float32) * dinv
        out_ref[...] = s2
        outb_ref[...] = s2.astype(jnp.bfloat16)

    return pl.pallas_call(
        body,
        grid=(n // br,),
        in_specs=[
            pl.BlockSpec((NC, br, dhid), lambda r: (0, r, 0)),
            pl.BlockSpec((br, dhid), lambda r: (r, 0)),
            pl.BlockSpec((br, 1), lambda r: (r, 0)),
            pl.BlockSpec((1, dhid), lambda r: (0, 0)),
            pl.BlockSpec((dhid, dhid), lambda r: (0, 0)),
        ],
        out_specs=[
            pl.BlockSpec((br, dhid), lambda r: (r, 0)),
            pl.BlockSpec((br, dhid), lambda r: (r, 0)),
        ],
        out_shape=[
            jax.ShapeDtypeStruct((n, dhid), jnp.float32),
            jax.ShapeDtypeStruct((n, dhid), jnp.bfloat16),
        ],
    )


def _final(n, dhid, br):
    def body(p_ref, s_ref, dinv_ref, b_ref, out_ref):
        p = p_ref[...].astype(jnp.float32)
        out_ref[...] = (jnp.sum(p, axis=0) + s_ref[...]) * dinv_ref[...] + b_ref[...]

    return pl.pallas_call(
        body,
        grid=(n // br,),
        in_specs=[
            pl.BlockSpec((NC, br, dhid), lambda r: (0, r, 0)),
            pl.BlockSpec((br, dhid), lambda r: (r, 0)),
            pl.BlockSpec((br, 1), lambda r: (r, 0)),
            pl.BlockSpec((1, dhid), lambda r: (0, 0)),
        ],
        out_specs=pl.BlockSpec((br, dhid), lambda r: (r, 0)),
        out_shape=jax.ShapeDtypeStruct((n, dhid), jnp.float32),
    )


def kernel(x, edge_index, y, W1, b1, W2, b2):
    n, dfeat = x.shape
    dhid = W1.shape[1]
    e = edge_index.shape[1]

    nchm = max(NCH0, NCH1)
    sizes = ([NCH0 * CHUNK] * NS + [NCH1 * CHUNK] * NS)[:NW]
    e_pad = sum(sizes)
    assert e_pad >= e, "per-core chunk counts too small for edge count"
    n_pad = -(-(n + 1) // (NS * 8)) * (NS * 8)

    def tile_layout(idx, fill):
        flat = jnp.concatenate([idx, jnp.full((e_pad - e,), fill, jnp.int32)])
        offs = [0]
        for sz in sizes:
            offs.append(offs[-1] + sz)
        rows = [
            jnp.pad(flat[offs[i] : offs[i + 1]], (0, nchm * CHUNK - sizes[i]))
            for i in range(NW)
        ]
        return jnp.stack(rows).reshape(NW, nchm, CHUNK)

    srcp = tile_layout(edge_index[0].astype(jnp.int32), 0)
    dstp = tile_layout(edge_index[1].astype(jnp.int32), n)

    zeros_d = jnp.zeros((n_pad // NS, dhid), jnp.bfloat16)
    zeros_g = jnp.zeros((n_pad // NS, DEGW), jnp.float32)
    ones_g = jnp.ones((CHUNK, DEGW), jnp.float32)

    br = 2000
    degp = _deg_counts(n_pad)(dstp, ones_g, zeros_g)
    s1, s1b, dinv = _layer1(n, dfeat, dhid, br)(x, W1, degp)
    p1 = _scatter_rows(n_pad, dhid)(s1b, srcp, dstp, zeros_d)
    s2, s2b = _layer2(n, dhid, br)(p1, s1, dinv, b1.reshape(1, dhid), W2)
    p2 = _scatter_rows(n_pad, dhid)(s2b, srcp, dstp, zeros_d)
    embed = _final(n, dhid, br)(p2, s2, dinv, b2.reshape(1, dhid))
    return embed

# --- scband reference (transcript-rebuilt; emitter-appended) ---
"""Pipeline reference for scband-topoauc-model-80427557585196 (READ-ONLY COPY).

The authoritative reference and input builder live on the scoring server;
editing this copy changes nothing except your own understanding.
"""

import jax, jax.numpy as jnp
import numpy as np

N_NODES = 10000
N_EDGES = 320000
D_FEAT = 128
N_HID = 64
N_CLS = 10


def gcn_conv(x, src, dst, W, b, n):
    # symmetric-normalized GCN aggregation with self-loops already in (src, dst)
    deg = jnp.zeros((n,), x.dtype).at[dst].add(1.0)
    dinv = jax.lax.rsqrt(jnp.maximum(deg, 1.0))
    norm = dinv[src] * dinv[dst]
    msg = x[src] * norm[:, None]
    agg = jnp.zeros((n, x.shape[1]), x.dtype).at[dst].add(msg)
    return agg @ W + b


def setup_inputs(seed: int = 0):
    key = jax.random.key(seed)
    ks = jax.random.split(key, 6)
    x = jax.random.normal(ks[0], (N_NODES, D_FEAT), dtype=jnp.float32)
    edge_index = jax.random.randint(ks[1], (2, N_EDGES), 0, N_NODES)
    y = jax.random.randint(ks[2], (N_NODES,), 0, N_CLS)
    W1 = jax.random.normal(ks[3], (D_FEAT, N_HID), dtype=jnp.float32) * 0.1
    b1 = jnp.zeros((N_HID,), dtype=jnp.float32)
    W2 = jax.random.normal(ks[4], (N_HID, N_HID), dtype=jnp.float32) * 0.1
    b2 = jnp.zeros((N_HID,), dtype=jnp.float32)
    return {"x": x, "edge_index": edge_index, "y": y, "W1": W1, "b1": b1, "W2": W2, "b2": b2}


def reference(x, edge_index, y, W1, b1, W2, b2):
    # TopoaucModel.forward: embed = encoder(x, edge_index); y is carried but unused in fwd math.
    n = x.shape[0]
    loop = jnp.arange(n, dtype=edge_index.dtype)
    src = jnp.concatenate([edge_index[0], loop])
    dst = jnp.concatenate([edge_index[1], loop])
    h = jax.nn.relu(gcn_conv(x, src, dst, W1, b1, n))
    # dropout is identity in eval mode
    embed = gcn_conv(h, src, dst, W2, b2, n)
    return embed

if __name__ == "__main__":
    import jax
    _d = setup_inputs()
    print(jax.jit(kernel)(*tuple(_d.values())))

</pallas_src>

<mosaic_0001>
#map = affine_map<(d0, d1) -> (0, 0)>
#map1 = affine_map<(d0, d1) -> (0, 0, 0)>
module attributes {stable_mosaic.version = 14 : i64} {
  func.func @k(%arg0: i32, %arg1: i32, %arg2: memref<10000x64xbf16, #tpu.memory_space<hbm>>, %arg3: memref<32x80x128xi32, #tpu.memory_space<hbm>>, %arg4: memref<32x80x128xi32, #tpu.memory_space<hbm>>, %arg5: memref<632x64xbf16, #tpu.memory_space<hbm>>, %arg6: memref<2x10112x64xbf16, #tpu.memory_space<hbm>>, %arg7: memref<80x128xi32, #tpu.memory_space<vmem>>, %arg8: memref<80x128xi32, #tpu.memory_space<vmem>>, %arg9: memref<128x64xbf16, #tpu.memory_space<vmem>>, %arg10: memref<128x64xbf16, #tpu.memory_space<vmem>>, %arg11: memref<128x64xbf16, #tpu.memory_space<vmem>>, %arg12: memref<128x64xbf16, #tpu.memory_space<vmem>>, %arg13: memref<10112x64xbf16, #tpu.memory_space<vmem_shared>>, %arg14: memref<!tpu.dma_semaphore, #tpu.memory_space<semaphore_mem>>, %arg15: memref<!tpu.dma_semaphore, #tpu.memory_space<semaphore_mem>>, %arg16: memref<!tpu.dma_semaphore, #tpu.memory_space<semaphore_mem>>, %arg17: memref<!tpu.dma_semaphore, #tpu.memory_space<semaphore_mem>>, %arg18: memref<!tpu.dma_semaphore, #tpu.memory_space<semaphore_mem>>, %arg19: memref<!tpu.dma_semaphore, #tpu.memory_space<semaphore_mem>>, %arg20: memref<!tpu.dma_semaphore, #tpu.memory_space<semaphore_mem>>, %arg21: memref<!tpu.dma_semaphore, #tpu.memory_space<semaphore_mem>>) attributes {dimension_semantics = [#tpu.dimension_semantics<core_parallel>, #tpu.dimension_semantics<subcore_parallel>], iteration_bounds = array<i64: 2, 16>, scalar_prefetch = 0 : i64, scratch_operands = 15 : i64, tpu.core_type = #tpu.core_type<sc_vector_subcore>, window_params = [{transform_indices = #map}, {transform_indices = #map1}, {transform_indices = #map1}, {transform_indices = #map}, {transform_indices = #map1}]} {
    %mul3A = arith.constant 16 : i32
    %mul3A_0 = arith.muli %arg0, %mul3A : i32
    %add3A = arith.addi %mul3A_0, %arg1 : i32
    %eq3A = arith.constant 0 : i32
    %eq3A_1 = arith.cmpi eq, %arg0, %eq3A : i32
    %jit3A = arith.constant 80 : i32
    %jit3A_2 = arith.constant 80 : i32
    %select_n3A = arith.select %eq3A_1, %jit3A, %jit3A_2 : i32
    "tpu.region"() ({
      %run_scoped3A = tpu.sem_alloc : memref<!tpu.dma_semaphore, #tpu.memory_space<semaphore_mem>>
      %dma_start3A_66 = arith.constant 0 : i32
      %dma_start3A_67 = arith.constant 0 : i32
      %dma_start3A_68 = tpu.memref_slice %arg3[%add3A, %dma_start3A_66, %dma_start3A_67] : memref<32x80x128xi32, #tpu.memory_space<hbm>> -> memref<1x80x128xi32, #tpu.memory_space<hbm>>
      %dma_start3A_69 = tpu.memref_squeeze %dma_start3A_68 : memref<1x80x128xi32, #tpu.memory_space<hbm>> -> memref<80x128xi32, #tpu.memory_space<hbm>>
      %dma_start3A_70 = arith.constant 0 : i32
      %dma_start3A_71 = arith.constant 0 : i32
      %dma_start3A_72 = tpu.memref_slice %arg3[%add3A, %dma_start3A_70, %dma_start3A_71] : memref<32x80x128xi32, #tpu.memory_space<hbm>> -> memref<1x80x128xi32, #tpu.memory_space<hbm>>
      %dma_start3A_73 = tpu.memref_squeeze %dma_start3A_72 : memref<1x80x128xi32, #tpu.memory_space<hbm>> -> memref<80x128xi32, #tpu.memory_space<hbm>>
      tpu.enqueue_dma source(%dma_start3A_73 : memref<80x128xi32, #tpu.memory_space<hbm>>) target(%arg7 : memref<80x128xi32, #tpu.memory_space<vmem>>) target_semaphore(%run_scoped3A : memref<!tpu.dma_semaphore, #tpu.memory_space<semaphore_mem>>)
      %dma_wait3A_74 = arith.constant 0 : i32
      %dma_wait3A_75 = arith.constant 0 : i32
      %dma_wait3A_76 = tpu.memref_slice %arg3[%add3A, %dma_wait3A_74, %dma_wait3A_75] : memref<32x80x128xi32, #tpu.memory_space<hbm>> -> memref<1x80x128xi32, #tpu.memory_space<hbm>>
      %dma_wait3A_77 = tpu.memref_squeeze %dma_wait3A_76 : memref<1x80x128xi32, #tpu.memory_space<hbm>> -> memref<80x128xi32, #tpu.memory_space<hbm>>
      %dma_wait3A_78 = arith.constant 0 : i32
      %dma_wait3A_79 = arith.constant 0 : i32
      %dma_wait3A_80 = tpu.memref_slice %arg3[%add3A, %dma_wait3A_78, %dma_wait3A_79] : memref<32x80x128xi32, #tpu.memory_space<hbm>> -> memref<1x80x128xi32, #tpu.memory_space<hbm>>
      %dma_wait3A_81 = tpu.memref_squeeze %dma_wait3A_80 : memref<1x80x128xi32, #tpu.memory_space<hbm>> -> memref<80x128xi32, #tpu.memory_space<hbm>>
      tpu.wait_dma2 semaphore(%run_scoped3A : memref<!tpu.dma_semaphore, #tpu.memory_space<semaphore_mem>>) src(%dma_wait3A_81 : memref<80x128xi32, #tpu.memory_space<hbm>>) dst(%arg7 : memref<80x128xi32, #tpu.memory_space<vmem>>)
      tpu.yield
    }) : () -> ()
    "tpu.region"() ({
      %run_scoped3A = tpu.sem_alloc : memref<!tpu.dma_semaphore, #tpu.memory_space<semaphore_mem>>
      %dma_start3A_66 = arith.constant 0 : i32
      %dma_start3A_67 = arith.constant 0 : i32
      %dma_start3A_68 = tpu.memref_slice %arg4[%add3A, %dma_start3A_66, %dma_start3A_67] : memref<32x80x128xi32, #tpu.memory_space<hbm>> -> memref<1x80x128xi32, #tpu.memory_space<hbm>>
      %dma_start3A_69 = tpu.memref_squeeze %dma_start3A_68 : memref<1x80x128xi32, #tpu.memory_space<hbm>> -> memref<80x128xi32, #tpu.memory_space<hbm>>
      %dma_start3A_70 = arith.constant 0 : i32
      %dma_start3A_71 = arith.constant 0 : i32
      %dma_start3A_72 = tpu.memref_slice %arg4[%add3A, %dma_start3A_70, %dma_start3A_71] : memref<32x80x128xi32, #tpu.memory_space<hbm>> -> memref<1x80x128xi32, #tpu.memory_space<hbm>>
      %dma_start3A_73 = tpu.memref_squeeze %dma_start3A_72 : memref<1x80x128xi32, #tpu.memory_space<hbm>> -> memref<80x128xi32, #tpu.memory_space<hbm>>
      tpu.enqueue_dma source(%dma_start3A_73 : memref<80x128xi32, #tpu.memory_space<hbm>>) target(%arg8 : memref<80x128xi32, #tpu.memory_space<vmem>>) target_semaphore(%run_scoped3A : memref<!tpu.dma_semaphore, #tpu.memory_space<semaphore_mem>>)
      %dma_wait3A_74 = arith.constant 0 : i32
      %dma_wait3A_75 = arith.constant 0 : i32
      %dma_wait3A_76 = tpu.memref_slice %arg4[%add3A, %dma_wait3A_74, %dma_wait3A_75] : memref<32x80x128xi32, #tpu.memory_space<hbm>> -> memref<1x80x128xi32, #tpu.memory_space<hbm>>
      %dma_wait3A_77 = tpu.memref_squeeze %dma_wait3A_76 : memref<1x80x128xi32, #tpu.memory_space<hbm>> -> memref<80x128xi32, #tpu.memory_space<hbm>>
      %dma_wait3A_78 = arith.constant 0 : i32
      %dma_wait3A_79 = arith.constant 0 : i32
      %dma_wait3A_80 = tpu.memref_slice %arg4[%add3A, %dma_wait3A_78, %dma_wait3A_79] : memref<32x80x128xi32, #tpu.memory_space<hbm>> -> memref<1x80x128xi32, #tpu.memory_space<hbm>>
      %dma_wait3A_81 = tpu.memref_squeeze %dma_wait3A_80 : memref<1x80x128xi32, #tpu.memory_space<hbm>> -> memref<80x128xi32, #tpu.memory_space<hbm>>
      tpu.wait_dma2 semaphore(%run_scoped3A : memref<!tpu.dma_semaphore, #tpu.memory_space<semaphore_mem>>) src(%dma_wait3A_81 : memref<80x128xi32, #tpu.memory_space<hbm>>) dst(%arg8 : memref<80x128xi32, #tpu.memory_space<vmem>>)
      tpu.yield
    }) : () -> ()
    %mul3A_3 = arith.constant 632 : i32
    %mul3A_4 = arith.muli %arg1, %mul3A_3 : i32
    "tpu.region"() ({
      %run_scoped3A = tpu.sem_alloc : memref<!tpu.dma_semaphore, #tpu.memory_space<semaphore_mem>>
      %dma_start3A_66 = arith.constant 0 : i32
      %dma_start3A_67 = tpu.memref_slice %arg13[%mul3A_4, %dma_start3A_66] : memref<10112x64xbf16, #tpu.memory_space<vmem_shared>> -> memref<632x64xbf16, #tpu.memory_space<vmem_shared>>
      tpu.enqueue_dma source(%arg5 : memref<632x64xbf16, #tpu.memory_space<hbm>>) target(%dma_start3A_67 : memref<632x64xbf16, #tpu.memory_space<vmem_shared>>) target_semaphore(%run_scoped3A : memref<!tpu.dma_semaphore, #tpu.memory_space<semaphore_mem>>)
      %dma_wait3A_68 = arith.constant 0 : i32
      %dma_wait3A_69 = tpu.memref_slice %arg13[%mul3A_4, %dma_wait3A_68] : memref<10112x64xbf16, #tpu.memory_space<vmem_shared>> -> memref<632x64xbf16, #tpu.memory_space<vmem_shared>>
      tpu.wait_dma2 semaphore(%run_scoped3A : memref<!tpu.dma_semaphore, #tpu.memory_space<semaphore_mem>>) src(%arg5 : memref<632x64xbf16, #tpu.memory_space<hbm>>) dst(%dma_wait3A_69 : memref<632x64xbf16, #tpu.memory_space<vmem_shared>>)
      tpu.yield
    }) : () -> ()
    %barrier3A = arith.constant 0 : index
    tpu.barrier barrier_id(%barrier3A)
    %dma_start3A = arith.constant 0 : i32
    %dma_start3A_5 = arith.constant 0 : i32
    %dma_start3A_6 = tpu.memref_slice %arg7[%dma_start3A, %dma_start3A_5] : memref<80x128xi32, #tpu.memory_space<vmem>> -> memref<1x128xi32, #tpu.memory_space<vmem>>
    %dma_start3A_7 = tpu.memref_squeeze %dma_start3A_6 : memref<1x128xi32, #tpu.memory_space<vmem>> -> memref<128xi32, #tpu.memory_space<vmem>>
    %dma_start3A_8 = arith.constant 0 : i32
    %dma_start3A_9 = arith.constant 0 : i32
    %dma_start3A_10 = tpu.memref_slice %arg2[%dma_start3A_8, %dma_start3A_9] : memref<10000x64xbf16, #tpu.memory_space<hbm>> -> memref<10000x64xbf16, #tpu.memory_space<hbm>>
    tpu.enqueue_indirect_dma source(%dma_start3A_10 : memref<10000x64xbf16, #tpu.memory_space<hbm>>) target(%arg9 : memref<128x64xbf16, #tpu.memory_space<vmem>>) offsets(%dma_start3A_7 : memref<128xi32, #tpu.memory_space<vmem>>) semaphore(%arg14 : memref<!tpu.dma_semaphore, #tpu.memory_space<semaphore_mem>>)
    %dma_start3A_11 = arith.constant 1 : i32
    %dma_start3A_12 = arith.constant 0 : i32
    %dma_start3A_13 = tpu.memref_slice %arg7[%dma_start3A_11, %dma_start3A_12] : memref<80x128xi32, #tpu.memory_space<vmem>> -> memref<1x128xi32, #tpu.memory_space<vmem>>
    %dma_start3A_14 = tpu.memref_squeeze %dma_start3A_13 : memref<1x128xi32, #tpu.memory_space<vmem>> -> memref<128xi32, #tpu.memory_space<vmem>>
    %dma_start3A_15 = arith.constant 0 : i32
    %dma_start3A_16 = arith.constant 0 : i32
    %dma_start3A_17 = tpu.memref_slice %arg2[%dma_start3A_15, %dma_start3A_16] : memref<10000x64xbf16, #tpu.memory_space<hbm>> -> memref<10000x64xbf16, #tpu.memory_space<hbm>>
    tpu.enqueue_indirect_dma source(%dma_start3A_17 : memref<10000x64xbf16, #tpu.memory_space<hbm>>) target(%arg10 : memref<128x64xbf16, #tpu.memory_space<vmem>>) offsets(%dma_start3A_14 : memref<128xi32, #tpu.memory_space<vmem>>) semaphore(%arg15 : memref<!tpu.dma_semaphore, #tpu.memory_space<semaphore_mem>>)
    %sub3A = arith.constant 0 : i32
    %sub3A_18 = arith.subi %select_n3A, %sub3A : i32
    %sub3A_19 = arith.constant 4 : i32
    %sub3A_20 = arith.constant 1 : i32
    %sub3A_21 = arith.subi %sub3A_19, %sub3A_20 : i32
    %add3A_22 = arith.addi %sub3A_18, %sub3A_21 : i32
    %div3A = arith.constant 4 : i32
    %div3A_23 = arith.divsi %add3A_22, %div3A : i32
    %while3A = arith.constant 4 : i32
    %while3A_24 = arith.constant 0 : i32
    %while3A_25 = arith.constant 0 : i32
    %while3A_26 = arith.subi %div3A_23, %while3A_25 : i32
    %while3A_27 = arith.addi %while3A_25, %while3A_26 : i32
    %while3A_28 = arith.constant 1 : i32
    %while3A_29 = arith.divsi %while3A_26, %while3A_28 : i32
    %while3A_30 = arith.muli %while3A_29, %while3A_28 : i32
    %while3A_31 = arith.addi %while3A_25, %while3A_30 : i32
    %while3A_32 = arith.constant 1 : i32
    scf.for %while3A_66 = %while3A_25 to %while3A_31 step %while3A_32  : i32 {
      %mul3A_67 = arith.muli %while3A_66, %while3A : i32
      %add3A_68 = arith.addi %while3A_24, %mul3A_67 : i32
      %add3A_69 = arith.constant 0 : i32
      %add3A_70 = arith.addi %add3A_68, %add3A_69 : i32
      %dma_wait3A_71 = arith.constant 0 : i32
      %dma_wait3A_72 = tpu.memref_slice %arg7[%add3A_70, %dma_wait3A_71] : memref<80x128xi32, #tpu.memory_space<vmem>> -> memref<1x128xi32, #tpu.memory_space<vmem>>
      %dma_wait3A_73 = tpu.memref_squeeze %dma_wait3A_72 : memref<1x128xi32, #tpu.memory_space<vmem>> -> memref<128xi32, #tpu.memory_space<vmem>>
      %dma_wait3A_74 = arith.constant 0 : i32
      %dma_wait3A_75 = arith.constant 0 : i32
      %dma_wait3A_76 = tpu.memref_slice %arg2[%dma_wait3A_74, %dma_wait3A_75] : memref<10000x64xbf16, #tpu.memory_space<hbm>> -> memref<10000x64xbf16, #tpu.memory_space<hbm>>
      tpu.wait_indirect_dma semaphore(%arg14 : memref<!tpu.dma_semaphore, #tpu.memory_space<semaphore_mem>>) src(%dma_wait3A_76 : memref<10000x64xbf16, #tpu.memory_space<hbm>>) dst(%arg9 : memref<128x64xbf16, #tpu.memory_space<vmem>>)
      %dma_start3A_77 = arith.constant 0 : i32
      %dma_start3A_78 = tpu.memref_slice %arg8[%add3A_70, %dma_start3A_77] : memref<80x128xi32, #tpu.memory_space<vmem>> -> memref<1x128xi32, #tpu.memory_space<vmem>>
      %dma_start3A_79 = tpu.memref_squeeze %dma_start3A_78 : memref<1x128xi32, #tpu.memory_space<vmem>> -> memref<128xi32, #tpu.memory_space<vmem>>
      %dma_start3A_80 = arith.constant 0 : i32
      %dma_start3A_81 = arith.constant 0 : i32
      %dma_start3A_82 = tpu.memref_slice %arg13[%dma_start3A_80, %dma_start3A_81] : memref<10112x64xbf16, #tpu.memory_space<vmem_shared>> -> memref<10112x64xbf16, #tpu.memory_space<vmem_shared>>
      tpu.enqueue_indirect_dma source(%arg9 : memref<128x64xbf16, #tpu.memory_space<vmem>>) target(%dma_start3A_82 : memref<10112x64xbf16, #tpu.memory_space<vmem_shared>>) offsets(%dma_start3A_79 : memref<128xi32, #tpu.memory_space<vmem>>) semaphore(%arg18 : memref<!tpu.dma_semaphore, #tpu.memory_space<semaphore_mem>>) {add = true}
      %add3A_83 = arith.constant 2 : i32
      %add3A_84 = arith.addi %add3A_70, %add3A_83 : i32
      %lt3A = arith.cmpi slt, %add3A_84, %select_n3A : i32
      %convert_element_type3A = arith.extui %lt3A : i1 to i32
      %cond3A = arith.constant 0 : i32
      %cond3A_85 = arith.cmpi ne, %convert_element_type3A, %cond3A : i32
      scf.if %cond3A_85 {
        %sub3A_146 = arith.constant 4 : i32
        %sub3A_147 = arith.subi %add3A_84, %sub3A_146 : i32
        %ge3A = arith.constant 0 : i32
        %ge3A_148 = arith.cmpi sge, %sub3A_147, %ge3A : i32
        %convert_element_type3A_149 = arith.extui %ge3A_148 : i1 to i32
        %cond3A_150 = arith.constant 0 : i32
        %cond3A_151 = arith.cmpi ne, %convert_element_type3A_149, %cond3A_150 : i32
        scf.if %cond3A_151 {
          %dma_wait3A_158 = arith.constant 2 : i32
          %dma_wait3A_159 = arith.constant 0 : i32
          %dma_wait3A_160 = tpu.memref_slice %arg8[%dma_wait3A_158, %dma_wait3A_159] : memref<80x128xi32, #tpu.memory_space<vmem>> -> memref<1x128xi32, #tpu.memory_space<vmem>>
          %dma_wait3A_161 = tpu.memref_squeeze %dma_wait3A_160 : memref<1x128xi32, #tpu.memory_space<vmem>> -> memref<128xi32, #tpu.memory_space<vmem>>
          %dma_wait3A_162 = arith.constant 0 : i32
          %dma_wait3A_163 = arith.constant 0 : i32
          %dma_wait3A_164 = tpu.memref_slice %arg13[%dma_wait3A_162, %dma_wait3A_163] : memref<10112x64xbf16, #tpu.memory_space<vmem_shared>> -> memref<10112x64xbf16, #tpu.memory_space<vmem_shared>>
          tpu.wait_indirect_dma semaphore(%arg20 : memref<!tpu.dma_semaphore, #tpu.memory_space<semaphore_mem>>) src(%arg11 : memref<128x64xbf16, #tpu.memory_space<vmem>>) dst(%dma_wait3A_164 : memref<10112x64xbf16, #tpu.memory_space<vmem_shared>>)
        } else {
        }
        %dma_start3A_152 = arith.constant 0 : i32
        %dma_start3A_153 = tpu.memref_slice %arg7[%add3A_84, %dma_start3A_152] : memref<80x128xi32, #tpu.memory_space<vmem>> -> memref<1x128xi32, #tpu.memory_space<vmem>>
        %dma_start3A_154 = tpu.memref_squeeze %dma_start3A_153 : memref<1x128xi32, #tpu.memory_space<vmem>> -> memref<128xi32, #tpu.memory_space<vmem>>
        %dma_start3A_155 = arith.constant 0 : i32
        %dma_start3A_156 = arith.constant 0 : i32
        %dma_start3A_157 = tpu.memref_slice %arg2[%dma_start3A_155, %dma_start3A_156] : memref<10000x64xbf16, #tpu.memory_space<hbm>> -> memref<10000x64xbf16, #tpu.memory_space<hbm>>
        tpu.enqueue_indirect_dma source(%dma_start3A_157 : memref<10000x64xbf16, #tpu.memory_space<hbm>>) target(%arg11 : memref<128x64xbf16, #tpu.memory_space<vmem>>) offsets(%dma_start3A_154 : memref<128xi32, #tpu.memory_space<vmem>>) semaphore(%arg16 : memref<!tpu.dma_semaphore, #tpu.memory_space<semaphore_mem>>)
      } else {
      }
      %add3A_86 = arith.constant 1 : i32
      %add3A_87 = arith.addi %add3A_68, %add3A_86 : i32
      %dma_wait3A_88 = arith.constant 0 : i32
      %dma_wait3A_89 = tpu.memref_slice %arg7[%add3A_87, %dma_wait3A_88] : memref<80x128xi32, #tpu.memory_space<vmem>> -> memref<1x128xi32, #tpu.memory_space<vmem>>
      %dma_wait3A_90 = tpu.memref_squeeze %dma_wait3A_89 : memref<1x128xi32, #tpu.memory_space<vmem>> -> memref<128xi32, #tpu.memory_space<vmem>>
      %dma_wait3A_91 = arith.constant 0 : i32
      %dma_wait3A_92 = arith.constant 0 : i32
      %dma_wait3A_93 = tpu.memref_slice %arg2[%dma_wait3A_91, %dma_wait3A_92] : memref<10000x64xbf16, #tpu.memory_space<hbm>> -> memref<10000x64xbf16, #tpu.memory_space<hbm>>
      tpu.wait_indirect_dma semaphore(%arg15 : memref<!tpu.dma_semaphore, #tpu.memory_space<semaphore_mem>>) src(%dma_wait3A_93 : memref<10000x64xbf16, #tpu.memory_space<hbm>>) dst(%arg10 : memref<128x64xbf16, #tpu.memory_space<vmem>>)
      %dma_start3A_94 = arith.constant 0 : i32
      %dma_start3A_95 = tpu.memref_slice %arg8[%add3A_87, %dma_start3A_94] : memref<80x128xi32, #tpu.memory_space<vmem>> -> memref<1x128xi32, #tpu.memory_space<vmem>>
      %dma_start3A_96 = tpu.memref_squeeze %dma_start3A_95 : memref<1x128xi32, #tpu.memory_space<vmem>> -> memref<128xi32, #tpu.memory_space<vmem>>
      %dma_start3A_97 = arith.constant 0 : i32
      %dma_start3A_98 = arith.constant 0 : i32
      %dma_start3A_99 = tpu.memref_slice %arg13[%dma_start3A_97, %dma_start3A_98] : memref<10112x64xbf16, #tpu.memory_space<vmem_shared>> -> memref<10112x64xbf16, #tpu.memory_space<vmem_shared>>
      tpu.enqueue_indirect_dma source(%arg10 : memref<128x64xbf16, #tpu.memory_space<vmem>>) target(%dma_start3A_99 : memref<10112x64xbf16, #tpu.memory_space<vmem_shared>>) offsets(%dma_start3A_96 : memref<128xi32, #tpu.memory_space<vmem>>) semaphore(%arg19 : memref<!tpu.dma_semaphore, #tpu.memory_space<semaphore_mem>>) {add = true}
      %add3A_100 = arith.constant 2 : i32
      %add3A_101 = arith.addi %add3A_87, %add3A_100 : i32
      %lt3A_102 = arith.cmpi slt, %add3A_101, %select_n3A : i32
      %convert_element_type3A_103 = arith.extui %lt3A_102 : i1 to i32
      %cond3A_104 = arith.constant 0 : i32
      %cond3A_105 = arith.cmpi ne, %convert_element_type3A_103, %cond3A_104 : i32
      scf.if %cond3A_105 {
        %sub3A_146 = arith.constant 4 : i32
        %sub3A_147 = arith.subi %add3A_101, %sub3A_146 : i32
        %ge3A = arith.constant 0 : i32
        %ge3A_148 = arith.cmpi sge, %sub3A_147, %ge3A : i32
        %convert_element_type3A_149 = arith.extui %ge3A_148 : i1 to i32
        %cond3A_150 = arith.constant 0 : i32
        %cond3A_151 = arith.cmpi ne, %convert_element_type3A_149, %cond3A_150 : i32
        scf.if %cond3A_151 {
          %dma_wait3A_158 = arith.constant 3 : i32
          %dma_wait3A_159 = arith.constant 0 : i32
          %dma_wait3A_160 = tpu.memref_slice %arg8[%dma_wait3A_158, %dma_wait3A_159] : memref<80x128xi32, #tpu.memory_space<vmem>> -> memref<1x128xi32, #tpu.memory_space<vmem>>
          %dma_wait3A_161 = tpu.memref_squeeze %dma_wait3A_160 : memref<1x128xi32, #tpu.memory_space<vmem>> -> memref<128xi32, #tpu.memory_space<vmem>>
          %dma_wait3A_162 = arith.constant 0 : i32
          %dma_wait3A_163 = arith.constant 0 : i32
          %dma_wait3A_164 = tpu.memref_slice %arg13[%dma_wait3A_162, %dma_wait3A_163] : memref<10112x64xbf16, #tpu.memory_space<vmem_shared>> -> memref<10112x64xbf16, #tpu.memory_space<vmem_shared>>
          tpu.wait_indirect_dma semaphore(%arg21 : memref<!tpu.dma_semaphore, #tpu.memory_space<semaphore_mem>>) src(%arg12 : memref<128x64xbf16, #tpu.memory_space<vmem>>) dst(%dma_wait3A_164 : memref<10112x64xbf16, #tpu.memory_space<vmem_shared>>)
        } else {
        }
        %dma_start3A_152 = arith.constant 0 : i32
        %dma_start3A_153 = tpu.memref_slice %arg7[%add3A_101, %dma_start3A_152] : memref<80x128xi32, #tpu.memory_space<vmem>> -> memref<1x128xi32, #tpu.memory_space<vmem>>
        %dma_start3A_154 = tpu.memref_squeeze %dma_start3A_153 : memref<1x128xi32, #tpu.memory_space<vmem>> -> memref<128xi32, #tpu.memory_space<vmem>>
        %dma_start3A_155 = arith.constant 0 : i32
        %dma_start3A_156 = arith.constant 0 : i32
        %dma_start3A_157 = tpu.memref_slice %arg2[%dma_start3A_155, %dma_start3A_156] : memref<10000x64xbf16, #tpu.memory_space<hbm>> -> memref<10000x64xbf16, #tpu.memory_space<hbm>>
        tpu.enqueue_indirect_dma source(%dma_start3A_157 : memref<10000x64xbf16, #tpu.memory_space<hbm>>) target(%arg12 : memref<128x64xbf16, #tpu.memory_space<vmem>>) offsets(%dma_start3A_154 : memref<128xi32, #tpu.memory_space<vmem>>) semaphore(%arg17 : memref<!tpu.dma_semaphore, #tpu.memory_space<semaphore_mem>>)
      } else {
      }
      %add3A_106 = arith.constant 2 : i32
      %add3A_107 = arith.addi %add3A_68, %add3A_106 : i32
      %dma_wait3A_108 = arith.constant 0 : i32
      %dma_wait3A_109 = tpu.memref_slice %arg7[%add3A_107, %dma_wait3A_108] : memref<80x128xi32, #tpu.memory_space<vmem>> -> memref<1x128xi32, #tpu.memory_space<vmem>>
      %dma_wait3A_110 = tpu.memref_squeeze %dma_wait3A_109 : memref<1x128xi32, #tpu.memory_space<vmem>> -> memref<128xi32, #tpu.memory_space<vmem>>
      %dma_wait3A_111 = arith.constant 0 : i32
      %dma_wait3A_112 = arith.constant 0 : i32
      %dma_wait3A_113 = tpu.memref_slice %arg2[%dma_wait3A_111, %dma_wait3A_112] : memref<10000x64xbf16, #tpu.memory_space<hbm>> -> memref<10000x64xbf16, #tpu.memory_space<hbm>>
      tpu.wait_indirect_dma semaphore(%arg16 : memref<!tpu.dma_semaphore, #tpu.memory_space<semaphore_mem>>) src(%dma_wait3A_113 : memref<10000x64xbf16, #tpu.memory_space<hbm>>) dst(%arg11 : memref<128x64xbf16, #tpu.memory_space<vmem>>)
      %dma_start3A_114 = arith.constant 0 : i32
      %dma_start3A_115 = tpu.memref_slice %arg8[%add3A_107, %dma_start3A_114] : memref<80x128xi32, #tpu.memory_space<vmem>> -> memref<1x128xi32, #tpu.memory_space<vmem>>
      %dma_start3A_116 = tpu.memref_squeeze %dma_start3A_115 : memref<1x128xi32, #tpu.memory_space<vmem>> -> memref<128xi32, #tpu.memory_space<vmem>>
      %dma_start3A_117 = arith.constant 0 : i32
      %dma_start3A_118 = arith.constant 0 : i32
      %dma_start3A_119 = tpu.memref_slice %arg13[%dma_start3A_117, %dma_start3A_118] : memref<10112x64xbf16, #tpu.memory_space<vmem_shared>> -> memref<10112x64xbf16, #tpu.memory_space<vmem_shared>>
      tpu.enqueue_indirect_dma source(%arg11 : memref<128x64xbf16, #tpu.memory_space<vmem>>) target(%dma_start3A_119 : memref<10112x64xbf16, #tpu.memory_space<vmem_shared>>) offsets(%dma_start3A_116 : memref<128xi32, #tpu.memory_space<vmem>>) semaphore(%arg20 : memref<!tpu.dma_semaphore, #tpu.memory_space<semaphore_mem>>) {add = true}
      %add3A_120 = arith.constant 2 : i32
      %add3A_121 = arith.addi %add3A_107, %add3A_120 : i32
      %lt3A_122 = arith.cmpi slt, %add3A_121, %select_n3A : i32
      %convert_element_type3A_123 = arith.extui %lt3A_122 : i1 to i32
      %cond3A_124 = arith.constant 0 : i32
      %cond3A_125 = arith.cmpi ne, %convert_element_type3A_123, %cond3A_124 : i32
      scf.if %cond3A_125 {
        %sub3A_146 = arith.constant 4 : i32
        %sub3A_147 = arith.subi %add3A_121, %sub3A_146 : i32
        %ge3A = arith.constant 0 : i32
        %ge3A_148 = arith.cmpi sge, %sub3A_147, %ge3A : i32
        %convert_element_type3A_149 = arith.extui %ge3A_148 : i1 to i32
        %cond3A_150 = arith.constant 0 : i32
        %cond3A_151 = arith.cmpi ne, %convert_element_type3A_149, %cond3A_150 : i32
        scf.if %cond3A_151 {
          %dma_wait3A_158 = arith.constant 0 : i32
          %dma_wait3A_159 = arith.constant 0 : i32
          %dma_wait3A_160 = tpu.memref_slice %arg8[%dma_wait3A_158, %dma_wait3A_159] : memref<80x128xi32, #tpu.memory_space<vmem>> -> memref<1x128xi32, #tpu.memory_space<vmem>>
          %dma_wait3A_161 = tpu.memref_squeeze %dma_wait3A_160 : memref<1x128xi32, #tpu.memory_space<vmem>> -> memref<128xi32, #tpu.memory_space<vmem>>
          %dma_wait3A_162 = arith.constant 0 : i32
          %dma_wait3A_163 = arith.constant 0 : i32
          %dma_wait3A_164 = tpu.memref_slice %arg13[%dma_wait3A_162, %dma_wait3A_163] : memref<10112x64xbf16, #tpu.memory_space<vmem_shared>> -> memref<10112x64xbf16, #tpu.memory_space<vmem_shared>>
          tpu.wait_indirect_dma semaphore(%arg18 : memref<!tpu.dma_semaphore, #tpu.memory_space<semaphore_mem>>) src(%arg9 : memref<128x64xbf16, #tpu.memory_space<vmem>>) dst(%dma_wait3A_164 : memref<10112x64xbf16, #tpu.memory_space<vmem_shared>>)
        } else {
        }
        %dma_start3A_152 = arith.constant 0 : i32
        %dma_start3A_153 = tpu.memref_slice %arg7[%add3A_121, %dma_start3A_152] : memref<80x128xi32, #tpu.memory_space<vmem>> -> memref<1x128xi32, #tpu.memory_space<vmem>>
        %dma_start3A_154 = tpu.memref_squeeze %dma_start3A_153 : memref<1x128xi32, #tpu.memory_space<vmem>> -> memref<128xi32, #tpu.memory_space<vmem>>
        %dma_start3A_155 = arith.constant 0 : i32
        %dma_start3A_156 = arith.constant 0 : i32
        %dma_start3A_157 = tpu.memref_slice %arg2[%dma_start3A_155, %dma_start3A_156] : memref<10000x64xbf16, #tpu.memory_space<hbm>> -> memref<10000x64xbf16, #tpu.memory_space<hbm>>
        tpu.enqueue_indirect_dma source(%dma_start3A_157 : memref<10000x64xbf16, #tpu.memory_space<hbm>>) target(%arg9 : memref<128x64xbf16, #tpu.memory_space<vmem>>) offsets(%dma_start3A_154 : memref<128xi32, #tpu.memory_space<vmem>>) semaphore(%arg14 : memref<!tpu.dma_semaphore, #tpu.memory_space<semaphore_mem>>)
      } else {
      }
      %add3A_126 = arith.constant 3 : i32
      %add3A_127 = arith.addi %add3A_68, %add3A_126 : i32
      %dma_wait3A_128 = arith.constant 0 : i32
      %dma_wait3A_129 = tpu.memref_slice %arg7[%add3A_127, %dma_wait3A_128] : memref<80x128xi32, #tpu.memory_space<vmem>> -> memref<1x128xi32, #tpu.memory_space<vmem>>
      %dma_wait3A_130 = tpu.memref_squeeze %dma_wait3A_129 : memref<1x128xi32, #tpu.memory_space<vmem>> -> memref<128xi32, #tpu.memory_space<vmem>>
      %dma_wait3A_131 = arith.constant 0 : i32
      %dma_wait3A_132 = arith.constant 0 : i32
      %dma_wait3A_133 = tpu.memref_slice %arg2[%dma_wait3A_131, %dma_wait3A_132] : memref<10000x64xbf16, #tpu.memory_space<hbm>> -> memref<10000x64xbf16, #tpu.memory_space<hbm>>
      tpu.wait_indirect_dma semaphore(%arg17 : memref<!tpu.dma_semaphore, #tpu.memory_space<semaphore_mem>>) src(%dma_wait3A_133 : memref<10000x64xbf16, #tpu.memory_space<hbm>>) dst(%arg12 : memref<128x64xbf16, #tpu.memory_space<vmem>>)
      %dma_start3A_134 = arith.constant 0 : i32
      %dma_start3A_135 = tpu.memref_slice %arg8[%add3A_127, %dma_start3A_134] : memref<80x128xi32, #tpu.memory_space<vmem>> -> memref<1x128xi32, #tpu.memory_space<vmem>>
      %dma_start3A_136 = tpu.memref_squeeze %dma_start3A_135 : memref<1x128xi32, #tpu.memory_space<vmem>> -> memref<128xi32, #tpu.memory_space<vmem>>
      %dma_start3A_137 = arith.constant 0 : i32
      %dma_start3A_138 = arith.constant 0 : i32
      %dma_start3A_139 = tpu.memref_slice %arg13[%dma_start3A_137, %dma_start3A_138] : memref<10112x64xbf16, #tpu.memory_space<vmem_shared>> -> memref<10112x64xbf16, #tpu.memory_space<vmem_shared>>
      tpu.enqueue_indirect_dma source(%arg12 : memref<128x64xbf16, #tpu.memory_space<vmem>>) target(%dma_start3A_139 : memref<10112x64xbf16, #tpu.memory_space<vmem_shared>>) offsets(%dma_start3A_136 : memref<128xi32, #tpu.memory_space<vmem>>) semaphore(%arg21 : memref<!tpu.dma_semaphore, #tpu.memory_space<semaphore_mem>>) {add = true}
      %add3A_140 = arith.constant 2 : i32
      %add3A_141 = arith.addi %add3A_127, %add3A_140 : i32
      %lt3A_142 = arith.cmpi slt, %add3A_141, %select_n3A : i32
      %convert_element_type3A_143 = arith.extui %lt3A_142 : i1 to i32
      %cond3A_144 = arith.constant 0 : i32
      %cond3A_145 = arith.cmpi ne, %convert_element_type3A_143, %cond3A_144 : i32
      scf.if %cond3A_145 {
        %sub3A_146 = arith.constant 4 : i32
        %sub3A_147 = arith.subi %add3A_141, %sub3A_146 : i32
        %ge3A = arith.constant 0 : i32
        %ge3A_148 = arith.cmpi sge, %sub3A_147, %ge3A : i32
        %convert_element_type3A_149 = arith.extui %ge3A_148 : i1 to i32
        %cond3A_150 = arith.constant 0 : i32
        %cond3A_151 = arith.cmpi ne, %convert_element_type3A_149, %cond3A_150 : i32
        scf.if %cond3A_151 {
          %dma_wait3A_158 = arith.constant 1 : i32
          %dma_wait3A_159 = arith.constant 0 : i32
          %dma_wait3A_160 = tpu.memref_slice %arg8[%dma_wait3A_158, %dma_wait3A_159] : memref<80x128xi32, #tpu.memory_space<vmem>> -> memref<1x128xi32, #tpu.memory_space<vmem>>
          %dma_wait3A_161 = tpu.memref_squeeze %dma_wait3A_160 : memref<1x128xi32, #tpu.memory_space<vmem>> -> memref<128xi32, #tpu.memory_space<vmem>>
          %dma_wait3A_162 = arith.constant 0 : i32
          %dma_wait3A_163 = arith.constant 0 : i32
          %dma_wait3A_164 = tpu.memref_slice %arg13[%dma_wait3A_162, %dma_wait3A_163] : memref<10112x64xbf16, #tpu.memory_space<vmem_shared>> -> memref<10112x64xbf16, #tpu.memory_space<vmem_shared>>
          tpu.wait_indirect_dma semaphore(%arg19 : memref<!tpu.dma_semaphore, #tpu.memory_space<semaphore_mem>>) src(%arg10 : memref<128x64xbf16, #tpu.memory_space<vmem>>) dst(%dma_wait3A_164 : memref<10112x64xbf16, #tpu.memory_space<vmem_shared>>)
        } else {
        }
        %dma_start3A_152 = arith.constant 0 : i32
        %dma_start3A_153 = tpu.memref_slice %arg7[%add3A_141, %dma_start3A_152] : memref<80x128xi32, #tpu.memory_space<vmem>> -> memref<1x128xi32, #tpu.memory_space<vmem>>
        %dma_start3A_154 = tpu.memref_squeeze %dma_start3A_153 : memref<1x128xi32, #tpu.memory_space<vmem>> -> memref<128xi32, #tpu.memory_space<vmem>>
        %dma_start3A_155 = arith.constant 0 : i32
        %dma_start3A_156 = arith.constant 0 : i32
        %dma_start3A_157 = tpu.memref_slice %arg2[%dma_start3A_155, %dma_start3A_156] : memref<10000x64xbf16, #tpu.memory_space<hbm>> -> memref<10000x64xbf16, #tpu.memory_space<hbm>>
        tpu.enqueue_indirect_dma source(%dma_start3A_157 : memref<10000x64xbf16, #tpu.memory_space<hbm>>) target(%arg10 : memref<128x64xbf16, #tpu.memory_space<vmem>>) offsets(%dma_start3A_154 : memref<128xi32, #tpu.memory_space<vmem>>) semaphore(%arg15 : memref<!tpu.dma_semaphore, #tpu.memory_space<semaphore_mem>>)
      } else {
      }
    }
    %while3A_33 = arith.constant 1 : i32
    scf.for %while3A_66 = %while3A_31 to %while3A_27 step %while3A_33  : i32 {
      %mul3A_67 = arith.muli %while3A_66, %while3A : i32
      %add3A_68 = arith.addi %while3A_24, %mul3A_67 : i32
      %add3A_69 = arith.constant 0 : i32
      %add3A_70 = arith.addi %add3A_68, %add3A_69 : i32
      %dma_wait3A_71 = arith.constant 0 : i32
      %dma_wait3A_72 = tpu.memref_slice %arg7[%add3A_70, %dma_wait3A_71] : memref<80x128xi32, #tpu.memory_space<vmem>> -> memref<1x128xi32, #tpu.memory_space<vmem>>
      %dma_wait3A_73 = tpu.memref_squeeze %dma_wait3A_72 : memref<1x128xi32, #tpu.memory_space<vmem>> -> memref<128xi32, #tpu.memory_space<vmem>>
      %dma_wait3A_74 = arith.constant 0 : i32
      %dma_wait3A_75 = arith.constant 0 : i32
      %dma_wait3A_76 = tpu.memref_slice %arg2[%dma_wait3A_74, %dma_wait3A_75] : memref<10000x64xbf16, #tpu.memory_space<hbm>> -> memref<10000x64xbf16, #tpu.memory_space<hbm>>
      tpu.wait_indirect_dma semaphore(%arg14 : memref<!tpu.dma_semaphore, #tpu.memory_space<semaphore_mem>>) src(%dma_wait3A_76 : memref<10000x64xbf16, #tpu.memory_space<hbm>>) dst(%arg9 : memref<128x64xbf16, #tpu.memory_space<vmem>>)
      %dma_start3A_77 = arith.constant 0 : i32
      %dma_start3A_78 = tpu.memref_slice %arg8[%add3A_70, %dma_start3A_77] : memref<80x128xi32, #tpu.memory_space<vmem>> -> memref<1x128xi32, #tpu.memory_space<vmem>>
      %dma_start3A_79 = tpu.memref_squeeze %dma_start3A_78 : memref<1x128xi32, #tpu.memory_space<vmem>> -> memref<128xi32, #tpu.memory_space<vmem>>
      %dma_start3A_80 = arith.constant 0 : i32
      %dma_start3A_81 = arith.constant 0 : i32
      %dma_start3A_82 = tpu.memref_slice %arg13[%dma_start3A_80, %dma_start3A_81] : memref<10112x64xbf16, #tpu.memory_space<vmem_shared>> -> memref<10112x64xbf16, #tpu.memory_space<vmem_shared>>
      tpu.enqueue_indirect_dma source(%arg9 : memref<128x64xbf16, #tpu.memory_space<vmem>>) target(%dma_start3A_82 : memref<10112x64xbf16, #tpu.memory_space<vmem_shared>>) offsets(%dma_start3A_79 : memref<128xi32, #tpu.memory_space<vmem>>) semaphore(%arg18 : memref<!tpu.dma_semaphore, #tpu.memory_space<semaphore_mem>>) {add = true}
      %add3A_83 = arith.constant 2 : i32
      %add3A_84 = arith.addi %add3A_70, %add3A_83 : i32
      %lt3A = arith.cmpi slt, %add3A_84, %select_n3A : i32
      %convert_element_type3A = arith.extui %lt3A : i1 to i32
      %cond3A = arith.constant 0 : i32
      %cond3A_85 = arith.cmpi ne, %convert_element_type3A, %cond3A : i32
      scf.if %cond3A_85 {
        %sub3A_146 = arith.constant 4 : i32
        %sub3A_147 = arith.subi %add3A_84, %sub3A_146 : i32
        %ge3A = arith.constant 0 : i32
        %ge3A_148 = arith.cmpi sge, %sub3A_147, %ge3A : i32
        %convert_element_type3A_149 = arith.extui %ge3A_148 : i1 to i32
        %cond3A_150 = arith.constant 0 : i32
        %cond3A_151 = arith.cmpi ne, %convert_element_type3A_149, %cond3A_150 : i32
        scf.if %cond3A_151 {
          %dma_wait3A_158 = arith.constant 2 : i32
          %dma_wait3A_159 = arith.constant 0 : i32
          %dma_wait3A_160 = tpu.memref_slice %arg8[%dma_wait3A_158, %dma_wait3A_159] : memref<80x128xi32, #tpu.memory_space<vmem>> -> memref<1x128xi32, #tpu.memory_space<vmem>>
          %dma_wait3A_161 = tpu.memref_squeeze %dma_wait3A_160 : memref<1x128xi32, #tpu.memory_space<vmem>> -> memref<128xi32, #tpu.memory_space<vmem>>
          %dma_wait3A_162 = arith.constant 0 : i32
          %dma_wait3A_163 = arith.constant 0 : i32
          %dma_wait3A_164 = tpu.memref_slice %arg13[%dma_wait3A_162, %dma_wait3A_163] : memref<10112x64xbf16, #tpu.memory_space<vmem_shared>> -> memref<10112x64xbf16, #tpu.memory_space<vmem_shared>>
          tpu.wait_indirect_dma semaphore(%arg20 : memref<!tpu.dma_semaphore, #tpu.memory_space<semaphore_mem>>) src(%arg11 : memref<128x64xbf16, #tpu.memory_space<vmem>>) dst(%dma_wait3A_164 : memref<10112x64xbf16, #tpu.memory_space<vmem_shared>>)
        } else {
        }
        %dma_start3A_152 = arith.constant 0 : i32
        %dma_start3A_153 = tpu.memref_slice %arg7[%add3A_84, %dma_start3A_152] : memref<80x128xi32, #tpu.memory_space<vmem>> -> memref<1x128xi32, #tpu.memory_space<vmem>>
        %dma_start3A_154 = tpu.memref_squeeze %dma_start3A_153 : memref<1x128xi32, #tpu.memory_space<vmem>> -> memref<128xi32, #tpu.memory_space<vmem>>
        %dma_start3A_155 = arith.constant 0 : i32
        %dma_start3A_156 = arith.constant 0 : i32
        %dma_start3A_157 = tpu.memref_slice %arg2[%dma_start3A_155, %dma_start3A_156] : memref<10000x64xbf16, #tpu.memory_space<hbm>> -> memref<10000x64xbf16, #tpu.memory_space<hbm>>
        tpu.enqueue_indirect_dma source(%dma_start3A_157 : memref<10000x64xbf16, #tpu.memory_space<hbm>>) target(%arg11 : memref<128x64xbf16, #tpu.memory_space<vmem>>) offsets(%dma_start3A_154 : memref<128xi32, #tpu.memory_space<vmem>>) semaphore(%arg16 : memref<!tpu.dma_semaphore, #tpu.memory_space<semaphore_mem>>)
      } else {
      }
      %add3A_86 = arith.constant 1 : i32
      %add3A_87 = arith.addi %add3A_68, %add3A_86 : i32
      %dma_wait3A_88 = arith.constant 0 : i32
      %dma_wait3A_89 = tpu.memref_slice %arg7[%add3A_87, %dma_wait3A_88] : memref<80x128xi32, #tpu.memory_space<vmem>> -> memref<1x128xi32, #tpu.memory_space<vmem>>
      %dma_wait3A_90 = tpu.memref_squeeze %dma_wait3A_89 : memref<1x128xi32, #tpu.memory_space<vmem>> -> memref<128xi32, #tpu.memory_space<vmem>>
      %dma_wait3A_91 = arith.constant 0 : i32
      %dma_wait3A_92 = arith.constant 0 : i32
      %dma_wait3A_93 = tpu.memref_slice %arg2[%dma_wait3A_91, %dma_wait3A_92] : memref<10000x64xbf16, #tpu.memory_space<hbm>> -> memref<10000x64xbf16, #tpu.memory_space<hbm>>
      tpu.wait_indirect_dma semaphore(%arg15 : memref<!tpu.dma_semaphore, #tpu.memory_space<semaphore_mem>>) src(%dma_wait3A_93 : memref<10000x64xbf16, #tpu.memory_space<hbm>>) dst(%arg10 : memref<128x64xbf16, #tpu.memory_space<vmem>>)
      %dma_start3A_94 = arith.constant 0 : i32
      %dma_start3A_95 = tpu.memref_slice %arg8[%add3A_87, %dma_start3A_94] : memref<80x128xi32, #tpu.memory_space<vmem>> -> memref<1x128xi32, #tpu.memory_space<vmem>>
      %dma_start3A_96 = tpu.memref_squeeze %dma_start3A_95 : memref<1x128xi32, #tpu.memory_space<vmem>> -> memref<128xi32, #tpu.memory_space<vmem>>
      %dma_start3A_97 = arith.constant 0 : i32
      %dma_start3A_98 = arith.constant 0 : i32
      %dma_start3A_99 = tpu.memref_slice %arg13[%dma_start3A_97, %dma_start3A_98] : memref<10112x64xbf16, #tpu.memory_space<vmem_shared>> -> memref<10112x64xbf16, #tpu.memory_space<vmem_shared>>
      tpu.enqueue_indirect_dma source(%arg10 : memref<128x64xbf16, #tpu.memory_space<vmem>>) target(%dma_start3A_99 : memref<10112x64xbf16, #tpu.memory_space<vmem_shared>>) offsets(%dma_start3A_96 : memref<128xi32, #tpu.memory_space<vmem>>) semaphore(%arg19 : memref<!tpu.dma_semaphore, #tpu.memory_space<semaphore_mem>>) {add = true}
      %add3A_100 = arith.constant 2 : i32
      %add3A_101 = arith.addi %add3A_87, %add3A_100 : i32
      %lt3A_102 = arith.cmpi slt, %add3A_101, %select_n3A : i32
      %convert_element_type3A_103 = arith.extui %lt3A_102 : i1 to i32
      %cond3A_104 = arith.constant 0 : i32
      %cond3A_105 = arith.cmpi ne, %convert_element_type3A_103, %cond3A_104 : i32
      scf.if %cond3A_105 {
        %sub3A_146 = arith.constant 4 : i32
        %sub3A_147 = arith.subi %add3A_101, %sub3A_146 : i32
        %ge3A = arith.constant 0 : i32
        %ge3A_148 = arith.cmpi sge, %sub3A_147, %ge3A : i32
        %convert_element_type3A_149 = arith.extui %ge3A_148 : i1 to i32
        %cond3A_150 = arith.constant 0 : i32
        %cond3A_151 = arith.cmpi ne, %convert_element_type3A_149, %cond3A_150 : i32
        scf.if %cond3A_151 {
          %dma_wait3A_158 = arith.constant 3 : i32
          %dma_wait3A_159 = arith.constant 0 : i32
          %dma_wait3A_160 = tpu.memref_slice %arg8[%dma_wait3A_158, %dma_wait3A_159] : memref<80x128xi32, #tpu.memory_space<vmem>> -> memref<1x128xi32, #tpu.memory_space<vmem>>
          %dma_wait3A_161 = tpu.memref_squeeze %dma_wait3A_160 : memref<1x128xi32, #tpu.memory_space<vmem>> -> memref<128xi32, #tpu.memory_space<vmem>>
          %dma_wait3A_162 = arith.constant 0 : i32
          %dma_wait3A_163 = arith.constant 0 : i32
          %dma_wait3A_164 = tpu.memref_slice %arg13[%dma_wait3A_162, %dma_wait3A_163] : memref<10112x64xbf16, #tpu.memory_space<vmem_shared>> -> memref<10112x64xbf16, #tpu.memory_space<vmem_shared>>
          tpu.wait_indirect_dma semaphore(%arg21 : memref<!tpu.dma_semaphore, #tpu.memory_space<semaphore_mem>>) src(%arg12 : memref<128x64xbf16, #tpu.memory_space<vmem>>) dst(%dma_wait3A_164 : memref<10112x64xbf16, #tpu.memory_space<vmem_shared>>)
        } else {
        }
        %dma_start3A_152 = arith.constant 0 : i32
        %dma_start3A_153 = tpu.memref_slice %arg7[%add3A_101, %dma_start3A_152] : memref<80x128xi32, #tpu.memory_space<vmem>> -> memref<1x128xi32, #tpu.memory_space<vmem>>
        %dma_start3A_154 = tpu.memref_squeeze %dma_start3A_153 : memref<1x128xi32, #tpu.memory_space<vmem>> -> memref<128xi32, #tpu.memory_space<vmem>>
        %dma_start3A_155 = arith.constant 0 : i32
        %dma_start3A_156 = arith.constant 0 : i32
        %dma_start3A_157 = tpu.memref_slice %arg2[%dma_start3A_155, %dma_start3A_156] : memref<10000x64xbf16, #tpu.memory_space<hbm>> -> memref<10000x64xbf16, #tpu.memory_space<hbm>>
        tpu.enqueue_indirect_dma source(%dma_start3A_157 : memref<10000x64xbf16, #tpu.memory_space<hbm>>) target(%arg12 : memref<128x64xbf16, #tpu.memory_space<vmem>>) offsets(%dma_start3A_154 : memref<128xi32, #tpu.memory_space<vmem>>) semaphore(%arg17 : memref<!tpu.dma_semaphore, #tpu.memory_space<semaphore_mem>>)
      } else {
      }
      %add3A_106 = arith.constant 2 : i32
      %add3A_107 = arith.addi %add3A_68, %add3A_106 : i32
      %dma_wait3A_108 = arith.constant 0 : i32
      %dma_wait3A_109 = tpu.memref_slice %arg7[%add3A_107, %dma_wait3A_108] : memref<80x128xi32, #tpu.memory_space<vmem>> -> memref<1x128xi32, #tpu.memory_space<vmem>>
      %dma_wait3A_110 = tpu.memref_squeeze %dma_wait3A_109 : memref<1x128xi32, #tpu.memory_space<vmem>> -> memref<128xi32, #tpu.memory_space<vmem>>
      %dma_wait3A_111 = arith.constant 0 : i32
      %dma_wait3A_112 = arith.constant 0 : i32
      %dma_wait3A_113 = tpu.memref_slice %arg2[%dma_wait3A_111, %dma_wait3A_112] : memref<10000x64xbf16, #tpu.memory_space<hbm>> -> memref<10000x64xbf16, #tpu.memory_space<hbm>>
      tpu.wait_indirect_dma semaphore(%arg16 : memref<!tpu.dma_semaphore, #tpu.memory_space<semaphore_mem>>) src(%dma_wait3A_113 : memref<10000x64xbf16, #tpu.memory_space<hbm>>) dst(%arg11 : memref<128x64xbf16, #tpu.memory_space<vmem>>)
      %dma_start3A_114 = arith.constant 0 : i32
      %dma_start3A_115 = tpu.memref_slice %arg8[%add3A_107, %dma_start3A_114] : memref<80x128xi32, #tpu.memory_space<vmem>> -> memref<1x128xi32, #tpu.memory_space<vmem>>
      %dma_start3A_116 = tpu.memref_squeeze %dma_start3A_115 : memref<1x128xi32, #tpu.memory_space<vmem>> -> memref<128xi32, #tpu.memory_space<vmem>>
      %dma_start3A_117 = arith.constant 0 : i32
      %dma_start3A_118 = arith.constant 0 : i32
      %dma_start3A_119 = tpu.memref_slice %arg13[%dma_start3A_117, %dma_start3A_118] : memref<10112x64xbf16, #tpu.memory_space<vmem_shared>> -> memref<10112x64xbf16, #tpu.memory_space<vmem_shared>>
      tpu.enqueue_indirect_dma source(%arg11 : memref<128x64xbf16, #tpu.memory_space<vmem>>) target(%dma_start3A_119 : memref<10112x64xbf16, #tpu.memory_space<vmem_shared>>) offsets(%dma_start3A_116 : memref<128xi32, #tpu.memory_space<vmem>>) semaphore(%arg20 : memref<!tpu.dma_semaphore, #tpu.memory_space<semaphore_mem>>) {add = true}
      %add3A_120 = arith.constant 2 : i32
      %add3A_121 = arith.addi %add3A_107, %add3A_120 : i32
      %lt3A_122 = arith.cmpi slt, %add3A_121, %select_n3A : i32
      %convert_element_type3A_123 = arith.extui %lt3A_122 : i1 to i32
      %cond3A_124 = arith.constant 0 : i32
      %cond3A_125 = arith.cmpi ne, %convert_element_type3A_123, %cond3A_124 : i32
      scf.if %cond3A_125 {
        %sub3A_146 = arith.constant 4 : i32
        %sub3A_147 = arith.subi %add3A_121, %sub3A_146 : i32
        %ge3A = arith.constant 0 : i32
        %ge3A_148 = arith.cmpi sge, %sub3A_147, %ge3A : i32
        %convert_element_type3A_149 = arith.extui %ge3A_148 : i1 to i32
        %cond3A_150 = arith.constant 0 : i32
        %cond3A_151 = arith.cmpi ne, %convert_element_type3A_149, %cond3A_150 : i32
        scf.if %cond3A_151 {
          %dma_wait3A_158 = arith.constant 0 : i32
          %dma_wait3A_159 = arith.constant 0 : i32
          %dma_wait3A_160 = tpu.memref_slice %arg8[%dma_wait3A_158, %dma_wait3A_159] : memref<80x128xi32, #tpu.memory_space<vmem>> -> memref<1x128xi32, #tpu.memory_space<vmem>>
          %dma_wait3A_161 = tpu.memref_squeeze %dma_wait3A_160 : memref<1x128xi32, #tpu.memory_space<vmem>> -> memref<128xi32, #tpu.memory_space<vmem>>
          %dma_wait3A_162 = arith.constant 0 : i32
          %dma_wait3A_163 = arith.constant 0 : i32
          %dma_wait3A_164 = tpu.memref_slice %arg13[%dma_wait3A_162, %dma_wait3A_163] : memref<10112x64xbf16, #tpu.memory_space<vmem_shared>> -> memref<10112x64xbf16, #tpu.memory_space<vmem_shared>>
          tpu.wait_indirect_dma semaphore(%arg18 : memref<!tpu.dma_semaphore, #tpu.memory_space<semaphore_mem>>) src(%arg9 : memref<128x64xbf16, #tpu.memory_space<vmem>>) dst(%dma_wait3A_164 : memref<10112x64xbf16, #tpu.memory_space<vmem_shared>>)
        } else {
        }
        %dma_start3A_152 = arith.constant 0 : i32
        %dma_start3A_153 = tpu.memref_slice %arg7[%add3A_121, %dma_start3A_152] : memref<80x128xi32, #tpu.memory_space<vmem>> -> memref<1x128xi32, #tpu.memory_space<vmem>>
        %dma_start3A_154 = tpu.memref_squeeze %dma_start3A_153 : memref<1x128xi32, #tpu.memory_space<vmem>> -> memref<128xi32, #tpu.memory_space<vmem>>
        %dma_start3A_155 = arith.constant 0 : i32
        %dma_start3A_156 = arith.constant 0 : i32
        %dma_start3A_157 = tpu.memref_slice %arg2[%dma_start3A_155, %dma_start3A_156] : memref<10000x64xbf16, #tpu.memory_space<hbm>> -> memref<10000x64xbf16, #tpu.memory_space<hbm>>
        tpu.enqueue_indirect_dma source(%dma_start3A_157 : memref<10000x64xbf16, #tpu.memory_space<hbm>>) target(%arg9 : memref<128x64xbf16, #tpu.memory_space<vmem>>) offsets(%dma_start3A_154 : memref<128xi32, #tpu.memory_space<vmem>>) semaphore(%arg14 : memref<!tpu.dma_semaphore, #tpu.memory_space<semaphore_mem>>)
      } else {
      }
      %add3A_126 = arith.constant 3 : i32
      %add3A_127 = arith.addi %add3A_68, %add3A_126 : i32
      %dma_wait3A_128 = arith.constant 0 : i32
      %dma_wait3A_129 = tpu.memref_slice %arg7[%add3A_127, %dma_wait3A_128] : memref<80x128xi32, #tpu.memory_space<vmem>> -> memref<1x128xi32, #tpu.memory_space<vmem>>
      %dma_wait3A_130 = tpu.memref_squeeze %dma_wait3A_129 : memref<1x128xi32, #tpu.memory_space<vmem>> -> memref<128xi32, #tpu.memory_space<vmem>>
      %dma_wait3A_131 = arith.constant 0 : i32
      %dma_wait3A_132 = arith.constant 0 : i32
      %dma_wait3A_133 = tpu.memref_slice %arg2[%dma_wait3A_131, %dma_wait3A_132] : memref<10000x64xbf16, #tpu.memory_space<hbm>> -> memref<10000x64xbf16, #tpu.memory_space<hbm>>
      tpu.wait_indirect_dma semaphore(%arg17 : memref<!tpu.dma_semaphore, #tpu.memory_space<semaphore_mem>>) src(%dma_wait3A_133 : memref<10000x64xbf16, #tpu.memory_space<hbm>>) dst(%arg12 : memref<128x64xbf16, #tpu.memory_space<vmem>>)
      %dma_start3A_134 = arith.constant 0 : i32
      %dma_start3A_135 = tpu.memref_slice %arg8[%add3A_127, %dma_start3A_134] : memref<80x128xi32, #tpu.memory_space<vmem>> -> memref<1x128xi32, #tpu.memory_space<vmem>>
      %dma_start3A_136 = tpu.memref_squeeze %dma_start3A_135 : memref<1x128xi32, #tpu.memory_space<vmem>> -> memref<128xi32, #tpu.memory_space<vmem>>
      %dma_start3A_137 = arith.constant 0 : i32
      %dma_start3A_138 = arith.constant 0 : i32
      %dma_start3A_139 = tpu.memref_slice %arg13[%dma_start3A_137, %dma_start3A_138] : memref<10112x64xbf16, #tpu.memory_space<vmem_shared>> -> memref<10112x64xbf16, #tpu.memory_space<vmem_shared>>
      tpu.enqueue_indirect_dma source(%arg12 : memref<128x64xbf16, #tpu.memory_space<vmem>>) target(%dma_start3A_139 : memref<10112x64xbf16, #tpu.memory_space<vmem_shared>>) offsets(%dma_start3A_136 : memref<128xi32, #tpu.memory_space<vmem>>) semaphore(%arg21 : memref<!tpu.dma_semaphore, #tpu.memory_space<semaphore_mem>>) {add = true}
      %add3A_140 = arith.constant 2 : i32
      %add3A_141 = arith.addi %add3A_127, %add3A_140 : i32
      %lt3A_142 = arith.cmpi slt, %add3A_141, %select_n3A : i32
      %convert_element_type3A_143 = arith.extui %lt3A_142 : i1 to i32
      %cond3A_144 = arith.constant 0 : i32
      %cond3A_145 = arith.cmpi ne, %convert_element_type3A_143, %cond3A_144 : i32
      scf.if %cond3A_145 {
        %sub3A_146 = arith.constant 4 : i32
        %sub3A_147 = arith.subi %add3A_141, %sub3A_146 : i32
        %ge3A = arith.constant 0 : i32
        %ge3A_148 = arith.cmpi sge, %sub3A_147, %ge3A : i32
        %convert_element_type3A_149 = arith.extui %ge3A_148 : i1 to i32
        %cond3A_150 = arith.constant 0 : i32
        %cond3A_151 = arith.cmpi ne, %convert_element_type3A_149, %cond3A_150 : i32
        scf.if %cond3A_151 {
          %dma_wait3A_158 = arith.constant 1 : i32
          %dma_wait3A_159 = arith.constant 0 : i32
          %dma_wait3A_160 = tpu.memref_slice %arg8[%dma_wait3A_158, %dma_wait3A_159] : memref<80x128xi32, #tpu.memory_space<vmem>> -> memref<1x128xi32, #tpu.memory_space<vmem>>
          %dma_wait3A_161 = tpu.memref_squeeze %dma_wait3A_160 : memref<1x128xi32, #tpu.memory_space<vmem>> -> memref<128xi32, #tpu.memory_space<vmem>>
          %dma_wait3A_162 = arith.constant 0 : i32
          %dma_wait3A_163 = arith.constant 0 : i32
          %dma_wait3A_164 = tpu.memref_slice %arg13[%dma_wait3A_162, %dma_wait3A_163] : memref<10112x64xbf16, #tpu.memory_space<vmem_shared>> -> memref<10112x64xbf16, #tpu.memory_space<vmem_shared>>
          tpu.wait_indirect_dma semaphore(%arg19 : memref<!tpu.dma_semaphore, #tpu.memory_space<semaphore_mem>>) src(%arg10 : memref<128x64xbf16, #tpu.memory_space<vmem>>) dst(%dma_wait3A_164 : memref<10112x64xbf16, #tpu.memory_space<vmem_shared>>)
        } else {
        }
        %dma_start3A_152 = arith.constant 0 : i32
        %dma_start3A_153 = tpu.memref_slice %arg7[%add3A_141, %dma_start3A_152] : memref<80x128xi32, #tpu.memory_space<vmem>> -> memref<1x128xi32, #tpu.memory_space<vmem>>
        %dma_start3A_154 = tpu.memref_squeeze %dma_start3A_153 : memref<1x128xi32, #tpu.memory_space<vmem>> -> memref<128xi32, #tpu.memory_space<vmem>>
        %dma_start3A_155 = arith.constant 0 : i32
        %dma_start3A_156 = arith.constant 0 : i32
        %dma_start3A_157 = tpu.memref_slice %arg2[%dma_start3A_155, %dma_start3A_156] : memref<10000x64xbf16, #tpu.memory_space<hbm>> -> memref<10000x64xbf16, #tpu.memory_space<hbm>>
        tpu.enqueue_indirect_dma source(%dma_start3A_157 : memref<10000x64xbf16, #tpu.memory_space<hbm>>) target(%arg10 : memref<128x64xbf16, #tpu.memory_space<vmem>>) offsets(%dma_start3A_154 : memref<128xi32, #tpu.memory_space<vmem>>) semaphore(%arg15 : memref<!tpu.dma_semaphore, #tpu.memory_space<semaphore_mem>>)
      } else {
      }
    }
    %dma_wait3A = arith.constant 0 : i32
    %dma_wait3A_34 = arith.constant 0 : i32
    %dma_wait3A_35 = tpu.memref_slice %arg8[%dma_wait3A, %dma_wait3A_34] : memref<80x128xi32, #tpu.memory_space<vmem>> -> memref<1x128xi32, #tpu.memory_space<vmem>>
    %dma_wait3A_36 = tpu.memref_squeeze %dma_wait3A_35 : memref<1x128xi32, #tpu.memory_space<vmem>> -> memref<128xi32, #tpu.memory_space<vmem>>
    %dma_wait3A_37 = arith.constant 0 : i32
    %dma_wait3A_38 = arith.constant 0 : i32
    %dma_wait3A_39 = tpu.memref_slice %arg13[%dma_wait3A_37, %dma_wait3A_38] : memref<10112x64xbf16, #tpu.memory_space<vmem_shared>> -> memref<10112x64xbf16, #tpu.memory_space<vmem_shared>>
    tpu.wait_indirect_dma semaphore(%arg18 : memref<!tpu.dma_semaphore, #tpu.memory_space<semaphore_mem>>) src(%arg9 : memref<128x64xbf16, #tpu.memory_space<vmem>>) dst(%dma_wait3A_39 : memref<10112x64xbf16, #tpu.memory_space<vmem_shared>>)
    %dma_wait3A_40 = arith.constant 1 : i32
    %dma_wait3A_41 = arith.constant 0 : i32
    %dma_wait3A_42 = tpu.memref_slice %arg8[%dma_wait3A_40, %dma_wait3A_41] : memref<80x128xi32, #tpu.memory_space<vmem>> -> memref<1x128xi32, #tpu.memory_space<vmem>>
    %dma_wait3A_43 = tpu.memref_squeeze %dma_wait3A_42 : memref<1x128xi32, #tpu.memory_space<vmem>> -> memref<128xi32, #tpu.memory_space<vmem>>
    %dma_wait3A_44 = arith.constant 0 : i32
    %dma_wait3A_45 = arith.constant 0 : i32
    %dma_wait3A_46 = tpu.memref_slice %arg13[%dma_wait3A_44, %dma_wait3A_45] : memref<10112x64xbf16, #tpu.memory_space<vmem_shared>> -> memref<10112x64xbf16, #tpu.memory_space<vmem_shared>>
    tpu.wait_indirect_dma semaphore(%arg19 : memref<!tpu.dma_semaphore, #tpu.memory_space<semaphore_mem>>) src(%arg10 : memref<128x64xbf16, #tpu.memory_space<vmem>>) dst(%dma_wait3A_46 : memref<10112x64xbf16, #tpu.memory_space<vmem_shared>>)
    %dma_wait3A_47 = arith.constant 2 : i32
    %dma_wait3A_48 = arith.constant 0 : i32
    %dma_wait3A_49 = tpu.memref_slice %arg8[%dma_wait3A_47, %dma_wait3A_48] : memref<80x128xi32, #tpu.memory_space<vmem>> -> memref<1x128xi32, #tpu.memory_space<vmem>>
    %dma_wait3A_50 = tpu.memref_squeeze %dma_wait3A_49 : memref<1x128xi32, #tpu.memory_space<vmem>> -> memref<128xi32, #tpu.memory_space<vmem>>
    %dma_wait3A_51 = arith.constant 0 : i32
    %dma_wait3A_52 = arith.constant 0 : i32
    %dma_wait3A_53 = tpu.memref_slice %arg13[%dma_wait3A_51, %dma_wait3A_52] : memref<10112x64xbf16, #tpu.memory_space<vmem_shared>> -> memref<10112x64xbf16, #tpu.memory_space<vmem_shared>>
    tpu.wait_indirect_dma semaphore(%arg20 : memref<!tpu.dma_semaphore, #tpu.memory_space<semaphore_mem>>) src(%arg11 : memref<128x64xbf16, #tpu.memory_space<vmem>>) dst(%dma_wait3A_53 : memref<10112x64xbf16, #tpu.memory_space<vmem_shared>>)
    %dma_wait3A_54 = arith.constant 3 : i32
    %dma_wait3A_55 = arith.constant 0 : i32
    %dma_wait3A_56 = tpu.memref_slice %arg8[%dma_wait3A_54, %dma_wait3A_55] : memref<80x128xi32, #tpu.memory_space<vmem>> -> memref<1x128xi32, #tpu.memory_space<vmem>>
    %dma_wait3A_57 = tpu.memref_squeeze %dma_wait3A_56 : memref<1x128xi32, #tpu.memory_space<vmem>> -> memref<128xi32, #tpu.memory_space<vmem>>
    %dma_wait3A_58 = arith.constant 0 : i32
    %dma_wait3A_59 = arith.constant 0 : i32
    %dma_wait3A_60 = tpu.memref_slice %arg13[%dma_wait3A_58, %dma_wait3A_59] : memref<10112x64xbf16, #tpu.memory_space<vmem_shared>> -> memref<10112x64xbf16, #tpu.memory_space<vmem_shared>>
    tpu.wait_indirect_dma semaphore(%arg21 : memref<!tpu.dma_semaphore, #tpu.memory_space<semaphore_mem>>) src(%arg12 : memref<128x64xbf16, #tpu.memory_space<vmem>>) dst(%dma_wait3A_60 : memref<10112x64xbf16, #tpu.memory_space<vmem_shared>>)
    %barrier3A_61 = arith.constant 0 : index
    tpu.barrier barrier_id(%barrier3A_61)
    %mul3A_62 = arith.constant 632 : i32
    %mul3A_63 = arith.muli %arg1, %mul3A_62 : i32
    %mul3A_64 = arith.constant 632 : i32
    %mul3A_65 = arith.muli %arg1, %mul3A_64 : i32
    "tpu.region"() ({
      %run_scoped3A = tpu.sem_alloc : memref<!tpu.dma_semaphore, #tpu.memory_space<semaphore_mem>>
      %dma_start3A_66 = arith.constant 0 : i32
      %dma_start3A_67 = tpu.memref_slice %arg6[%arg0, %mul3A_65, %dma_start3A_66] : memref<2x10112x64xbf16, #tpu.memory_space<hbm>> -> memref<1x632x64xbf16, #tpu.memory_space<hbm>>
      %dma_start3A_68 = tpu.memref_squeeze %dma_start3A_67 : memref<1x632x64xbf16, #tpu.memory_space<hbm>> -> memref<632x64xbf16, #tpu.memory_space<hbm>>
      %dma_start3A_69 = arith.constant 0 : i32
      %dma_start3A_70 = tpu.memref_slice %arg13[%mul3A_63, %dma_start3A_69] : memref<10112x64xbf16, #tpu.memory_space<vmem_shared>> -> memref<632x64xbf16, #tpu.memory_space<vmem_shared>>
      tpu.enqueue_dma source(%dma_start3A_70 : memref<632x64xbf16, #tpu.memory_space<vmem_shared>>) target(%dma_start3A_68 : memref<632x64xbf16, #tpu.memory_space<hbm>>) target_semaphore(%run_scoped3A : memref<!tpu.dma_semaphore, #tpu.memory_space<semaphore_mem>>)
      %dma_wait3A_71 = arith.constant 0 : i32
      %dma_wait3A_72 = tpu.memref_slice %arg6[%arg0, %mul3A_65, %dma_wait3A_71] : memref<2x10112x64xbf16, #tpu.memory_space<hbm>> -> memref<1x632x64xbf16, #tpu.memory_space<hbm>>
      %dma_wait3A_73 = tpu.memref_squeeze %dma_wait3A_72 : memref<1x632x64xbf16, #tpu.memory_space<hbm>> -> memref<632x64xbf16, #tpu.memory_space<hbm>>
      %dma_wait3A_74 = arith.constant 0 : i32
      %dma_wait3A_75 = tpu.memref_slice %arg13[%mul3A_63, %dma_wait3A_74] : memref<10112x64xbf16, #tpu.memory_space<vmem_shared>> -> memref<632x64xbf16, #tpu.memory_space<vmem_shared>>
      tpu.wait_dma2 semaphore(%run_scoped3A : memref<!tpu.dma_semaphore, #tpu.memory_space<semaphore_mem>>) src(%dma_wait3A_75 : memref<632x64xbf16, #tpu.memory_space<vmem_shared>>) dst(%dma_wait3A_73 : memref<632x64xbf16, #tpu.memory_space<hbm>>)
      tpu.yield
    }) : () -> ()
    return
  }
}

#map = affine_map<(d0, d1) -> (0, 0)>
#map1 = affine_map<(d0, d1) -> (0, 0, 0)>
module attributes {stable_mosaic.version = 14 : i64} {
  func.func @k(%arg0: i32, %arg1: i32, %arg2: memref<10000x64xbf16, #tpu.memory_space<hbm>>, %arg3: memref<32x80x128xi32, #tpu.memory_space<hbm>>, %arg4: memref<32x80x128xi32, #tpu.memory_space<hbm>>, %arg5: memref<632x64xbf16, #tpu.memory_space<hbm>>, %arg6: memref<2x10112x64xbf16, #tpu.memory_space<hbm>>, %arg7: memref<80x128xi32, #tpu.memory_space<vmem>>, %arg8: memref<80x128xi32, #tpu.memory_space<vmem>>, %arg9: memref<128x64xbf16, #tpu.memory_space<vmem>>, %arg10: memref<128x64xbf16, #tpu.memory_space<vmem>>, %arg11: memref<128x64xbf16, #tpu.memory_space<vmem>>, %arg12: memref<128x64xbf16, #tpu.memory_space<vmem>>, %arg13: memref<10112x64xbf16, #tpu.memory_space<vmem_shared>>, %arg14: memref<!tpu.dma_semaphore, #tpu.memory_space<semaphore_mem>>, %arg15: memref<!tpu.dma_semaphore, #tpu.memory_space<semaphore_mem>>, %arg16: memref<!tpu.dma_semaphore, #tpu.memory_space<semaphore_mem>>, %arg17: memref<!tpu.dma_semaphore, #tpu.memory_space<semaphore_mem>>, %arg18: memref<!tpu.dma_semaphore, #tpu.memory_space<semaphore_mem>>, %arg19: memref<!tpu.dma_semaphore, #tpu.memory_space<semaphore_mem>>, %arg20: memref<!tpu.dma_semaphore, #tpu.memory_space<semaphore_mem>>, %arg21: memref<!tpu.dma_semaphore, #tpu.memory_space<semaphore_mem>>) attributes {dimension_semantics = [#tpu.dimension_semantics<core_parallel>, #tpu.dimension_semantics<subcore_parallel>], iteration_bounds = array<i64: 2, 16>, scalar_prefetch = 0 : i64, scratch_operands = 15 : i64, tpu.core_type = #tpu.core_type<sc_vector_subcore>, window_params = [{transform_indices = #map}, {transform_indices = #map1}, {transform_indices = #map1}, {transform_indices = #map}, {transform_indices = #map1}]} {
    %mul3A = arith.constant 16 : i32
    %mul3A_0 = arith.muli %arg0, %mul3A : i32
    %add3A = arith.addi %mul3A_0, %arg1 : i32
    %eq3A = arith.constant 0 : i32
    %eq3A_1 = arith.cmpi eq, %arg0, %eq3A : i32
    %jit3A = arith.constant 80 : i32
    %jit3A_2 = arith.constant 80 : i32
    %select_n3A = arith.select %eq3A_1, %jit3A, %jit3A_2 : i32
    "tpu.region"() ({
      %run_scoped3A = tpu.sem_alloc : memref<!tpu.dma_semaphore, #tpu.memory_space<semaphore_mem>>
      %dma_start3A_66 = arith.constant 0 : i32
      %dma_start3A_67 = arith.constant 0 : i32
      %dma_start3A_68 = tpu.memref_slice %arg3[%add3A, %dma_start3A_66, %dma_start3A_67] : memref<32x80x128xi32, #tpu.memory_space<hbm>> -> memref<1x80x128xi32, #tpu.memory_space<hbm>>
      %dma_start3A_69 = tpu.memref_squeeze %dma_start3A_68 : memref<1x80x128xi32, #tpu.memory_space<hbm>> -> memref<80x128xi32, #tpu.memory_space<hbm>>
      %dma_start3A_70 = arith.constant 0 : i32
      %dma_start3A_71 = arith.constant 0 : i32
      %dma_start3A_72 = tpu.memref_slice %arg3[%add3A, %dma_start3A_70, %dma_start3A_71] : memref<32x80x128xi32, #tpu.memory_space<hbm>> -> memref<1x80x128xi32, #tpu.memory_space<hbm>>
      %dma_start3A_73 = tpu.memref_squeeze %dma_start3A_72 : memref<1x80x128xi32, #tpu.memory_space<hbm>> -> memref<80x128xi32, #tpu.memory_space<hbm>>
      tpu.enqueue_dma source(%dma_start3A_73 : memref<80x128xi32, #tpu.memory_space<hbm>>) target(%arg7 : memref<80x128xi32, #tpu.memory_space<vmem>>) target_semaphore(%run_scoped3A : memref<!tpu.dma_semaphore, #tpu.memory_space<semaphore_mem>>)
      %dma_wait3A_74 = arith.constant 0 : i32
      %dma_wait3A_75 = arith.constant 0 : i32
      %dma_wait3A_76 = tpu.memref_slice %arg3[%add3A, %dma_wait3A_74, %dma_wait3A_75] : memref<32x80x128xi32, #tpu.memory_space<hbm>> -> memref<1x80x128xi32, #tpu.memory_space<hbm>>
      %dma_wait3A_77 = tpu.memref_squeeze %dma_wait3A_76 : memref<1x80x128xi32, #tpu.memory_space<hbm>> -> memref<80x128xi32, #tpu.memory_space<hbm>>
      %dma_wait3A_78 = arith.constant 0 : i32
      %dma_wait3A_79 = arith.constant 0 : i32
      %dma_wait3A_80 = tpu.memref_slice %arg3[%add3A, %dma_wait3A_78, %dma_wait3A_79] : memref<32x80x128xi32, #tpu.memory_space<hbm>> -> memref<1x80x128xi32, #tpu.memory_space<hbm>>
      %dma_wait3A_81 = tpu.memref_squeeze %dma_wait3A_80 : memref<1x80x128xi32, #tpu.memory_space<hbm>> -> memref<80x128xi32, #tpu.memory_space<hbm>>
      tpu.wait_dma2 semaphore(%run_scoped3A : memref<!tpu.dma_semaphore, #tpu.memory_space<semaphore_mem>>) src(%dma_wait3A_81 : memref<80x128xi32, #tpu.memory_space<hbm>>) dst(%arg7 : memref<80x128xi32, #tpu.memory_space<vmem>>)
      tpu.yield
    }) : () -> ()
    "tpu.region"() ({
      %run_scoped3A = tpu.sem_alloc : memref<!tpu.dma_semaphore, #tpu.memory_space<semaphore_mem>>
      %dma_start3A_66 = arith.constant 0 : i32
      %dma_start3A_67 = arith.constant 0 : i32
      %dma_start3A_68 = tpu.memref_slice %arg4[%add3A, %dma_start3A_66, %dma_start3A_67] : memref<32x80x128xi32, #tpu.memory_space<hbm>> -> memref<1x80x128xi32, #tpu.memory_space<hbm>>
      %dma_start3A_69 = tpu.memref_squeeze %dma_start3A_68 : memref<1x80x128xi32, #tpu.memory_space<hbm>> -> memref<80x128xi32, #tpu.memory_space<hbm>>
      %dma_start3A_70 = arith.constant 0 : i32
      %dma_start3A_71 = arith.constant 0 : i32
      %dma_start3A_72 = tpu.memref_slice %arg4[%add3A, %dma_start3A_70, %dma_start3A_71] : memref<32x80x128xi32, #tpu.memory_space<hbm>> -> memref<1x80x128xi32, #tpu.memory_space<hbm>>
      %dma_start3A_73 = tpu.memref_squeeze %dma_start3A_72 : memref<1x80x128xi32, #tpu.memory_space<hbm>> -> memref<80x128xi32, #tpu.memory_space<hbm>>
      tpu.enqueue_dma source(%dma_start3A_73 : memref<80x128xi32, #tpu.memory_space<hbm>>) target(%arg8 : memref<80x128xi32, #tpu.memory_space<vmem>>) target_semaphore(%run_scoped3A : memref<!tpu.dma_semaphore, #tpu.memory_space<semaphore_mem>>)
      %dma_wait3A_74 = arith.constant 0 : i32
      %dma_wait3A_75 = arith.constant 0 : i32
      %dma_wait3A_76 = tpu.memref_slice %arg4[%add3A, %dma_wait3A_74, %dma_wait3A_75] : memref<32x80x128xi32, #tpu.memory_space<hbm>> -> memref<1x80x128xi32, #tpu.memory_space<hbm>>
      %dma_wait3A_77 = tpu.memref_squeeze %dma_wait3A_76 : memref<1x80x128xi32, #tpu.memory_space<hbm>> -> memref<80x128xi32, #tpu.memory_space<hbm>>
      %dma_wait3A_78 = arith.constant 0 : i32
      %dma_wait3A_79 = arith.constant 0 : i32
      %dma_wait3A_80 = tpu.memref_slice %arg4[%add3A, %dma_wait3A_78, %dma_wait3A_79] : memref<32x80x128xi32, #tpu.memory_space<hbm>> -> memref<1x80x128xi32, #tpu.memory_space<hbm>>
      %dma_wait3A_81 = tpu.memref_squeeze %dma_wait3A_80 : memref<1x80x128xi32, #tpu.memory_space<hbm>> -> memref<80x128xi32, #tpu.memory_space<hbm>>
      tpu.wait_dma2 semaphore(%run_scoped3A : memref<!tpu.dma_semaphore, #tpu.memory_space<semaphore_mem>>) src(%dma_wait3A_81 : memref<80x128xi32, #tpu.memory_space<hbm>>) dst(%arg8 : memref<80x128xi32, #tpu.memory_space<vmem>>)
      tpu.yield
    }) : () -> ()
    %mul3A_3 = arith.constant 632 : i32
    %mul3A_4 = arith.muli %arg1, %mul3A_3 : i32
    "tpu.region"() ({
      %run_scoped3A = tpu.sem_alloc : memref<!tpu.dma_semaphore, #tpu.memory_space<semaphore_mem>>
      %dma_start3A_66 = arith.constant 0 : i32
      %dma_start3A_67 = tpu.memref_slice %arg13[%mul3A_4, %dma_start3A_66] : memref<10112x64xbf16, #tpu.memory_space<vmem_shared>> -> memref<632x64xbf16, #tpu.memory_space<vmem_shared>>
      tpu.enqueue_dma source(%arg5 : memref<632x64xbf16, #tpu.memory_space<hbm>>) target(%dma_start3A_67 : memref<632x64xbf16, #tpu.memory_space<vmem_shared>>) target_semaphore(%run_scoped3A : memref<!tpu.dma_semaphore, #tpu.memory_space<semaphore_mem>>)
      %dma_wait3A_68 = arith.constant 0 : i32
      %dma_wait3A_69 = tpu.memref_slice %arg13[%mul3A_4, %dma_wait3A_68] : memref<10112x64xbf16, #tpu.memory_space<vmem_shared>> -> memref<632x64xbf16, #tpu.memory_space<vmem_shared>>
      tpu.wait_dma2 semaphore(%run_scoped3A : memref<!tpu.dma_semaphore, #tpu.memory_space<semaphore_mem>>) src(%arg5 : memref<632x64xbf16, #tpu.memory_space<hbm>>) dst(%dma_wait3A_69 : memref<632x64xbf16, #tpu.memory_space<vmem_shared>>)
      tpu.yield
    }) : () -> ()
    %barrier3A = arith.constant 0 : index
    tpu.barrier barrier_id(%barrier3A)
    %dma_start3A = arith.constant 0 : i32
    %dma_start3A_5 = arith.constant 0 : i32
    %dma_start3A_6 = tpu.memref_slice %arg7[%dma_start3A, %dma_start3A_5] : memref<80x128xi32, #tpu.memory_space<vmem>> -> memref<1x128xi32, #tpu.memory_space<vmem>>
    %dma_start3A_7 = tpu.memref_squeeze %dma_start3A_6 : memref<1x128xi32, #tpu.memory_space<vmem>> -> memref<128xi32, #tpu.memory_space<vmem>>
    %dma_start3A_8 = arith.constant 0 : i32
    %dma_start3A_9 = arith.constant 0 : i32
    %dma_start3A_10 = tpu.memref_slice %arg2[%dma_start3A_8, %dma_start3A_9] : memref<10000x64xbf16, #tpu.memory_space<hbm>> -> memref<10000x64xbf16, #tpu.memory_space<hbm>>
    tpu.enqueue_indirect_dma source(%dma_start3A_10 : memref<10000x64xbf16, #tpu.memory_space<hbm>>) target(%arg9 : memref<128x64xbf16, #tpu.memory_space<vmem>>) offsets(%dma_start3A_7 : memref<128xi32, #tpu.memory_space<vmem>>) semaphore(%arg14 : memref<!tpu.dma_semaphore, #tpu.memory_space<semaphore_mem>>)
    %dma_start3A_11 = arith.constant 1 : i32
    %dma_start3A_12 = arith.constant 0 : i32
    %dma_start3A_13 = tpu.memref_slice %arg7[%dma_start3A_11, %dma_start3A_12] : memref<80x128xi32, #tpu.memory_space<vmem>> -> memref<1x128xi32, #tpu.memory_space<vmem>>
    %dma_start3A_14 = tpu.memref_squeeze %dma_start3A_13 : memref<1x128xi32, #tpu.memory_space<vmem>> -> memref<128xi32, #tpu.memory_space<vmem>>
    %dma_start3A_15 = arith.constant 0 : i32
    %dma_start3A_16 = arith.constant 0 : i32
    %dma_start3A_17 = tpu.memref_slice %arg2[%dma_start3A_15, %dma_start3A_16] : memref<10000x64xbf16, #tpu.memory_space<hbm>> -> memref<10000x64xbf16, #tpu.memory_space<hbm>>
    tpu.enqueue_indirect_dma source(%dma_start3A_17 : memref<10000x64xbf16, #tpu.memory_space<hbm>>) target(%arg10 : memref<128x64xbf16, #tpu.memory_space<vmem>>) offsets(%dma_start3A_14 : memref<128xi32, #tpu.memory_space<vmem>>) semaphore(%arg15 : memref<!tpu.dma_semaphore, #tpu.memory_space<semaphore_mem>>)
    %sub3A = arith.constant 0 : i32
    %sub3A_18 = arith.subi %select_n3A, %sub3A : i32
    %sub3A_19 = arith.constant 4 : i32
    %sub3A_20 = arith.constant 1 : i32
    %sub3A_21 = arith.subi %sub3A_19, %sub3A_20 : i32
    %add3A_22 = arith.addi %sub3A_18, %sub3A_21 : i32
    %div3A = arith.constant 4 : i32
    %div3A_23 = arith.divsi %add3A_22, %div3A : i32
    %while3A = arith.constant 4 : i32
    %while3A_24 = arith.constant 0 : i32
    %while3A_25 = arith.constant 0 : i32
    %while3A_26 = arith.subi %div3A_23, %while3A_25 : i32
    %while3A_27 = arith.addi %while3A_25, %while3A_26 : i32
    %while3A_28 = arith.constant 1 : i32
    %while3A_29 = arith.divsi %while3A_26, %while3A_28 : i32
    %while3A_30 = arith.muli %while3A_29, %while3A_28 : i32
    %while3A_31 = arith.addi %while3A_25, %while3A_30 : i32
    %while3A_32 = arith.constant 1 : i32
    scf.for %while3A_66 = %while3A_25 to %while3A_31 step %while3A_32  : i32 {
      %mul3A_67 = arith.muli %while3A_66, %while3A : i32
      %add3A_68 = arith.addi %while3A_24, %mul3A_67 : i32
      %add3A_69 = arith.constant 0 : i32
      %add3A_70 = arith.addi %add3A_68, %add3A_69 : i32
      %dma_wait3A_71 = arith.constant 0 : i32
      %dma_wait3A_72 = tpu.memref_slice %arg7[%add3A_70, %dma_wait3A_71] : memref<80x128xi32, #tpu.memory_space<vmem>> -> memref<1x128xi32, #tpu.memory_space<vmem>>
      %dma_wait3A_73 = tpu.memref_squeeze %dma_wait3A_72 : memref<1x128xi32, #tpu.memory_space<vmem>> -> memref<128xi32, #tpu.memory_space<vmem>>
      %dma_wait3A_74 = arith.constant 0 : i32
      %dma_wait3A_75 = arith.constant 0 : i32
      %dma_wait3A_76 = tpu.memref_slice %arg2[%dma_wait3A_74, %dma_wait3A_75] : memref<10000x64xbf16, #tpu.memory_space<hbm>> -> memref<10000x64xbf16, #tpu.memory_space<hbm>>
      tpu.wait_indirect_dma semaphore(%arg14 : memref<!tpu.dma_semaphore, #tpu.memory_space<semaphore_mem>>) src(%dma_wait3A_76 : memref<10000x64xbf16, #tpu.memory_space<hbm>>) dst(%arg9 : memref<128x64xbf16, #tpu.memory_space<vmem>>)
      %dma_start3A_77 = arith.constant 0 : i32
      %dma_start3A_78 = tpu.memref_slice %arg8[%add3A_70, %dma_start3A_77] : memref<80x128xi32, #tpu.memory_space<vmem>> -> memref<1x128xi32, #tpu.memory_space<vmem>>
      %dma_start3A_79 = tpu.memref_squeeze %dma_start3A_78 : memref<1x128xi32, #tpu.memory_space<vmem>> -> memref<128xi32, #tpu.memory_space<vmem>>
      %dma_start3A_80 = arith.constant 0 : i32
      %dma_start3A_81 = arith.constant 0 : i32
      %dma_start3A_82 = tpu.memref_slice %arg13[%dma_start3A_80, %dma_start3A_81] : memref<10112x64xbf16, #tpu.memory_space<vmem_shared>> -> memref<10112x64xbf16, #tpu.memory_space<vmem_shared>>
      tpu.enqueue_indirect_dma source(%arg9 : memref<128x64xbf16, #tpu.memory_space<vmem>>) target(%dma_start3A_82 : memref<10112x64xbf16, #tpu.memory_space<vmem_shared>>) offsets(%dma_start3A_79 : memref<128xi32, #tpu.memory_space<vmem>>) semaphore(%arg18 : memref<!tpu.dma_semaphore, #tpu.memory_space<semaphore_mem>>) {add = true}
      %add3A_83 = arith.constant 2 : i32
      %add3A_84 = arith.addi %add3A_70, %add3A_83 : i32
      %lt3A = arith.cmpi slt, %add3A_84, %select_n3A : i32
      %convert_element_type3A = arith.extui %lt3A : i1 to i32
      %cond3A = arith.constant 0 : i32
      %cond3A_85 = arith.cmpi ne, %convert_element_type3A, %cond3A : i32
      scf.if %cond3A_85 {
        %sub3A_146 = arith.constant 4 : i32
        %sub3A_147 = arith.subi %add3A_84, %sub3A_146 : i32
        %ge3A = arith.constant 0 : i32
        %ge3A_148 = arith.cmpi sge, %sub3A_147, %ge3A : i32
        %convert_element_type3A_149 = arith.extui %ge3A_148 : i1 to i32
        %cond3A_150 = arith.constant 0 : i32
        %cond3A_151 = arith.cmpi ne, %convert_element_type3A_149, %cond3A_150 : i32
        scf.if %cond3A_151 {
          %dma_wait3A_158 = arith.constant 2 : i32
          %dma_wait3A_159 = arith.constant 0 : i32
          %dma_wait3A_160 = tpu.memref_slice %arg8[%dma_wait3A_158, %dma_wait3A_159] : memref<80x128xi32, #tpu.memory_space<vmem>> -> memref<1x128xi32, #tpu.memory_space<vmem>>
          %dma_wait3A_161 = tpu.memref_squeeze %dma_wait3A_160 : memref<1x128xi32, #tpu.memory_space<vmem>> -> memref<128xi32, #tpu.memory_space<vmem>>
          %dma_wait3A_162 = arith.constant 0 : i32
          %dma_wait3A_163 = arith.constant 0 : i32
          %dma_wait3A_164 = tpu.memref_slice %arg13[%dma_wait3A_162, %dma_wait3A_163] : memref<10112x64xbf16, #tpu.memory_space<vmem_shared>> -> memref<10112x64xbf16, #tpu.memory_space<vmem_shared>>
          tpu.wait_indirect_dma semaphore(%arg20 : memref<!tpu.dma_semaphore, #tpu.memory_space<semaphore_mem>>) src(%arg11 : memref<128x64xbf16, #tpu.memory_space<vmem>>) dst(%dma_wait3A_164 : memref<10112x64xbf16, #tpu.memory_space<vmem_shared>>)
        } else {
        }
        %dma_start3A_152 = arith.constant 0 : i32
        %dma_start3A_153 = tpu.memref_slice %arg7[%add3A_84, %dma_start3A_152] : memref<80x128xi32, #tpu.memory_space<vmem>> -> memref<1x128xi32, #tpu.memory_space<vmem>>
        %dma_start3A_154 = tpu.memref_squeeze %dma_start3A_153 : memref<1x128xi32, #tpu.memory_space<vmem>> -> memref<128xi32, #tpu.memory_space<vmem>>
        %dma_start3A_155 = arith.constant 0 : i32
        %dma_start3A_156 = arith.constant 0 : i32
        %dma_start3A_157 = tpu.memref_slice %arg2[%dma_start3A_155, %dma_start3A_156] : memref<10000x64xbf16, #tpu.memory_space<hbm>> -> memref<10000x64xbf16, #tpu.memory_space<hbm>>
        tpu.enqueue_indirect_dma source(%dma_start3A_157 : memref<10000x64xbf16, #tpu.memory_space<hbm>>) target(%arg11 : memref<128x64xbf16, #tpu.memory_space<vmem>>) offsets(%dma_start3A_154 : memref<128xi32, #tpu.memory_space<vmem>>) semaphore(%arg16 : memref<!tpu.dma_semaphore, #tpu.memory_space<semaphore_mem>>)
      } else {
      }
      %add3A_86 = arith.constant 1 : i32
      %add3A_87 = arith.addi %add3A_68, %add3A_86 : i32
      %dma_wait3A_88 = arith.constant 0 : i32
      %dma_wait3A_89 = tpu.memref_slice %arg7[%add3A_87, %dma_wait3A_88] : memref<80x128xi32, #tpu.memory_space<vmem>> -> memref<1x128xi32, #tpu.memory_space<vmem>>
      %dma_wait3A_90 = tpu.memref_squeeze %dma_wait3A_89 : memref<1x128xi32, #tpu.memory_space<vmem>> -> memref<128xi32, #tpu.memory_space<vmem>>
      %dma_wait3A_91 = arith.constant 0 : i32
      %dma_wait3A_92 = arith.constant 0 : i32
      %dma_wait3A_93 = tpu.memref_slice %arg2[%dma_wait3A_91, %dma_wait3A_92] : memref<10000x64xbf16, #tpu.memory_space<hbm>> -> memref<10000x64xbf16, #tpu.memory_space<hbm>>
      tpu.wait_indirect_dma semaphore(%arg15 : memref<!tpu.dma_semaphore, #tpu.memory_space<semaphore_mem>>) src(%dma_wait3A_93 : memref<10000x64xbf16, #tpu.memory_space<hbm>>) dst(%arg10 : memref<128x64xbf16, #tpu.memory_space<vmem>>)
      %dma_start3A_94 = arith.constant 0 : i32
      %dma_start3A_95 = tpu.memref_slice %arg8[%add3A_87, %dma_start3A_94] : memref<80x128xi32, #tpu.memory_space<vmem>> -> memref<1x128xi32, #tpu.memory_space<vmem>>
      %dma_start3A_96 = tpu.memref_squeeze %dma_start3A_95 : memref<1x128xi32, #tpu.memory_space<vmem>> -> memref<128xi32, #tpu.memory_space<vmem>>
      %dma_start3A_97 = arith.constant 0 : i32
      %dma_start3A_98 = arith.constant 0 : i32
      %dma_start3A_99 = tpu.memref_slice %arg13[%dma_start3A_97, %dma_start3A_98] : memref<10112x64xbf16, #tpu.memory_space<vmem_shared>> -> memref<10112x64xbf16, #tpu.memory_space<vmem_shared>>
      tpu.enqueue_indirect_dma source(%arg10 : memref<128x64xbf16, #tpu.memory_space<vmem>>) target(%dma_start3A_99 : memref<10112x64xbf16, #tpu.memory_space<vmem_shared>>) offsets(%dma_start3A_96 : memref<128xi32, #tpu.memory_space<vmem>>) semaphore(%arg19 : memref<!tpu.dma_semaphore, #tpu.memory_space<semaphore_mem>>) {add = true}
      %add3A_100 = arith.constant 2 : i32
      %add3A_101 = arith.addi %add3A_87, %add3A_100 : i32
      %lt3A_102 = arith.cmpi slt, %add3A_101, %select_n3A : i32
      %convert_element_type3A_103 = arith.extui %lt3A_102 : i1 to i32
      %cond3A_104 = arith.constant 0 : i32
      %cond3A_105 = arith.cmpi ne, %convert_element_type3A_103, %cond3A_104 : i32
      scf.if %cond3A_105 {
        %sub3A_146 = arith.constant 4 : i32
        %sub3A_147 = arith.subi %add3A_101, %sub3A_146 : i32
        %ge3A = arith.constant 0 : i32
        %ge3A_148 = arith.cmpi sge, %sub3A_147, %ge3A : i32
        %convert_element_type3A_149 = arith.extui %ge3A_148 : i1 to i32
        %cond3A_150 = arith.constant 0 : i32
        %cond3A_151 = arith.cmpi ne, %convert_element_type3A_149, %cond3A_150 : i32
        scf.if %cond3A_151 {
          %dma_wait3A_158 = arith.constant 3 : i32
          %dma_wait3A_159 = arith.constant 0 : i32
          %dma_wait3A_160 = tpu.memref_slice %arg8[%dma_wait3A_158, %dma_wait3A_159] : memref<80x128xi32, #tpu.memory_space<vmem>> -> memref<1x128xi32, #tpu.memory_space<vmem>>
          %dma_wait3A_161 = tpu.memref_squeeze %dma_wait3A_160 : memref<1x128xi32, #tpu.memory_space<vmem>> -> memref<128xi32, #tpu.memory_space<vmem>>
          %dma_wait3A_162 = arith.constant 0 : i32
          %dma_wait3A_163 = arith.constant 0 : i32
          %dma_wait3A_164 = tpu.memref_slice %arg13[%dma_wait3A_162, %dma_wait3A_163] : memref<10112x64xbf16, #tpu.memory_space<vmem_shared>> -> memref<10112x64xbf16, #tpu.memory_space<vmem_shared>>
          tpu.wait_indirect_dma semaphore(%arg21 : memref<!tpu.dma_semaphore, #tpu.memory_space<semaphore_mem>>) src(%arg12 : memref<128x64xbf16, #tpu.memory_space<vmem>>) dst(%dma_wait3A_164 : memref<10112x64xbf16, #tpu.memory_space<vmem_shared>>)
        } else {
        }
        %dma_start3A_152 = arith.constant 0 : i32
        %dma_start3A_153 = tpu.memref_slice %arg7[%add3A_101, %dma_start3A_152] : memref<80x128xi32, #tpu.memory_space<vmem>> -> memref<1x128xi32, #tpu.memory_space<vmem>>
        %dma_start3A_154 = tpu.memref_squeeze %dma_start3A_153 : memref<1x128xi32, #tpu.memory_space<vmem>> -> memref<128xi32, #tpu.memory_space<vmem>>
        %dma_start3A_155 = arith.constant 0 : i32
        %dma_start3A_156 = arith.constant 0 : i32
        %dma_start3A_157 = tpu.memref_slice %arg2[%dma_start3A_155, %dma_start3A_156] : memref<10000x64xbf16, #tpu.memory_space<hbm>> -> memref<10000x64xbf16, #tpu.memory_space<hbm>>
        tpu.enqueue_indirect_dma source(%dma_start3A_157 : memref<10000x64xbf16, #tpu.memory_space<hbm>>) target(%arg12 : memref<128x64xbf16, #tpu.memory_space<vmem>>) offsets(%dma_start3A_154 : memref<128xi32, #tpu.memory_space<vmem>>) semaphore(%arg17 : memref<!tpu.dma_semaphore, #tpu.memory_space<semaphore_mem>>)
      } else {
      }
      %add3A_106 = arith.constant 2 : i32
      %add3A_107 = arith.addi %add3A_68, %add3A_106 : i32
      %dma_wait3A_108 = arith.constant 0 : i32
      %dma_wait3A_109 = tpu.memref_slice %arg7[%add3A_107, %dma_wait3A_108] : memref<80x128xi32, #tpu.memory_space<vmem>> -> memref<1x128xi32, #tpu.memory_space<vmem>>
      %dma_wait3A_110 = tpu.memref_squeeze %dma_wait3A_109 : memref<1x128xi32, #tpu.memory_space<vmem>> -> memref<128xi32, #tpu.memory_space<vmem>>
      %dma_wait3A_111 = arith.constant 0 : i32
      %dma_wait3A_112 = arith.constant 0 : i32
      %dma_wait3A_113 = tpu.memref_slice %arg2[%dma_wait3A_111, %dma_wait3A_112] : memref<10000x64xbf16, #tpu.memory_space<hbm>> -> memref<10000x64xbf16, #tpu.memory_space<hbm>>
      tpu.wait_indirect_dma semaphore(%arg16 : memref<!tpu.dma_semaphore, #tpu.memory_space<semaphore_mem>>) src(%dma_wait3A_113 : memref<10000x64xbf16, #tpu.memory_space<hbm>>) dst(%arg11 : memref<128x64xbf16, #tpu.memory_space<vmem>>)
      %dma_start3A_114 = arith.constant 0 : i32
      %dma_start3A_115 = tpu.memref_slice %arg8[%add3A_107, %dma_start3A_114] : memref<80x128xi32, #tpu.memory_space<vmem>> -> memref<1x128xi32, #tpu.memory_space<vmem>>
      %dma_start3A_116 = tpu.memref_squeeze %dma_start3A_115 : memref<1x128xi32, #tpu.memory_space<vmem>> -> memref<128xi32, #tpu.memory_space<vmem>>
      %dma_start3A_117 = arith.constant 0 : i32
      %dma_start3A_118 = arith.constant 0 : i32
      %dma_start3A_119 = tpu.memref_slice %arg13[%dma_start3A_117, %dma_start3A_118] : memref<10112x64xbf16, #tpu.memory_space<vmem_shared>> -> memref<10112x64xbf16, #tpu.memory_space<vmem_shared>>
      tpu.enqueue_indirect_dma source(%arg11 : memref<128x64xbf16, #tpu.memory_space<vmem>>) target(%dma_start3A_119 : memref<10112x64xbf16, #tpu.memory_space<vmem_shared>>) offsets(%dma_start3A_116 : memref<128xi32, #tpu.memory_space<vmem>>) semaphore(%arg20 : memref<!tpu.dma_semaphore, #tpu.memory_space<semaphore_mem>>) {add = true}
      %add3A_120 = arith.constant 2 : i32
      %add3A_121 = arith.addi %add3A_107, %add3A_120 : i32
      %lt3A_122 = arith.cmpi slt, %add3A_121, %select_n3A : i32
      %convert_element_type3A_123 = arith.extui %lt3A_122 : i1 to i32
      %cond3A_124 = arith.constant 0 : i32
      %cond3A_125 = arith.cmpi ne, %convert_element_type3A_123, %cond3A_124 : i32
      scf.if %cond3A_125 {
        %sub3A_146 = arith.constant 4 : i32
        %sub3A_147 = arith.subi %add3A_121, %sub3A_146 : i32
        %ge3A = arith.constant 0 : i32
        %ge3A_148 = arith.cmpi sge, %sub3A_147, %ge3A : i32
        %convert_element_type3A_149 = arith.extui %ge3A_148 : i1 to i32
        %cond3A_150 = arith.constant 0 : i32
        %cond3A_151 = arith.cmpi ne, %convert_element_type3A_149, %cond3A_150 : i32
        scf.if %cond3A_151 {
          %dma_wait3A_158 = arith.constant 0 : i32
          %dma_wait3A_159 = arith.constant 0 : i32
          %dma_wait3A_160 = tpu.memref_slice %arg8[%dma_wait3A_158, %dma_wait3A_159] : memref<80x128xi32, #tpu.memory_space<vmem>> -> memref<1x128xi32, #tpu.memory_space<vmem>>
          %dma_wait3A_161 = tpu.memref_squeeze %dma_wait3A_160 : memref<1x128xi32, #tpu.memory_space<vmem>> -> memref<128xi32, #tpu.memory_space<vmem>>
          %dma_wait3A_162 = arith.constant 0 : i32
          %dma_wait3A_163 = arith.constant 0 : i32
          %dma_wait3A_164 = tpu.memref_slice %arg13[%dma_wait3A_162, %dma_wait3A_163] : memref<10112x64xbf16, #tpu.memory_space<vmem_shared>> -> memref<10112x64xbf16, #tpu.memory_space<vmem_shared>>
          tpu.wait_indirect_dma semaphore(%arg18 : memref<!tpu.dma_semaphore, #tpu.memory_space<semaphore_mem>>) src(%arg9 : memref<128x64xbf16, #tpu.memory_space<vmem>>) dst(%dma_wait3A_164 : memref<10112x64xbf16, #tpu.memory_space<vmem_shared>>)
        } else {
        }
        %dma_start3A_152 = arith.constant 0 : i32
        %dma_start3A_153 = tpu.memref_slice %arg7[%add3A_121, %dma_start3A_152] : memref<80x128xi32, #tpu.memory_space<vmem>> -> memref<1x128xi32, #tpu.memory_space<vmem>>
        %dma_start3A_154 = tpu.memref_squeeze %dma_start3A_153 : memref<1x128xi32, #tpu.memory_space<vmem>> -> memref<128xi32, #tpu.memory_space<vmem>>
        %dma_start3A_155 = arith.constant 0 : i32
        %dma_start3A_156 = arith.constant 0 : i32
        %dma_start3A_157 = tpu.memref_slice %arg2[%dma_start3A_155, %dma_start3A_156] : memref<10000x64xbf16, #tpu.memory_space<hbm>> -> memref<10000x64xbf16, #tpu.memory_space<hbm>>
        tpu.enqueue_indirect_dma source(%dma_start3A_157 : memref<10000x64xbf16, #tpu.memory_space<hbm>>) target(%arg9 : memref<128x64xbf16, #tpu.memory_space<vmem>>) offsets(%dma_start3A_154 : memref<128xi32, #tpu.memory_space<vmem>>) semaphore(%arg14 : memref<!tpu.dma_semaphore, #tpu.memory_space<semaphore_mem>>)
      } else {
      }
      %add3A_126 = arith.constant 3 : i32
      %add3A_127 = arith.addi %add3A_68, %add3A_126 : i32
      %dma_wait3A_128 = arith.constant 0 : i32
      %dma_wait3A_129 = tpu.memref_slice %arg7[%add3A_127, %dma_wait3A_128] : memref<80x128xi32, #tpu.memory_space<vmem>> -> memref<1x128xi32, #tpu.memory_space<vmem>>
      %dma_wait3A_130 = tpu.memref_squeeze %dma_wait3A_129 : memref<1x128xi32, #tpu.memory_space<vmem>> -> memref<128xi32, #tpu.memory_space<vmem>>
      %dma_wait3A_131 = arith.constant 0 : i32
      %dma_wait3A_132 = arith.constant 0 : i32
      %dma_wait3A_133 = tpu.memref_slice %arg2[%dma_wait3A_131, %dma_wait3A_132] : memref<10000x64xbf16, #tpu.memory_space<hbm>> -> memref<10000x64xbf16, #tpu.memory_space<hbm>>
      tpu.wait_indirect_dma semaphore(%arg17 : memref<!tpu.dma_semaphore, #tpu.memory_space<semaphore_mem>>) src(%dma_wait3A_133 : memref<10000x64xbf16, #tpu.memory_space<hbm>>) dst(%arg12 : memref<128x64xbf16, #tpu.memory_space<vmem>>)
      %dma_start3A_134 = arith.constant 0 : i32
      %dma_start3A_135 = tpu.memref_slice %arg8[%add3A_127, %dma_start3A_134] : memref<80x128xi32, #tpu.memory_space<vmem>> -> memref<1x128xi32, #tpu.memory_space<vmem>>
      %dma_start3A_136 = tpu.memref_squeeze %dma_start3A_135 : memref<1x128xi32, #tpu.memory_space<vmem>> -> memref<128xi32, #tpu.memory_space<vmem>>
      %dma_start3A_137 = arith.constant 0 : i32
      %dma_start3A_138 = arith.constant 0 : i32
      %dma_start3A_139 = tpu.memref_slice %arg13[%dma_start3A_137, %dma_start3A_138] : memref<10112x64xbf16, #tpu.memory_space<vmem_shared>> -> memref<10112x64xbf16, #tpu.memory_space<vmem_shared>>
      tpu.enqueue_indirect_dma source(%arg12 : memref<128x64xbf16, #tpu.memory_space<vmem>>) target(%dma_start3A_139 : memref<10112x64xbf16, #tpu.memory_space<vmem_shared>>) offsets(%dma_start3A_136 : memref<128xi32, #tpu.memory_space<vmem>>) semaphore(%arg21 : memref<!tpu.dma_semaphore, #tpu.memory_space<semaphore_mem>>) {add = true}
      %add3A_140 = arith.constant 2 : i32
      %add3A_141 = arith.addi %add3A_127, %add3A_140 : i32
      %lt3A_142 = arith.cmpi slt, %add3A_141, %select_n3A : i32
      %convert_element_type3A_143 = arith.extui %lt3A_142 : i1 to i32
      %cond3A_144 = arith.constant 0 : i32
      %cond3A_145 = arith.cmpi ne, %convert_element_type3A_143, %cond3A_144 : i32
      scf.if %cond3A_145 {
        %sub3A_146 = arith.constant 4 : i32
        %sub3A_147 = arith.subi %add3A_141, %sub3A_146 : i32
        %ge3A = arith.constant 0 : i32
        %ge3A_148 = arith.cmpi sge, %sub3A_147, %ge3A : i32
        %convert_element_type3A_149 = arith.extui %ge3A_148 : i1 to i32
        %cond3A_150 = arith.constant 0 : i32
        %cond3A_151 = arith.cmpi ne, %convert_element_type3A_149, %cond3A_150 : i32
        scf.if %cond3A_151 {
          %dma_wait3A_158 = arith.constant 1 : i32
          %dma_wait3A_159 = arith.constant 0 : i32
          %dma_wait3A_160 = tpu.memref_slice %arg8[%dma_wait3A_158, %dma_wait3A_159] : memref<80x128xi32, #tpu.memory_space<vmem>> -> memref<1x128xi32, #tpu.memory_space<vmem>>
          %dma_wait3A_161 = tpu.memref_squeeze %dma_wait3A_160 : memref<1x128xi32, #tpu.memory_space<vmem>> -> memref<128xi32, #tpu.memory_space<vmem>>
          %dma_wait3A_162 = arith.constant 0 : i32
          %dma_wait3A_163 = arith.constant 0 : i32
          %dma_wait3A_164 = tpu.memref_slice %arg13[%dma_wait3A_162, %dma_wait3A_163] : memref<10112x64xbf16, #tpu.memory_space<vmem_shared>> -> memref<10112x64xbf16, #tpu.memory_space<vmem_shared>>
          tpu.wait_indirect_dma semaphore(%arg19 : memref<!tpu.dma_semaphore, #tpu.memory_space<semaphore_mem>>) src(%arg10 : memref<128x64xbf16, #tpu.memory_space<vmem>>) dst(%dma_wait3A_164 : memref<10112x64xbf16, #tpu.memory_space<vmem_shared>>)
        } else {
        }
        %dma_start3A_152 = arith.constant 0 : i32
        %dma_start3A_153 = tpu.memref_slice %arg7[%add3A_141, %dma_start3A_152] : memref<80x128xi32, #tpu.memory_space<vmem>> -> memref<1x128xi32, #tpu.memory_space<vmem>>
        %dma_start3A_154 = tpu.memref_squeeze %dma_start3A_153 : memref<1x128xi32, #tpu.memory_space<vmem>> -> memref<128xi32, #tpu.memory_space<vmem>>
        %dma_start3A_155 = arith.constant 0 : i32
        %dma_start3A_156 = arith.constant 0 : i32
        %dma_start3A_157 = tpu.memref_slice %arg2[%dma_start3A_155, %dma_start3A_156] : memref<10000x64xbf16, #tpu.memory_space<hbm>> -> memref<10000x64xbf16, #tpu.memory_space<hbm>>
        tpu.enqueue_indirect_dma source(%dma_start3A_157 : memref<10000x64xbf16, #tpu.memory_space<hbm>>) target(%arg10 : memref<128x64xbf16, #tpu.memory_space<vmem>>) offsets(%dma_start3A_154 : memref<128xi32, #tpu.memory_space<vmem>>) semaphore(%arg15 : memref<!tpu.dma_semaphore, #tpu.memory_space<semaphore_mem>>)
      } else {
      }
    }
    %while3A_33 = arith.constant 1 : i32
    scf.for %while3A_66 = %while3A_31 to %while3A_27 step %while3A_33  : i32 {
      %mul3A_67 = arith.muli %while3A_66, %while3A : i32
      %add3A_68 = arith.addi %while3A_24, %mul3A_67 : i32
      %add3A_69 = arith.constant 0 : i32
      %add3A_70 = arith.addi %add3A_68, %add3A_69 : i32
      %dma_wait3A_71 = arith.constant 0 : i32
      %dma_wait3A_72 = tpu.memref_slice %arg7[%add3A_70, %dma_wait3A_71] : memref<80x128xi32, #tpu.memory_space<vmem>> -> memref<1x128xi32, #tpu.memory_space<vmem>>
      %dma_wait3A_73 = tpu.memref_squeeze %dma_wait3A_72 : memref<1x128xi32, #tpu.memory_space<vmem>> -> memref<128xi32, #tpu.memory_space<vmem>>
      %dma_wait3A_74 = arith.constant 0 : i32
      %dma_wait3A_75 = arith.constant 0 : i32
      %dma_wait3A_76 = tpu.memref_slice %arg2[%dma_wait3A_74, %dma_wait3A_75] : memref<10000x64xbf16, #tpu.memory_space<hbm>> -> memref<10000x64xbf16, #tpu.memory_space<hbm>>
      tpu.wait_indirect_dma semaphore(%arg14 : memref<!tpu.dma_semaphore, #tpu.memory_space<semaphore_mem>>) src(%dma_wait3A_76 : memref<10000x64xbf16, #tpu.memory_space<hbm>>) dst(%arg9 : memref<128x64xbf16, #tpu.memory_space<vmem>>)
      %dma_start3A_77 = arith.constant 0 : i32
      %dma_start3A_78 = tpu.memref_slice %arg8[%add3A_70, %dma_start3A_77] : memref<80x128xi32, #tpu.memory_space<vmem>> -> memref<1x128xi32, #tpu.memory_space<vmem>>
      %dma_start3A_79 = tpu.memref_squeeze %dma_start3A_78 : memref<1x128xi32, #tpu.memory_space<vmem>> -> memref<128xi32, #tpu.memory_space<vmem>>
      %dma_start3A_80 = arith.constant 0 : i32
      %dma_start3A_81 = arith.constant 0 : i32
      %dma_start3A_82 = tpu.memref_slice %arg13[%dma_start3A_80, %dma_start3A_81] : memref<10112x64xbf16, #tpu.memory_space<vmem_shared>> -> memref<10112x64xbf16, #tpu.memory_space<vmem_shared>>
      tpu.enqueue_indirect_dma source(%arg9 : memref<128x64xbf16, #tpu.memory_space<vmem>>) target(%dma_start3A_82 : memref<10112x64xbf16, #tpu.memory_space<vmem_shared>>) offsets(%dma_start3A_79 : memref<128xi32, #tpu.memory_space<vmem>>) semaphore(%arg18 : memref<!tpu.dma_semaphore, #tpu.memory_space<semaphore_mem>>) {add = true}
      %add3A_83 = arith.constant 2 : i32
      %add3A_84 = arith.addi %add3A_70, %add3A_83 : i32
      %lt3A = arith.cmpi slt, %add3A_84, %select_n3A : i32
      %convert_element_type3A = arith.extui %lt3A : i1 to i32
      %cond3A = arith.constant 0 : i32
      %cond3A_85 = arith.cmpi ne, %convert_element_type3A, %cond3A : i32
      scf.if %cond3A_85 {
        %sub3A_146 = arith.constant 4 : i32
        %sub3A_147 = arith.subi %add3A_84, %sub3A_146 : i32
        %ge3A = arith.constant 0 : i32
        %ge3A_148 = arith.cmpi sge, %sub3A_147, %ge3A : i32
        %convert_element_type3A_149 = arith.extui %ge3A_148 : i1 to i32
        %cond3A_150 = arith.constant 0 : i32
        %cond3A_151 = arith.cmpi ne, %convert_element_type3A_149, %cond3A_150 : i32
        scf.if %cond3A_151 {
          %dma_wait3A_158 = arith.constant 2 : i32
          %dma_wait3A_159 = arith.constant 0 : i32
          %dma_wait3A_160 = tpu.memref_slice %arg8[%dma_wait3A_158, %dma_wait3A_159] : memref<80x128xi32, #tpu.memory_space<vmem>> -> memref<1x128xi32, #tpu.memory_space<vmem>>
          %dma_wait3A_161 = tpu.memref_squeeze %dma_wait3A_160 : memref<1x128xi32, #tpu.memory_space<vmem>> -> memref<128xi32, #tpu.memory_space<vmem>>
          %dma_wait3A_162 = arith.constant 0 : i32
          %dma_wait3A_163 = arith.constant 0 : i32
          %dma_wait3A_164 = tpu.memref_slice %arg13[%dma_wait3A_162, %dma_wait3A_163] : memref<10112x64xbf16, #tpu.memory_space<vmem_shared>> -> memref<10112x64xbf16, #tpu.memory_space<vmem_shared>>
          tpu.wait_indirect_dma semaphore(%arg20 : memref<!tpu.dma_semaphore, #tpu.memory_space<semaphore_mem>>) src(%arg11 : memref<128x64xbf16, #tpu.memory_space<vmem>>) dst(%dma_wait3A_164 : memref<10112x64xbf16, #tpu.memory_space<vmem_shared>>)
        } else {
        }
        %dma_start3A_152 = arith.constant 0 : i32
        %dma_start3A_153 = tpu.memref_slice %arg7[%add3A_84, %dma_start3A_152] : memref<80x128xi32, #tpu.memory_space<vmem>> -> memref<1x128xi32, #tpu.memory_space<vmem>>
        %dma_start3A_154 = tpu.memref_squeeze %dma_start3A_153 : memref<1x128xi32, #tpu.memory_space<vmem>> -> memref<128xi32, #tpu.memory_space<vmem>>
        %dma_start3A_155 = arith.constant 0 : i32
        %dma_start3A_156 = arith.constant 0 : i32
        %dma_start3A_157 = tpu.memref_slice %arg2[%dma_start3A_155, %dma_start3A_156] : memref<10000x64xbf16, #tpu.memory_space<hbm>> -> memref<10000x64xbf16, #tpu.memory_space<hbm>>
        tpu.enqueue_indirect_dma source(%dma_start3A_157 : memref<10000x64xbf16, #tpu.memory_space<hbm>>) target(%arg11 : memref<128x64xbf16, #tpu.memory_space<vmem>>) offsets(%dma_start3A_154 : memref<128xi32, #tpu.memory_space<vmem>>) semaphore(%arg16 : memref<!tpu.dma_semaphore, #tpu.memory_space<semaphore_mem>>)
      } else {
      }
      %add3A_86 = arith.constant 1 : i32
      %add3A_87 = arith.addi %add3A_68, %add3A_86 : i32
      %dma_wait3A_88 = arith.constant 0 : i32
      %dma_wait3A_89 = tpu.memref_slice %arg7[%add3A_87, %dma_wait3A_88] : memref<80x128xi32, #tpu.memory_space<vmem>> -> memref<1x128xi32, #tpu.memory_space<vmem>>
      %dma_wait3A_90 = tpu.memref_squeeze %dma_wait3A_89 : memref<1x128xi32, #tpu.memory_space<vmem>> -> memref<128xi32, #tpu.memory_space<vmem>>
      %dma_wait3A_91 = arith.constant 0 : i32
      %dma_wait3A_92 = arith.constant 0 : i32
      %dma_wait3A_93 = tpu.memref_slice %arg2[%dma_wait3A_91, %dma_wait3A_92] : memref<10000x64xbf16, #tpu.memory_space<hbm>> -> memref<10000x64xbf16, #tpu.memory_space<hbm>>
      tpu.wait_indirect_dma semaphore(%arg15 : memref<!tpu.dma_semaphore, #tpu.memory_space<semaphore_mem>>) src(%dma_wait3A_93 : memref<10000x64xbf16, #tpu.memory_space<hbm>>) dst(%arg10 : memref<128x64xbf16, #tpu.memory_space<vmem>>)
      %dma_start3A_94 = arith.constant 0 : i32
      %dma_start3A_95 = tpu.memref_slice %arg8[%add3A_87, %dma_start3A_94] : memref<80x128xi32, #tpu.memory_space<vmem>> -> memref<1x128xi32, #tpu.memory_space<vmem>>
      %dma_start3A_96 = tpu.memref_squeeze %dma_start3A_95 : memref<1x128xi32, #tpu.memory_space<vmem>> -> memref<128xi32, #tpu.memory_space<vmem>>
      %dma_start3A_97 = arith.constant 0 : i32
      %dma_start3A_98 = arith.constant 0 : i32
      %dma_start3A_99 = tpu.memref_slice %arg13[%dma_start3A_97, %dma_start3A_98] : memref<10112x64xbf16, #tpu.memory_space<vmem_shared>> -> memref<10112x64xbf16, #tpu.memory_space<vmem_shared>>
      tpu.enqueue_indirect_dma source(%arg10 : memref<128x64xbf16, #tpu.memory_space<vmem>>) target(%dma_start3A_99 : memref<10112x64xbf16, #tpu.memory_space<vmem_shared>>) offsets(%dma_start3A_96 : memref<128xi32, #tpu.memory_space<vmem>>) semaphore(%arg19 : memref<!tpu.dma_semaphore, #tpu.memory_space<semaphore_mem>>) {add = true}
      %add3A_100 = arith.constant 2 : i32
      %add3A_101 = arith.addi %add3A_87, %add3A_100 : i32
      %lt3A_102 = arith.cmpi slt, %add3A_101, %select_n3A : i32
      %convert_element_type3A_103 = arith.extui %lt3A_102 : i1 to i32
      %cond3A_104 = arith.constant 0 : i32
      %cond3A_105 = arith.cmpi ne, %convert_element_type3A_103, %cond3A_104 : i32
      scf.if %cond3A_105 {
        %sub3A_146 = arith.constant 4 : i32
        %sub3A_147 = arith.subi %add3A_101, %sub3A_146 : i32
        %ge3A = arith.constant 0 : i32
        %ge3A_148 = arith.cmpi sge, %sub3A_147, %ge3A : i32
        %convert_element_type3A_149 = arith.extui %ge3A_148 : i1 to i32
        %cond3A_150 = arith.constant 0 : i32
        %cond3A_151 = arith.cmpi ne, %convert_element_type3A_149, %cond3A_150 : i32
        scf.if %cond3A_151 {
          %dma_wait3A_158 = arith.constant 3 : i32
          %dma_wait3A_159 = arith.constant 0 : i32
          %dma_wait3A_160 = tpu.memref_slice %arg8[%dma_wait3A_158, %dma_wait3A_159] : memref<80x128xi32, #tpu.memory_space<vmem>> -> memref<1x128xi32, #tpu.memory_space<vmem>>
          %dma_wait3A_161 = tpu.memref_squeeze %dma_wait3A_160 : memref<1x128xi32, #tpu.memory_space<vmem>> -> memref<128xi32, #tpu.memory_space<vmem>>
          %dma_wait3A_162 = arith.constant 0 : i32
          %dma_wait3A_163 = arith.constant 0 : i32
          %dma_wait3A_164 = tpu.memref_slice %arg13[%dma_wait3A_162, %dma_wait3A_163] : memref<10112x64xbf16, #tpu.memory_space<vmem_shared>> -> memref<10112x64xbf16, #tpu.memory_space<vmem_shared>>
          tpu.wait_indirect_dma semaphore(%arg21 : memref<!tpu.dma_semaphore, #tpu.memory_space<semaphore_mem>>) src(%arg12 : memref<128x64xbf16, #tpu.memory_space<vmem>>) dst(%dma_wait3A_164 : memref<10112x64xbf16, #tpu.memory_space<vmem_shared>>)
        } else {
        }
        %dma_start3A_152 = arith.constant 0 : i32
        %dma_start3A_153 = tpu.memref_slice %arg7[%add3A_101, %dma_start3A_152] : memref<80x128xi32, #tpu.memory_space<vmem>> -> memref<1x128xi32, #tpu.memory_space<vmem>>
        %dma_start3A_154 = tpu.memref_squeeze %dma_start3A_153 : memref<1x128xi32, #tpu.memory_space<vmem>> -> memref<128xi32, #tpu.memory_space<vmem>>
        %dma_start3A_155 = arith.constant 0 : i32
        %dma_start3A_156 = arith.constant 0 : i32
        %dma_start3A_157 = tpu.memref_slice %arg2[%dma_start3A_155, %dma_start3A_156] : memref<10000x64xbf16, #tpu.memory_space<hbm>> -> memref<10000x64xbf16, #tpu.memory_space<hbm>>
        tpu.enqueue_indirect_dma source(%dma_start3A_157 : memref<10000x64xbf16, #tpu.memory_space<hbm>>) target(%arg12 : memref<128x64xbf16, #tpu.memory_space<vmem>>) offsets(%dma_start3A_154 : memref<128xi32, #tpu.memory_space<vmem>>) semaphore(%arg17 : memref<!tpu.dma_semaphore, #tpu.memory_space<semaphore_mem>>)
      } else {
      }
      %add3A_106 = arith.constant 2 : i32
      %add3A_107 = arith.addi %add3A_68, %add3A_106 : i32
      %dma_wait3A_108 = arith.constant 0 : i32
      %dma_wait3A_109 = tpu.memref_slice %arg7[%add3A_107, %dma_wait3A_108] : memref<80x128xi32, #tpu.memory_space<vmem>> -> memref<1x128xi32, #tpu.memory_space<vmem>>
      %dma_wait3A_110 = tpu.memref_squeeze %dma_wait3A_109 : memref<1x128xi32, #tpu.memory_space<vmem>> -> memref<128xi32, #tpu.memory_space<vmem>>
      %dma_wait3A_111 = arith.constant 0 : i32
      %dma_wait3A_112 = arith.constant 0 : i32
      %dma_wait3A_113 = tpu.memref_slice %arg2[%dma_wait3A_111, %dma_wait3A_112] : memref<10000x64xbf16, #tpu.memory_space<hbm>> -> memref<10000x64xbf16, #tpu.memory_space<hbm>>
      tpu.wait_indirect_dma semaphore(%arg16 : memref<!tpu.dma_semaphore, #tpu.memory_space<semaphore_mem>>) src(%dma_wait3A_113 : memref<10000x64xbf16, #tpu.memory_space<hbm>>) dst(%arg11 : memref<128x64xbf16, #tpu.memory_space<vmem>>)
      %dma_start3A_114 = arith.constant 0 : i32
      %dma_start3A_115 = tpu.memref_slice %arg8[%add3A_107, %dma_start3A_114] : memref<80x128xi32, #tpu.memory_space<vmem>> -> memref<1x128xi32, #tpu.memory_space<vmem>>
      %dma_start3A_116 = tpu.memref_squeeze %dma_start3A_115 : memref<1x128xi32, #tpu.memory_space<vmem>> -> memref<128xi32, #tpu.memory_space<vmem>>
      %dma_start3A_117 = arith.constant 0 : i32
      %dma_start3A_118 = arith.constant 0 : i32
      %dma_start3A_119 = tpu.memref_slice %arg13[%dma_start3A_117, %dma_start3A_118] : memref<10112x64xbf16, #tpu.memory_space<vmem_shared>> -> memref<10112x64xbf16, #tpu.memory_space<vmem_shared>>
      tpu.enqueue_indirect_dma source(%arg11 : memref<128x64xbf16, #tpu.memory_space<vmem>>) target(%dma_start3A_119 : memref<10112x64xbf16, #tpu.memory_space<vmem_shared>>) offsets(%dma_start3A_116 : memref<128xi32, #tpu.memory_space<vmem>>) semaphore(%arg20 : memref<!tpu.dma_semaphore, #tpu.memory_space<semaphore_mem>>) {add = true}
      %add3A_120 = arith.constant 2 : i32
      %add3A_121 = arith.addi %add3A_107, %add3A_120 : i32
      %lt3A_122 = arith.cmpi slt, %add3A_121, %select_n3A : i32
      %convert_element_type3A_123 = arith.extui %lt3A_122 : i1 to i32
      %cond3A_124 = arith.constant 0 : i32
      %cond3A_125 = arith.cmpi ne, %convert_element_type3A_123, %cond3A_124 : i32
      scf.if %cond3A_125 {
        %sub3A_146 = arith.constant 4 : i32
        %sub3A_147 = arith.subi %add3A_121, %sub3A_146 : i32
        %ge3A = arith.constant 0 : i32
        %ge3A_148 = arith.cmpi sge, %sub3A_147, %ge3A : i32
        %convert_element_type3A_149 = arith.extui %ge3A_148 : i1 to i32
        %cond3A_150 = arith.constant 0 : i32
        %cond3A_151 = arith.cmpi ne, %convert_element_type3A_149, %cond3A_150 : i32
        scf.if %cond3A_151 {
          %dma_wait3A_158 = arith.constant 0 : i32
          %dma_wait3A_159 = arith.constant 0 : i32
          %dma_wait3A_160 = tpu.memref_slice %arg8[%dma_wait3A_158, %dma_wait3A_159] : memref<80x128xi32, #tpu.memory_space<vmem>> -> memref<1x128xi32, #tpu.memory_space<vmem>>
          %dma_wait3A_161 = tpu.memref_squeeze %dma_wait3A_160 : memref<1x128xi32, #tpu.memory_space<vmem>> -> memref<128xi32, #tpu.memory_space<vmem>>
          %dma_wait3A_162 = arith.constant 0 : i32
          %dma_wait3A_163 = arith.constant 0 : i32
          %dma_wait3A_164 = tpu.memref_slice %arg13[%dma_wait3A_162, %dma_wait3A_163] : memref<10112x64xbf16, #tpu.memory_space<vmem_shared>> -> memref<10112x64xbf16, #tpu.memory_space<vmem_shared>>
          tpu.wait_indirect_dma semaphore(%arg18 : memref<!tpu.dma_semaphore, #tpu.memory_space<semaphore_mem>>) src(%arg9 : memref<128x64xbf16, #tpu.memory_space<vmem>>) dst(%dma_wait3A_164 : memref<10112x64xbf16, #tpu.memory_space<vmem_shared>>)
        } else {
        }
        %dma_start3A_152 = arith.constant 0 : i32
        %dma_start3A_153 = tpu.memref_slice %arg7[%add3A_121, %dma_start3A_152] : memref<80x128xi32, #tpu.memory_space<vmem>> -> memref<1x128xi32, #tpu.memory_space<vmem>>
        %dma_start3A_154 = tpu.memref_squeeze %dma_start3A_153 : memref<1x128xi32, #tpu.memory_space<vmem>> -> memref<128xi32, #tpu.memory_space<vmem>>
        %dma_start3A_155 = arith.constant 0 : i32
        %dma_start3A_156 = arith.constant 0 : i32
        %dma_start3A_157 = tpu.memref_slice %arg2[%dma_start3A_155, %dma_start3A_156] : memref<10000x64xbf16, #tpu.memory_space<hbm>> -> memref<10000x64xbf16, #tpu.memory_space<hbm>>
        tpu.enqueue_indirect_dma source(%dma_start3A_157 : memref<10000x64xbf16, #tpu.memory_space<hbm>>) target(%arg9 : memref<128x64xbf16, #tpu.memory_space<vmem>>) offsets(%dma_start3A_154 : memref<128xi32, #tpu.memory_space<vmem>>) semaphore(%arg14 : memref<!tpu.dma_semaphore, #tpu.memory_space<semaphore_mem>>)
      } else {
      }
      %add3A_126 = arith.constant 3 : i32
      %add3A_127 = arith.addi %add3A_68, %add3A_126 : i32
      %dma_wait3A_128 = arith.constant 0 : i32
      %dma_wait3A_129 = tpu.memref_slice %arg7[%add3A_127, %dma_wait3A_128] : memref<80x128xi32, #tpu.memory_space<vmem>> -> memref<1x128xi32, #tpu.memory_space<vmem>>
      %dma_wait3A_130 = tpu.memref_squeeze %dma_wait3A_129 : memref<1x128xi32, #tpu.memory_space<vmem>> -> memref<128xi32, #tpu.memory_space<vmem>>
      %dma_wait3A_131 = arith.constant 0 : i32
      %dma_wait3A_132 = arith.constant 0 : i32
      %dma_wait3A_133 = tpu.memref_slice %arg2[%dma_wait3A_131, %dma_wait3A_132] : memref<10000x64xbf16, #tpu.memory_space<hbm>> -> memref<10000x64xbf16, #tpu.memory_space<hbm>>
      tpu.wait_indirect_dma semaphore(%arg17 : memref<!tpu.dma_semaphore, #tpu.memory_space<semaphore_mem>>) src(%dma_wait3A_133 : memref<10000x64xbf16, #tpu.memory_space<hbm>>) dst(%arg12 : memref<128x64xbf16, #tpu.memory_space<vmem>>)
      %dma_start3A_134 = arith.constant 0 : i32
      %dma_start3A_135 = tpu.memref_slice %arg8[%add3A_127, %dma_start3A_134] : memref<80x128xi32, #tpu.memory_space<vmem>> -> memref<1x128xi32, #tpu.memory_space<vmem>>
      %dma_start3A_136 = tpu.memref_squeeze %dma_start3A_135 : memref<1x128xi32, #tpu.memory_space<vmem>> -> memref<128xi32, #tpu.memory_space<vmem>>
      %dma_start3A_137 = arith.constant 0 : i32
      %dma_start3A_138 = arith.constant 0 : i32
      %dma_start3A_139 = tpu.memref_slice %arg13[%dma_start3A_137, %dma_start3A_138] : memref<10112x64xbf16, #tpu.memory_space<vmem_shared>> -> memref<10112x64xbf16, #tpu.memory_space<vmem_shared>>
      tpu.enqueue_indirect_dma source(%arg12 : memref<128x64xbf16, #tpu.memory_space<vmem>>) target(%dma_start3A_139 : memref<10112x64xbf16, #tpu.memory_space<vmem_shared>>) offsets(%dma_start3A_136 : memref<128xi32, #tpu.memory_space<vmem>>) semaphore(%arg21 : memref<!tpu.dma_semaphore, #tpu.memory_space<semaphore_mem>>) {add = true}
      %add3A_140 = arith.constant 2 : i32
      %add3A_141 = arith.addi %add3A_127, %add3A_140 : i32
      %lt3A_142 = arith.cmpi slt, %add3A_141, %select_n3A : i32
      %convert_element_type3A_143 = arith.extui %lt3A_142 : i1 to i32
      %cond3A_144 = arith.constant 0 : i32
      %cond3A_145 = arith.cmpi ne, %convert_element_type3A_143, %cond3A_144 : i32
      scf.if %cond3A_145 {
        %sub3A_146 = arith.constant 4 : i32
        %sub3A_147 = arith.subi %add3A_141, %sub3A_146 : i32
        %ge3A = arith.constant 0 : i32
        %ge3A_148 = arith.cmpi sge, %sub3A_147, %ge3A : i32
        %convert_element_type3A_149 = arith.extui %ge3A_148 : i1 to i32
        %cond3A_150 = arith.constant 0 : i32
        %cond3A_151 = arith.cmpi ne, %convert_element_type3A_149, %cond3A_150 : i32
        scf.if %cond3A_151 {
          %dma_wait3A_158 = arith.constant 1 : i32
          %dma_wait3A_159 = arith.constant 0 : i32
          %dma_wait3A_160 = tpu.memref_slice %arg8[%dma_wait3A_158, %dma_wait3A_159] : memref<80x128xi32, #tpu.memory_space<vmem>> -> memref<1x128xi32, #tpu.memory_space<vmem>>
          %dma_wait3A_161 = tpu.memref_squeeze %dma_wait3A_160 : memref<1x128xi32, #tpu.memory_space<vmem>> -> memref<128xi32, #tpu.memory_space<vmem>>
          %dma_wait3A_162 = arith.constant 0 : i32
          %dma_wait3A_163 = arith.constant 0 : i32
          %dma_wait3A_164 = tpu.memref_slice %arg13[%dma_wait3A_162, %dma_wait3A_163] : memref<10112x64xbf16, #tpu.memory_space<vmem_shared>> -> memref<10112x64xbf16, #tpu.memory_space<vmem_shared>>
          tpu.wait_indirect_dma semaphore(%arg19 : memref<!tpu.dma_semaphore, #tpu.memory_space<semaphore_mem>>) src(%arg10 : memref<128x64xbf16, #tpu.memory_space<vmem>>) dst(%dma_wait3A_164 : memref<10112x64xbf16, #tpu.memory_space<vmem_shared>>)
        } else {
        }
        %dma_start3A_152 = arith.constant 0 : i32
        %dma_start3A_153 = tpu.memref_slice %arg7[%add3A_141, %dma_start3A_152] : memref<80x128xi32, #tpu.memory_space<vmem>> -> memref<1x128xi32, #tpu.memory_space<vmem>>
        %dma_start3A_154 = tpu.memref_squeeze %dma_start3A_153 : memref<1x128xi32, #tpu.memory_space<vmem>> -> memref<128xi32, #tpu.memory_space<vmem>>
        %dma_start3A_155 = arith.constant 0 : i32
        %dma_start3A_156 = arith.constant 0 : i32
        %dma_start3A_157 = tpu.memref_slice %arg2[%dma_start3A_155, %dma_start3A_156] : memref<10000x64xbf16, #tpu.memory_space<hbm>> -> memref<10000x64xbf16, #tpu.memory_space<hbm>>
        tpu.enqueue_indirect_dma source(%dma_start3A_157 : memref<10000x64xbf16, #tpu.memory_space<hbm>>) target(%arg10 : memref<128x64xbf16, #tpu.memory_space<vmem>>) offsets(%dma_start3A_154 : memref<128xi32, #tpu.memory_space<vmem>>) semaphore(%arg15 : memref<!tpu.dma_semaphore, #tpu.memory_space<semaphore_mem>>)
      } else {
      }
    }
    %dma_wait3A = arith.constant 0 : i32
    %dma_wait3A_34 = arith.constant 0 : i32
    %dma_wait3A_35 = tpu.memref_slice %arg8[%dma_wait3A, %dma_wait3A_34] : memref<80x128xi32, #tpu.memory_space<vmem>> -> memref<1x128xi32, #tpu.memory_space<vmem>>
    %dma_wait3A_36 = tpu.memref_squeeze %dma_wait3A_35 : memref<1x128xi32, #tpu.memory_space<vmem>> -> memref<128xi32, #tpu.memory_space<vmem>>
    %dma_wait3A_37 = arith.constant 0 : i32
    %dma_wait3A_38 = arith.constant 0 : i32
    %dma_wait3A_39 = tpu.memref_slice %arg13[%dma_wait3A_37, %dma_wait3A_38] : memref<10112x64xbf16, #tpu.memory_space<vmem_shared>> -> memref<10112x64xbf16, #tpu.memory_space<vmem_shared>>
    tpu.wait_indirect_dma semaphore(%arg18 : memref<!tpu.dma_semaphore, #tpu.memory_space<semaphore_mem>>) src(%arg9 : memref<128x64xbf16, #tpu.memory_space<vmem>>) dst(%dma_wait3A_39 : memref<10112x64xbf16, #tpu.memory_space<vmem_shared>>)
    %dma_wait3A_40 = arith.constant 1 : i32
    %dma_wait3A_41 = arith.constant 0 : i32
    %dma_wait3A_42 = tpu.memref_slice %arg8[%dma_wait3A_40, %dma_wait3A_41] : memref<80x128xi32, #tpu.memory_space<vmem>> -> memref<1x128xi32, #tpu.memory_space<vmem>>
    %dma_wait3A_43 = tpu.memref_squeeze %dma_wait3A_42 : memref<1x128xi32, #tpu.memory_space<vmem>> -> memref<128xi32, #tpu.memory_space<vmem>>
    %dma_wait3A_44 = arith.constant 0 : i32
    %dma_wait3A_45 = arith.constant 0 : i32
    %dma_wait3A_46 = tpu.memref_slice %arg13[%dma_wait3A_44, %dma_wait3A_45] : memref<10112x64xbf16, #tpu.memory_space<vmem_shared>> -> memref<10112x64xbf16, #tpu.memory_space<vmem_shared>>
    tpu.wait_indirect_dma semaphore(%arg19 : memref<!tpu.dma_semaphore, #tpu.memory_space<semaphore_mem>>) src(%arg10 : memref<128x64xbf16, #tpu.memory_space<vmem>>) dst(%dma_wait3A_46 : memref<10112x64xbf16, #tpu.memory_space<vmem_shared>>)
    %dma_wait3A_47 = arith.constant 2 : i32
    %dma_wait3A_48 = arith.constant 0 : i32
    %dma_wait3A_49 = tpu.memref_slice %arg8[%dma_wait3A_47, %dma_wait3A_48] : memref<80x128xi32, #tpu.memory_space<vmem>> -> memref<1x128xi32, #tpu.memory_space<vmem>>
    %dma_wait3A_50 = tpu.memref_squeeze %dma_wait3A_49 : memref<1x128xi32, #tpu.memory_space<vmem>> -> memref<128xi32, #tpu.memory_space<vmem>>
    %dma_wait3A_51 = arith.constant 0 : i32
    %dma_wait3A_52 = arith.constant 0 : i32
    %dma_wait3A_53 = tpu.memref_slice %arg13[%dma_wait3A_51, %dma_wait3A_52] : memref<10112x64xbf16, #tpu.memory_space<vmem_shared>> -> memref<10112x64xbf16, #tpu.memory_space<vmem_shared>>
    tpu.wait_indirect_dma semaphore(%arg20 : memref<!tpu.dma_semaphore, #tpu.memory_space<semaphore_mem>>) src(%arg11 : memref<128x64xbf16, #tpu.memory_space<vmem>>) dst(%dma_wait3A_53 : memref<10112x64xbf16, #tpu.memory_space<vmem_shared>>)
    %dma_wait3A_54 = arith.constant 3 : i32
    %dma_wait3A_55 = arith.constant 0 : i32
    %dma_wait3A_56 = tpu.memref_slice %arg8[%dma_wait3A_54, %dma_wait3A_55] : memref<80x128xi32, #tpu.memory_space<vmem>> -> memref<1x128xi32, #tpu.memory_space<vmem>>
    %dma_wait3A_57 = tpu.memref_squeeze %dma_wait3A_56 : memref<1x128xi32, #tpu.memory_space<vmem>> -> memref<128xi32, #tpu.memory_space<vmem>>
    %dma_wait3A_58 = arith.constant 0 : i32
    %dma_wait3A_59 = arith.constant 0 : i32
    %dma_wait3A_60 = tpu.memref_slice %arg13[%dma_wait3A_58, %dma_wait3A_59] : memref<10112x64xbf16, #tpu.memory_space<vmem_shared>> -> memref<10112x64xbf16, #tpu.memory_space<vmem_shared>>
    tpu.wait_indirect_dma semaphore(%arg21 : memref<!tpu.dma_semaphore, #tpu.memory_space<semaphore_mem>>) src(%arg12 : memref<128x64xbf16, #tpu.memory_space<vmem>>) dst(%dma_wait3A_60 : memref<10112x64xbf16, #tpu.memory_space<vmem_shared>>)
    %barrier3A_61 = arith.constant 0 : index
    tpu.barrier barrier_id(%barrier3A_61)
    %mul3A_62 = arith.constant 632 : i32
    %mul3A_63 = arith.muli %arg1, %mul3A_62 : i32
    %mul3A_64 = arith.constant 632 : i32
    %mul3A_65 = arith.muli %arg1, %mul3A_64 : i32
    "tpu.region"() ({
      %run_scoped3A = tpu.sem_alloc : memref<!tpu.dma_semaphore, #tpu.memory_space<semaphore_mem>>
      %dma_start3A_66 = arith.constant 0 : i32
      %dma_start3A_67 = tpu.memref_slice %arg6[%arg0, %mul3A_65, %dma_start3A_66] : memref<2x10112x64xbf16, #tpu.memory_space<hbm>> -> memref<1x632x64xbf16, #tpu.memory_space<hbm>>
      %dma_start3A_68 = tpu.memref_squeeze %dma_start3A_67 : memref<1x632x64xbf16, #tpu.memory_space<hbm>> -> memref<632x64xbf16, #tpu.memory_space<hbm>>
      %dma_start3A_69 = arith.constant 0 : i32
      %dma_start3A_70 = tpu.memref_slice %arg13[%mul3A_63, %dma_start3A_69] : memref<10112x64xbf16, #tpu.memory_space<vmem_shared>> -> memref<632x64xbf16, #tpu.memory_space<vmem_shared>>
      tpu.enqueue_dma source(%dma_start3A_70 : memref<632x64xbf16, #tpu.memory_space<vmem_shared>>) target(%dma_start3A_68 : memref<632x64xbf16, #tpu.memory_space<hbm>>) target_semaphore(%run_scoped3A : memref<!tpu.dma_semaphore, #tpu.memory_space<semaphore_mem>>)
      %dma_wait3A_71 = arith.constant 0 : i32
      %dma_wait3A_72 = tpu.memref_slice %arg6[%arg0, %mul3A_65, %dma_wait3A_71] : memref<2x10112x64xbf16, #tpu.memory_space<hbm>> -> memref<1x632x64xbf16, #tpu.memory_space<hbm>>
      %dma_wait3A_73 = tpu.memref_squeeze %dma_wait3A_72 : memref<1x632x64xbf16, #tpu.memory_space<hbm>> -> memref<632x64xbf16, #tpu.memory_space<hbm>>
      %dma_wait3A_74 = arith.constant 0 : i32
      %dma_wait3A_75 = tpu.memref_slice %arg13[%mul3A_63, %dma_wait3A_74] : memref<10112x64xbf16, #tpu.memory_space<vmem_shared>> -> memref<632x64xbf16, #tpu.memory_space<vmem_shared>>
      tpu.wait_dma2 semaphore(%run_scoped3A : memref<!tpu.dma_semaphore, #tpu.memory_space<semaphore_mem>>) src(%dma_wait3A_75 : memref<632x64xbf16, #tpu.memory_space<vmem_shared>>) dst(%dma_wait3A_73 : memref<632x64xbf16, #tpu.memory_space<hbm>>)
      tpu.yield
    }) : () -> ()
    return
  }
}

#map = affine_map<(d0, d1) -> (0, 0, 0)>
#map1 = affine_map<(d0, d1) -> (0, 0)>
module attributes {stable_mosaic.version = 14 : i64} {
  func.func @k(%arg0: i32, %arg1: i32, %arg2: memref<32x80x128xi32, #tpu.memory_space<hbm>>, %arg3: memref<128x16xf32, #tpu.memory_space<hbm>>, %arg4: memref<632x16xf32, #tpu.memory_space<hbm>>, %arg5: memref<2x10112x16xf32, #tpu.memory_space<hbm>>, %arg6: memref<80x128xi32, #tpu.memory_space<vmem>>, %arg7: memref<128x16xf32, #tpu.memory_space<vmem>>, %arg8: memref<10112x16xf32, #tpu.memory_space<vmem_shared>>, %arg9: memref<!tpu.dma_semaphore, #tpu.memory_space<semaphore_mem>>) attributes {dimension_semantics = [#tpu.dimension_semantics<core_parallel>, #tpu.dimension_semantics<subcore_parallel>], iteration_bounds = array<i64: 2, 16>, scalar_prefetch = 0 : i64, scratch_operands = 4 : i64, tpu.core_type = #tpu.core_type<sc_vector_subcore>, window_params = [{transform_indices = #map}, {transform_indices = #map1}, {transform_indices = #map1}, {transform_indices = #map}]} {
    %mul3A = arith.constant 16 : i32
    %mul3A_0 = arith.muli %arg0, %mul3A : i32
    %add3A = arith.addi %mul3A_0, %arg1 : i32
    %eq3A = arith.constant 0 : i32
    %eq3A_1 = arith.cmpi eq, %arg0, %eq3A : i32
    %jit3A = arith.constant 80 : i32
    %jit3A_2 = arith.constant 80 : i32
    %select_n3A = arith.select %eq3A_1, %jit3A, %jit3A_2 : i32
    "tpu.region"() ({
      %run_scoped3A = tpu.sem_alloc : memref<!tpu.dma_semaphore, #tpu.memory_space<semaphore_mem>>
      %dma_start3A = arith.constant 0 : i32
      %dma_start3A_26 = arith.constant 0 : i32
      %dma_start3A_27 = tpu.memref_slice %arg2[%add3A, %dma_start3A, %dma_start3A_26] : memref<32x80x128xi32, #tpu.memory_space<hbm>> -> memref<1x80x128xi32, #tpu.memory_space<hbm>>
      %dma_start3A_28 = tpu.memref_squeeze %dma_start3A_27 : memref<1x80x128xi32, #tpu.memory_space<hbm>> -> memref<80x128xi32, #tpu.memory_space<hbm>>
      %dma_start3A_29 = arith.constant 0 : i32
      %dma_start3A_30 = arith.constant 0 : i32
      %dma_start3A_31 = tpu.memref_slice %arg2[%add3A, %dma_start3A_29, %dma_start3A_30] : memref<32x80x128xi32, #tpu.memory_space<hbm>> -> memref<1x80x128xi32, #tpu.memory_space<hbm>>
      %dma_start3A_32 = tpu.memref_squeeze %dma_start3A_31 : memref<1x80x128xi32, #tpu.memory_space<hbm>> -> memref<80x128xi32, #tpu.memory_space<hbm>>
      tpu.enqueue_dma source(%dma_start3A_32 : memref<80x128xi32, #tpu.memory_space<hbm>>) target(%arg6 : memref<80x128xi32, #tpu.memory_space<vmem>>) target_semaphore(%run_scoped3A : memref<!tpu.dma_semaphore, #tpu.memory_space<semaphore_mem>>)
      %dma_wait3A = arith.constant 0 : i32
      %dma_wait3A_33 = arith.constant 0 : i32
      %dma_wait3A_34 = tpu.memref_slice %arg2[%add3A, %dma_wait3A, %dma_wait3A_33] : memref<32x80x128xi32, #tpu.memory_space<hbm>> -> memref<1x80x128xi32, #tpu.memory_space<hbm>>
      %dma_wait3A_35 = tpu.memref_squeeze %dma_wait3A_34 : memref<1x80x128xi32, #tpu.memory_space<hbm>> -> memref<80x128xi32, #tpu.memory_space<hbm>>
      %dma_wait3A_36 = arith.constant 0 : i32
      %dma_wait3A_37 = arith.constant 0 : i32
      %dma_wait3A_38 = tpu.memref_slice %arg2[%add3A, %dma_wait3A_36, %dma_wait3A_37] : memref<32x80x128xi32, #tpu.memory_space<hbm>> -> memref<1x80x128xi32, #tpu.memory_space<hbm>>
      %dma_wait3A_39 = tpu.memref_squeeze %dma_wait3A_38 : memref<1x80x128xi32, #tpu.memory_space<hbm>> -> memref<80x128xi32, #tpu.memory_space<hbm>>
      tpu.wait_dma2 semaphore(%run_scoped3A : memref<!tpu.dma_semaphore, #tpu.memory_space<semaphore_mem>>) src(%dma_wait3A_39 : memref<80x128xi32, #tpu.memory_space<hbm>>) dst(%arg6 : memref<80x128xi32, #tpu.memory_space<vmem>>)
      tpu.yield
    }) : () -> ()
    "tpu.region"() ({
      %run_scoped3A = tpu.sem_alloc : memref<!tpu.dma_semaphore, #tpu.memory_space<semaphore_mem>>
      tpu.enqueue_dma source(%arg3 : memref<128x16xf32, #tpu.memory_space<hbm>>) target(%arg7 : memref<128x16xf32, #tpu.memory_space<vmem>>) target_semaphore(%run_scoped3A : memref<!tpu.dma_semaphore, #tpu.memory_space<semaphore_mem>>)
      tpu.wait_dma2 semaphore(%run_scoped3A : memref<!tpu.dma_semaphore, #tpu.memory_space<semaphore_mem>>) src(%arg3 : memref<128x16xf32, #tpu.memory_space<hbm>>) dst(%arg7 : memref<128x16xf32, #tpu.memory_space<vmem>>)
      tpu.yield
    }) : () -> ()
    %mul3A_3 = arith.constant 632 : i32
    %mul3A_4 = arith.muli %arg1, %mul3A_3 : i32
    "tpu.region"() ({
      %run_scoped3A = tpu.sem_alloc : memref<!tpu.dma_semaphore, #tpu.memory_space<semaphore_mem>>
      %dma_start3A = arith.constant 0 : i32
      %dma_start3A_26 = tpu.memref_slice %arg8[%mul3A_4, %dma_start3A] : memref<10112x16xf32, #tpu.memory_space<vmem_shared>> -> memref<632x16xf32, #tpu.memory_space<vmem_shared>>
      tpu.enqueue_dma source(%arg4 : memref<632x16xf32, #tpu.memory_space<hbm>>) target(%dma_start3A_26 : memref<632x16xf32, #tpu.memory_space<vmem_shared>>) target_semaphore(%run_scoped3A : memref<!tpu.dma_semaphore, #tpu.memory_space<semaphore_mem>>)
      %dma_wait3A = arith.constant 0 : i32
      %dma_wait3A_27 = tpu.memref_slice %arg8[%mul3A_4, %dma_wait3A] : memref<10112x16xf32, #tpu.memory_space<vmem_shared>> -> memref<632x16xf32, #tpu.memory_space<vmem_shared>>
      tpu.wait_dma2 semaphore(%run_scoped3A : memref<!tpu.dma_semaphore, #tpu.memory_space<semaphore_mem>>) src(%arg4 : memref<632x16xf32, #tpu.memory_space<hbm>>) dst(%dma_wait3A_27 : memref<632x16xf32, #tpu.memory_space<vmem_shared>>)
      tpu.yield
    }) : () -> ()
    %barrier3A = arith.constant 0 : index
    tpu.barrier barrier_id(%barrier3A)
    %sub3A = arith.constant 0 : i32
    %sub3A_5 = arith.subi %select_n3A, %sub3A : i32
    %sub3A_6 = arith.constant 8 : i32
    %sub3A_7 = arith.constant 1 : i32
    %sub3A_8 = arith.subi %sub3A_6, %sub3A_7 : i32
    %add3A_9 = arith.addi %sub3A_5, %sub3A_8 : i32
    %div3A = arith.constant 8 : i32
    %div3A_10 = arith.divsi %add3A_9, %div3A : i32
    %while3A = arith.constant 8 : i32
    %while3A_11 = arith.constant 0 : i32
    %while3A_12 = arith.constant 0 : i32
    %while3A_13 = arith.subi %div3A_10, %while3A_12 : i32
    %while3A_14 = arith.addi %while3A_12, %while3A_13 : i32
    %while3A_15 = arith.constant 1 : i32
    %while3A_16 = arith.divsi %while3A_13, %while3A_15 : i32
    %while3A_17 = arith.muli %while3A_16, %while3A_15 : i32
    %while3A_18 = arith.addi %while3A_12, %while3A_17 : i32
    %while3A_19 = arith.constant 1 : i32
    scf.for %while3A_26 = %while3A_12 to %while3A_18 step %while3A_19  : i32 {
      %mul3A_27 = arith.muli %while3A_26, %while3A : i32
      %add3A_28 = arith.addi %while3A_11, %mul3A_27 : i32
      %add3A_29 = arith.constant 0 : i32
      %add3A_30 = arith.addi %add3A_28, %add3A_29 : i32
      %dma_start3A = arith.constant 0 : i32
      %dma_start3A_31 = tpu.memref_slice %arg6[%add3A_30, %dma_start3A] : memref<80x128xi32, #tpu.memory_space<vmem>> -> memref<1x128xi32, #tpu.memory_space<vmem>>
      %dma_start3A_32 = tpu.memref_squeeze %dma_start3A_31 : memref<1x128xi32, #tpu.memory_space<vmem>> -> memref<128xi32, #tpu.memory_space<vmem>>
      %dma_start3A_33 = arith.constant 0 : i32
      %dma_start3A_34 = arith.constant 0 : i32
      %dma_start3A_35 = tpu.memref_slice %arg8[%dma_start3A_33, %dma_start3A_34] : memref<10112x16xf32, #tpu.memory_space<vmem_shared>> -> memref<10112x16xf32, #tpu.memory_space<vmem_shared>>
      tpu.enqueue_indirect_dma source(%arg7 : memref<128x16xf32, #tpu.memory_space<vmem>>) target(%dma_start3A_35 : memref<10112x16xf32, #tpu.memory_space<vmem_shared>>) offsets(%dma_start3A_32 : memref<128xi32, #tpu.memory_space<vmem>>) semaphore(%arg9 : memref<!tpu.dma_semaphore, #tpu.memory_space<semaphore_mem>>) {add = true}
      %add3A_36 = arith.constant 1 : i32
      %add3A_37 = arith.addi %add3A_28, %add3A_36 : i32
      %dma_start3A_38 = arith.constant 0 : i32
      %dma_start3A_39 = tpu.memref_slice %arg6[%add3A_37, %dma_start3A_38] : memref<80x128xi32, #tpu.memory_space<vmem>> -> memref<1x128xi32, #tpu.memory_space<vmem>>
      %dma_start3A_40 = tpu.memref_squeeze %dma_start3A_39 : memref<1x128xi32, #tpu.memory_space<vmem>> -> memref<128xi32, #tpu.memory_space<vmem>>
      %dma_start3A_41 = arith.constant 0 : i32
      %dma_start3A_42 = arith.constant 0 : i32
      %dma_start3A_43 = tpu.memref_slice %arg8[%dma_start3A_41, %dma_start3A_42] : memref<10112x16xf32, #tpu.memory_space<vmem_shared>> -> memref<10112x16xf32, #tpu.memory_space<vmem_shared>>
      tpu.enqueue_indirect_dma source(%arg7 : memref<128x16xf32, #tpu.memory_space<vmem>>) target(%dma_start3A_43 : memref<10112x16xf32, #tpu.memory_space<vmem_shared>>) offsets(%dma_start3A_40 : memref<128xi32, #tpu.memory_space<vmem>>) semaphore(%arg9 : memref<!tpu.dma_semaphore, #tpu.memory_space<semaphore_mem>>) {add = true}
      %add3A_44 = arith.constant 2 : i32
      %add3A_45 = arith.addi %add3A_28, %add3A_44 : i32
      %dma_start3A_46 = arith.constant 0 : i32
      %dma_start3A_47 = tpu.memref_slice %arg6[%add3A_45, %dma_start3A_46] : memref<80x128xi32, #tpu.memory_space<vmem>> -> memref<1x128xi32, #tpu.memory_space<vmem>>
      %dma_start3A_48 = tpu.memref_squeeze %dma_start3A_47 : memref<1x128xi32, #tpu.memory_space<vmem>> -> memref<128xi32, #tpu.memory_space<vmem>>
      %dma_start3A_49 = arith.constant 0 : i32
      %dma_start3A_50 = arith.constant 0 : i32
      %dma_start3A_51 = tpu.memref_slice %arg8[%dma_start3A_49, %dma_start3A_50] : memref<10112x16xf32, #tpu.memory_space<vmem_shared>> -> memref<10112x16xf32, #tpu.memory_space<vmem_shared>>
      tpu.enqueue_indirect_dma source(%arg7 : memref<128x16xf32, #tpu.memory_space<vmem>>) target(%dma_start3A_51 : memref<10112x16xf32, #tpu.memory_space<vmem_shared>>) offsets(%dma_start3A_48 : memref<128xi32, #tpu.memory_space<vmem>>) semaphore(%arg9 : memref<!tpu.dma_semaphore, #tpu.memory_space<semaphore_mem>>) {add = true}
      %add3A_52 = arith.constant 3 : i32
      %add3A_53 = arith.addi %add3A_28, %add3A_52 : i32
      %dma_start3A_54 = arith.constant 0 : i32
      %dma_start3A_55 = tpu.memref_slice %arg6[%add3A_53, %dma_start3A_54] : memref<80x128xi32, #tpu.memory_space<vmem>> -> memref<1x128xi32, #tpu.memory_space<vmem>>
      %dma_start3A_56 = tpu.memref_squeeze %dma_start3A_55 : memref<1x128xi32, #tpu.memory_space<vmem>> -> memref<128xi32, #tpu.memory_space<vmem>>
      %dma_start3A_57 = arith.constant 0 : i32
      %dma_start3A_58 = arith.constant 0 : i32
      %dma_start3A_59 = tpu.memref_slice %arg8[%dma_start3A_57, %dma_start3A_58] : memref<10112x16xf32, #tpu.memory_space<vmem_shared>> -> memref<10112x16xf32, #tpu.memory_space<vmem_shared>>
      tpu.enqueue_indirect_dma source(%arg7 : memref<128x16xf32, #tpu.memory_space<vmem>>) target(%dma_start3A_59 : memref<10112x16xf32, #tpu.memory_space<vmem_shared>>) offsets(%dma_start3A_56 : memref<128xi32, #tpu.memory_space<vmem>>) semaphore(%arg9 : memref<!tpu.dma_semaphore, #tpu.memory_space<semaphore_mem>>) {add = true}
      %add3A_60 = arith.constant 4 : i32
      %add3A_61 = arith.addi %add3A_28, %add3A_60 : i32
      %dma_start3A_62 = arith.constant 0 : i32
      %dma_start3A_63 = tpu.memref_slice %arg6[%add3A_61, %dma_start3A_62] : memref<80x128xi32, #tpu.memory_space<vmem>> -> memref<1x128xi32, #tpu.memory_space<vmem>>
      %dma_start3A_64 = tpu.memref_squeeze %dma_start3A_63 : memref<1x128xi32, #tpu.memory_space<vmem>> -> memref<128xi32, #tpu.memory_space<vmem>>
      %dma_start3A_65 = arith.constant 0 : i32
      %dma_start3A_66 = arith.constant 0 : i32
      %dma_start3A_67 = tpu.memref_slice %arg8[%dma_start3A_65, %dma_start3A_66] : memref<10112x16xf32, #tpu.memory_space<vmem_shared>> -> memref<10112x16xf32, #tpu.memory_space<vmem_shared>>
      tpu.enqueue_indirect_dma source(%arg7 : memref<128x16xf32, #tpu.memory_space<vmem>>) target(%dma_start3A_67 : memref<10112x16xf32, #tpu.memory_space<vmem_shared>>) offsets(%dma_start3A_64 : memref<128xi32, #tpu.memory_space<vmem>>) semaphore(%arg9 : memref<!tpu.dma_semaphore, #tpu.memory_space<semaphore_mem>>) {add = true}
      %add3A_68 = arith.constant 5 : i32
      %add3A_69 = arith.addi %add3A_28, %add3A_68 : i32
      %dma_start3A_70 = arith.constant 0 : i32
      %dma_start3A_71 = tpu.memref_slice %arg6[%add3A_69, %dma_start3A_70] : memref<80x128xi32, #tpu.memory_space<vmem>> -> memref<1x128xi32, #tpu.memory_space<vmem>>
      %dma_start3A_72 = tpu.memref_squeeze %dma_start3A_71 : memref<1x128xi32, #tpu.memory_space<vmem>> -> memref<128xi32, #tpu.memory_space<vmem>>
      %dma_start3A_73 = arith.constant 0 : i32
      %dma_start3A_74 = arith.constant 0 : i32
      %dma_start3A_75 = tpu.memref_slice %arg8[%dma_start3A_73, %dma_start3A_74] : memref<10112x16xf32, #tpu.memory_space<vmem_shared>> -> memref<10112x16xf32, #tpu.memory_space<vmem_shared>>
      tpu.enqueue_indirect_dma source(%arg7 : memref<128x16xf32, #tpu.memory_space<vmem>>) target(%dma_start3A_75 : memref<10112x16xf32, #tpu.memory_space<vmem_shared>>) offsets(%dma_start3A_72 : memref<128xi32, #tpu.memory_space<vmem>>) semaphore(%arg9 : memref<!tpu.dma_semaphore, #tpu.memory_space<semaphore_mem>>) {add = true}
      %add3A_76 = arith.constant 6 : i32
      %add3A_77 = arith.addi %add3A_28, %add3A_76 : i32
      %dma_start3A_78 = arith.constant 0 : i32
      %dma_start3A_79 = tpu.memref_slice %arg6[%add3A_77, %dma_start3A_78] : memref<80x128xi32, #tpu.memory_space<vmem>> -> memref<1x128xi32, #tpu.memory_space<vmem>>
      %dma_start3A_80 = tpu.memref_squeeze %dma_start3A_79 : memref<1x128xi32, #tpu.memory_space<vmem>> -> memref<128xi32, #tpu.memory_space<vmem>>
      %dma_start3A_81 = arith.constant 0 : i32
      %dma_start3A_82 = arith.constant 0 : i32
      %dma_start3A_83 = tpu.memref_slice %arg8[%dma_start3A_81, %dma_start3A_82] : memref<10112x16xf32, #tpu.memory_space<vmem_shared>> -> memref<10112x16xf32, #tpu.memory_space<vmem_shared>>
      tpu.enqueue_indirect_dma source(%arg7 : memref<128x16xf32, #tpu.memory_space<vmem>>) target(%dma_start3A_83 : memref<10112x16xf32, #tpu.memory_space<vmem_shared>>) offsets(%dma_start3A_80 : memref<128xi32, #tpu.memory_space<vmem>>) semaphore(%arg9 : memref<!tpu.dma_semaphore, #tpu.memory_space<semaphore_mem>>) {add = true}
      %add3A_84 = arith.constant 7 : i32
      %add3A_85 = arith.addi %add3A_28, %add3A_84 : i32
      %dma_start3A_86 = arith.constant 0 : i32
      %dma_start3A_87 = tpu.memref_slice %arg6[%add3A_85, %dma_start3A_86] : memref<80x128xi32, #tpu.memory_space<vmem>> -> memref<1x128xi32, #tpu.memory_space<vmem>>
      %dma_start3A_88 = tpu.memref_squeeze %dma_start3A_87 : memref<1x128xi32, #tpu.memory_space<vmem>> -> memref<128xi32, #tpu.memory_space<vmem>>
      %dma_start3A_89 = arith.constant 0 : i32
      %dma_start3A_90 = arith.constant 0 : i32
      %dma_start3A_91 = tpu.memref_slice %arg8[%dma_start3A_89, %dma_start3A_90] : memref<10112x16xf32, #tpu.memory_space<vmem_shared>> -> memref<10112x16xf32, #tpu.memory_space<vmem_shared>>
      tpu.enqueue_indirect_dma source(%arg7 : memref<128x16xf32, #tpu.memory_space<vmem>>) target(%dma_start3A_91 : memref<10112x16xf32, #tpu.memory_space<vmem_shared>>) offsets(%dma_start3A_88 : memref<128xi32, #tpu.memory_space<vmem>>) semaphore(%arg9 : memref<!tpu.dma_semaphore, #tpu.memory_space<semaphore_mem>>) {add = true}
      %add3A_92 = arith.constant 0 : i32
      %add3A_93 = arith.addi %add3A_28, %add3A_92 : i32
      %dma_wait3A = arith.constant 0 : i32
      %dma_wait3A_94 = tpu.memref_slice %arg6[%add3A_93, %dma_wait3A] : memref<80x128xi32, #tpu.memory_space<vmem>> -> memref<1x128xi32, #tpu.memory_space<vmem>>
      %dma_wait3A_95 = tpu.memref_squeeze %dma_wait3A_94 : memref<1x128xi32, #tpu.memory_space<vmem>> -> memref<128xi32, #tpu.memory_space<vmem>>
      %dma_wait3A_96 = arith.constant 0 : i32
      %dma_wait3A_97 = arith.constant 0 : i32
      %dma_wait3A_98 = tpu.memref_slice %arg8[%dma_wait3A_96, %dma_wait3A_97] : memref<10112x16xf32, #tpu.memory_space<vmem_shared>> -> memref<10112x16xf32, #tpu.memory_space<vmem_shared>>
      tpu.wait_indirect_dma semaphore(%arg9 : memref<!tpu.dma_semaphore, #tpu.memory_space<semaphore_mem>>) src(%arg7 : memref<128x16xf32, #tpu.memory_space<vmem>>) dst(%dma_wait3A_98 : memref<10112x16xf32, #tpu.memory_space<vmem_shared>>)
      %add3A_99 = arith.constant 1 : i32
      %add3A_100 = arith.addi %add3A_28, %add3A_99 : i32
      %dma_wait3A_101 = arith.constant 0 : i32
      %dma_wait3A_102 = tpu.memref_slice %arg6[%add3A_100, %dma_wait3A_101] : memref<80x128xi32, #tpu.memory_space<vmem>> -> memref<1x128xi32, #tpu.memory_space<vmem>>
      %dma_wait3A_103 = tpu.memref_squeeze %dma_wait3A_102 : memref<1x128xi32, #tpu.memory_space<vmem>> -> memref<128xi32, #tpu.memory_space<vmem>>
      %dma_wait3A_104 = arith.constant 0 : i32
      %dma_wait3A_105 = arith.constant 0 : i32
      %dma_wait3A_106 = tpu.memref_slice %arg8[%dma_wait3A_104, %dma_wait3A_105] : memref<10112x16xf32, #tpu.memory_space<vmem_shared>> -> memref<10112x16xf32, #tpu.memory_space<vmem_shared>>
      tpu.wait_indirect_dma semaphore(%arg9 : memref<!tpu.dma_semaphore, #tpu.memory_space<semaphore_mem>>) src(%arg7 : memref<128x16xf32, #tpu.memory_space<vmem>>) dst(%dma_wait3A_106 : memref<10112x16xf32, #tpu.memory_space<vmem_shared>>)
      %add3A_107 = arith.constant 2 : i32
      %add3A_108 = arith.addi %add3A_28, %add3A_107 : i32
      %dma_wait3A_109 = arith.constant 0 : i32
      %dma_wait3A_110 = tpu.memref_slice %arg6[%add3A_108, %dma_wait3A_109] : memref<80x128xi32, #tpu.memory_space<vmem>> -> memref<1x128xi32, #tpu.memory_space<vmem>>
      %dma_wait3A_111 = tpu.memref_squeeze %dma_wait3A_110 : memref<1x128xi32, #tpu.memory_space<vmem>> -> memref<128xi32, #tpu.memory_space<vmem>>
      %dma_wait3A_112 = arith.constant 0 : i32
      %dma_wait3A_113 = arith.constant 0 : i32
      %dma_wait3A_114 = tpu.memref_slice %arg8[%dma_wait3A_112, %dma_wait3A_113] : memref<10112x16xf32, #tpu.memory_space<vmem_shared>> -> memref<10112x16xf32, #tpu.memory_space<vmem_shared>>
      tpu.wait_indirect_dma semaphore(%arg9 : memref<!tpu.dma_semaphore, #tpu.memory_space<semaphore_mem>>) src(%arg7 : memref<128x16xf32, #tpu.memory_space<vmem>>) dst(%dma_wait3A_114 : memref<10112x16xf32, #tpu.memory_space<vmem_shared>>)
      %add3A_115 = arith.constant 3 : i32
      %add3A_116 = arith.addi %add3A_28, %add3A_115 : i32
      %dma_wait3A_117 = arith.constant 0 : i32
      %dma_wait3A_118 = tpu.memref_slice %arg6[%add3A_116, %dma_wait3A_117] : memref<80x128xi32, #tpu.memory_space<vmem>> -> memref<1x128xi32, #tpu.memory_space<vmem>>
      %dma_wait3A_119 = tpu.memref_squeeze %dma_wait3A_118 : memref<1x128xi32, #tpu.memory_space<vmem>> -> memref<128xi32, #tpu.memory_space<vmem>>
      %dma_wait3A_120 = arith.constant 0 : i32
      %dma_wait3A_121 = arith.constant 0 : i32
      %dma_wait3A_122 = tpu.memref_slice %arg8[%dma_wait3A_120, %dma_wait3A_121] : memref<10112x16xf32, #tpu.memory_space<vmem_shared>> -> memref<10112x16xf32, #tpu.memory_space<vmem_shared>>
      tpu.wait_indirect_dma semaphore(%arg9 : memref<!tpu.dma_semaphore, #tpu.memory_space<semaphore_mem>>) src(%arg7 : memref<128x16xf32, #tpu.memory_space<vmem>>) dst(%dma_wait3A_122 : memref<10112x16xf32, #tpu.memory_space<vmem_shared>>)
      %add3A_123 = arith.constant 4 : i32
      %add3A_124 = arith.addi %add3A_28, %add3A_123 : i32
      %dma_wait3A_125 = arith.constant 0 : i32
      %dma_wait3A_126 = tpu.memref_slice %arg6[%add3A_124, %dma_wait3A_125] : memref<80x128xi32, #tpu.memory_space<vmem>> -> memref<1x128xi32, #tpu.memory_space<vmem>>
      %dma_wait3A_127 = tpu.memref_squeeze %dma_wait3A_126 : memref<1x128xi32, #tpu.memory_space<vmem>> -> memref<128xi32, #tpu.memory_space<vmem>>
      %dma_wait3A_128 = arith.constant 0 : i32
      %dma_wait3A_129 = arith.constant 0 : i32
      %dma_wait3A_130 = tpu.memref_slice %arg8[%dma_wait3A_128, %dma_wait3A_129] : memref<10112x16xf32, #tpu.memory_space<vmem_shared>> -> memref<10112x16xf32, #tpu.memory_space<vmem_shared>>
      tpu.wait_indirect_dma semaphore(%arg9 : memref<!tpu.dma_semaphore, #tpu.memory_space<semaphore_mem>>) src(%arg7 : memref<128x16xf32, #tpu.memory_space<vmem>>) dst(%dma_wait3A_130 : memref<10112x16xf32, #tpu.memory_space<vmem_shared>>)
      %add3A_131 = arith.constant 5 : i32
      %add3A_132 = arith.addi %add3A_28, %add3A_131 : i32
      %dma_wait3A_133 = arith.constant 0 : i32
      %dma_wait3A_134 = tpu.memref_slice %arg6[%add3A_132, %dma_wait3A_133] : memref<80x128xi32, #tpu.memory_space<vmem>> -> memref<1x128xi32, #tpu.memory_space<vmem>>
      %dma_wait3A_135 = tpu.memref_squeeze %dma_wait3A_134 : memref<1x128xi32, #tpu.memory_space<vmem>> -> memref<128xi32, #tpu.memory_space<vmem>>
      %dma_wait3A_136 = arith.constant 0 : i32
      %dma_wait3A_137 = arith.constant 0 : i32
      %dma_wait3A_138 = tpu.memref_slice %arg8[%dma_wait3A_136, %dma_wait3A_137] : memref<10112x16xf32, #tpu.memory_space<vmem_shared>> -> memref<10112x16xf32, #tpu.memory_space<vmem_shared>>
      tpu.wait_indirect_dma semaphore(%arg9 : memref<!tpu.dma_semaphore, #tpu.memory_space<semaphore_mem>>) src(%arg7 : memref<128x16xf32, #tpu.memory_space<vmem>>) dst(%dma_wait3A_138 : memref<10112x16xf32, #tpu.memory_space<vmem_shared>>)
      %add3A_139 = arith.constant 6 : i32
      %add3A_140 = arith.addi %add3A_28, %add3A_139 : i32
      %dma_wait3A_141 = arith.constant 0 : i32
      %dma_wait3A_142 = tpu.memref_slice %arg6[%add3A_140, %dma_wait3A_141] : memref<80x128xi32, #tpu.memory_space<vmem>> -> memref<1x128xi32, #tpu.memory_space<vmem>>
      %dma_wait3A_143 = tpu.memref_squeeze %dma_wait3A_142 : memref<1x128xi32, #tpu.memory_space<vmem>> -> memref<128xi32, #tpu.memory_space<vmem>>
      %dma_wait3A_144 = arith.constant 0 : i32
      %dma_wait3A_145 = arith.constant 0 : i32
      %dma_wait3A_146 = tpu.memref_slice %arg8[%dma_wait3A_144, %dma_wait3A_145] : memref<10112x16xf32, #tpu.memory_space<vmem_shared>> -> memref<10112x16xf32, #tpu.memory_space<vmem_shared>>
      tpu.wait_indirect_dma semaphore(%arg9 : memref<!tpu.dma_semaphore, #tpu.memory_space<semaphore_mem>>) src(%arg7 : memref<128x16xf32, #tpu.memory_space<vmem>>) dst(%dma_wait3A_146 : memref<10112x16xf32, #tpu.memory_space<vmem_shared>>)
      %add3A_147 = arith.constant 7 : i32
      %add3A_148 = arith.addi %add3A_28, %add3A_147 : i32
      %dma_wait3A_149 = arith.constant 0 : i32
      %dma_wait3A_150 = tpu.memref_slice %arg6[%add3A_148, %dma_wait3A_149] : memref<80x128xi32, #tpu.memory_space<vmem>> -> memref<1x128xi32, #tpu.memory_space<vmem>>
      %dma_wait3A_151 = tpu.memref_squeeze %dma_wait3A_150 : memref<1x128xi32, #tpu.memory_space<vmem>> -> memref<128xi32, #tpu.memory_space<vmem>>
      %dma_wait3A_152 = arith.constant 0 : i32
      %dma_wait3A_153 = arith.constant 0 : i32
      %dma_wait3A_154 = tpu.memref_slice %arg8[%dma_wait3A_152, %dma_wait3A_153] : memref<10112x16xf32, #tpu.memory_space<vmem_shared>> -> memref<10112x16xf32, #tpu.memory_space<vmem_shared>>
      tpu.wait_indirect_dma semaphore(%arg9 : memref<!tpu.dma_semaphore, #tpu.memory_space<semaphore_mem>>) src(%arg7 : memref<128x16xf32, #tpu.memory_space<vmem>>) dst(%dma_wait3A_154 : memref<10112x16xf32, #tpu.memory_space<vmem_shared>>)
    }
    %while3A_20 = arith.constant 1 : i32
    scf.for %while3A_26 = %while3A_18 to %while3A_14 step %while3A_20  : i32 {
      %mul3A_27 = arith.muli %while3A_26, %while3A : i32
      %add3A_28 = arith.addi %while3A_11, %mul3A_27 : i32
      %add3A_29 = arith.constant 0 : i32
      %add3A_30 = arith.addi %add3A_28, %add3A_29 : i32
      %dma_start3A = arith.constant 0 : i32
      %dma_start3A_31 = tpu.memref_slice %arg6[%add3A_30, %dma_start3A] : memref<80x128xi32, #tpu.memory_space<vmem>> -> memref<1x128xi32, #tpu.memory_space<vmem>>
      %dma_start3A_32 = tpu.memref_squeeze %dma_start3A_31 : memref<1x128xi32, #tpu.memory_space<vmem>> -> memref<128xi32, #tpu.memory_space<vmem>>
      %dma_start3A_33 = arith.constant 0 : i32
      %dma_start3A_34 = arith.constant 0 : i32
      %dma_start3A_35 = tpu.memref_slice %arg8[%dma_start3A_33, %dma_start3A_34] : memref<10112x16xf32, #tpu.memory_space<vmem_shared>> -> memref<10112x16xf32, #tpu.memory_space<vmem_shared>>
      tpu.enqueue_indirect_dma source(%arg7 : memref<128x16xf32, #tpu.memory_space<vmem>>) target(%dma_start3A_35 : memref<10112x16xf32, #tpu.memory_space<vmem_shared>>) offsets(%dma_start3A_32 : memref<128xi32, #tpu.memory_space<vmem>>) semaphore(%arg9 : memref<!tpu.dma_semaphore, #tpu.memory_space<semaphore_mem>>) {add = true}
      %add3A_36 = arith.constant 1 : i32
      %add3A_37 = arith.addi %add3A_28, %add3A_36 : i32
      %dma_start3A_38 = arith.constant 0 : i32
      %dma_start3A_39 = tpu.memref_slice %arg6[%add3A_37, %dma_start3A_38] : memref<80x128xi32, #tpu.memory_space<vmem>> -> memref<1x128xi32, #tpu.memory_space<vmem>>
      %dma_start3A_40 = tpu.memref_squeeze %dma_start3A_39 : memref<1x128xi32, #tpu.memory_space<vmem>> -> memref<128xi32, #tpu.memory_space<vmem>>
      %dma_start3A_41 = arith.constant 0 : i32
      %dma_start3A_42 = arith.constant 0 : i32
      %dma_start3A_43 = tpu.memref_slice %arg8[%dma_start3A_41, %dma_start3A_42] : memref<10112x16xf32, #tpu.memory_space<vmem_shared>> -> memref<10112x16xf32, #tpu.memory_space<vmem_shared>>
      tpu.enqueue_indirect_dma source(%arg7 : memref<128x16xf32, #tpu.memory_space<vmem>>) target(%dma_start3A_43 : memref<10112x16xf32, #tpu.memory_space<vmem_shared>>) offsets(%dma_start3A_40 : memref<128xi32, #tpu.memory_space<vmem>>) semaphore(%arg9 : memref<!tpu.dma_semaphore, #tpu.memory_space<semaphore_mem>>) {add = true}
      %add3A_44 = arith.constant 2 : i32
      %add3A_45 = arith.addi %add3A_28, %add3A_44 : i32
      %dma_start3A_46 = arith.constant 0 : i32
      %dma_start3A_47 = tpu.memref_slice %arg6[%add3A_45, %dma_start3A_46] : memref<80x128xi32, #tpu.memory_space<vmem>> -> memref<1x128xi32, #tpu.memory_space<vmem>>
      %dma_start3A_48 = tpu.memref_squeeze %dma_start3A_47 : memref<1x128xi32, #tpu.memory_space<vmem>> -> memref<128xi32, #tpu.memory_space<vmem>>
      %dma_start3A_49 = arith.constant 0 : i32
      %dma_start3A_50 = arith.constant 0 : i32
      %dma_start3A_51 = tpu.memref_slice %arg8[%dma_start3A_49, %dma_start3A_50] : memref<10112x16xf32, #tpu.memory_space<vmem_shared>> -> memref<10112x16xf32, #tpu.memory_space<vmem_shared>>
      tpu.enqueue_indirect_dma source(%arg7 : memref<128x16xf32, #tpu.memory_space<vmem>>) target(%dma_start3A_51 : memref<10112x16xf32, #tpu.memory_space<vmem_shared>>) offsets(%dma_start3A_48 : memref<128xi32, #tpu.memory_space<vmem>>) semaphore(%arg9 : memref<!tpu.dma_semaphore, #tpu.memory_space<semaphore_mem>>) {add = true}
      %add3A_52 = arith.constant 3 : i32
      %add3A_53 = arith.addi %add3A_28, %add3A_52 : i32
      %dma_start3A_54 = arith.constant 0 : i32
      %dma_start3A_55 = tpu.memref_slice %arg6[%add3A_53, %dma_start3A_54] : memref<80x128xi32, #tpu.memory_space<vmem>> -> memref<1x128xi32, #tpu.memory_space<vmem>>
      %dma_start3A_56 = tpu.memref_squeeze %dma_start3A_55 : memref<1x128xi32, #tpu.memory_space<vmem>> -> memref<128xi32, #tpu.memory_space<vmem>>
      %dma_start3A_57 = arith.constant 0 : i32
      %dma_start3A_58 = arith.constant 0 : i32
      %dma_start3A_59 = tpu.memref_slice %arg8[%dma_start3A_57, %dma_start3A_58] : memref<10112x16xf32, #tpu.memory_space<vmem_shared>> -> memref<10112x16xf32, #tpu.memory_space<vmem_shared>>
      tpu.enqueue_indirect_dma source(%arg7 : memref<128x16xf32, #tpu.memory_space<vmem>>) target(%dma_start3A_59 : memref<10112x16xf32, #tpu.memory_space<vmem_shared>>) offsets(%dma_start3A_56 : memref<128xi32, #tpu.memory_space<vmem>>) semaphore(%arg9 : memref<!tpu.dma_semaphore, #tpu.memory_space<semaphore_mem>>) {add = true}
      %add3A_60 = arith.constant 4 : i32
      %add3A_61 = arith.addi %add3A_28, %add3A_60 : i32
      %dma_start3A_62 = arith.constant 0 : i32
      %dma_start3A_63 = tpu.memref_slice %arg6[%add3A_61, %dma_start3A_62] : memref<80x128xi32, #tpu.memory_space<vmem>> -> memref<1x128xi32, #tpu.memory_space<vmem>>
      %dma_start3A_64 = tpu.memref_squeeze %dma_start3A_63 : memref<1x128xi32, #tpu.memory_space<vmem>> -> memref<128xi32, #tpu.memory_space<vmem>>
      %dma_start3A_65 = arith.constant 0 : i32
      %dma_start3A_66 = arith.constant 0 : i32
      %dma_start3A_67 = tpu.memref_slice %arg8[%dma_start3A_65, %dma_start3A_66] : memref<10112x16xf32, #tpu.memory_space<vmem_shared>> -> memref<10112x16xf32, #tpu.memory_space<vmem_shared>>
      tpu.enqueue_indirect_dma source(%arg7 : memref<128x16xf32, #tpu.memory_space<vmem>>) target(%dma_start3A_67 : memref<10112x16xf32, #tpu.memory_space<vmem_shared>>) offsets(%dma_start3A_64 : memref<128xi32, #tpu.memory_space<vmem>>) semaphore(%arg9 : memref<!tpu.dma_semaphore, #tpu.memory_space<semaphore_mem>>) {add = true}
      %add3A_68 = arith.constant 5 : i32
      %add3A_69 = arith.addi %add3A_28, %add3A_68 : i32
      %dma_start3A_70 = arith.constant 0 : i32
      %dma_start3A_71 = tpu.memref_slice %arg6[%add3A_69, %dma_start3A_70] : memref<80x128xi32, #tpu.memory_space<vmem>> -> memref<1x128xi32, #tpu.memory_space<vmem>>
      %dma_start3A_72 = tpu.memref_squeeze %dma_start3A_71 : memref<1x128xi32, #tpu.memory_space<vmem>> -> memref<128xi32, #tpu.memory_space<vmem>>
      %dma_start3A_73 = arith.constant 0 : i32
      %dma_start3A_74 = arith.constant 0 : i32
      %dma_start3A_75 = tpu.memref_slice %arg8[%dma_start3A_73, %dma_start3A_74] : memref<10112x16xf32, #tpu.memory_space<vmem_shared>> -> memref<10112x16xf32, #tpu.memory_space<vmem_shared>>
      tpu.enqueue_indirect_dma source(%arg7 : memref<128x16xf32, #tpu.memory_space<vmem>>) target(%dma_start3A_75 : memref<10112x16xf32, #tpu.memory_space<vmem_shared>>) offsets(%dma_start3A_72 : memref<128xi32, #tpu.memory_space<vmem>>) semaphore(%arg9 : memref<!tpu.dma_semaphore, #tpu.memory_space<semaphore_mem>>) {add = true}
      %add3A_76 = arith.constant 6 : i32
      %add3A_77 = arith.addi %add3A_28, %add3A_76 : i32
      %dma_start3A_78 = arith.constant 0 : i32
      %dma_start3A_79 = tpu.memref_slice %arg6[%add3A_77, %dma_start3A_78] : memref<80x128xi32, #tpu.memory_space<vmem>> -> memref<1x128xi32, #tpu.memory_space<vmem>>
      %dma_start3A_80 = tpu.memref_squeeze %dma_start3A_79 : memref<1x128xi32, #tpu.memory_space<vmem>> -> memref<128xi32, #tpu.memory_space<vmem>>
      %dma_start3A_81 = arith.constant 0 : i32
      %dma_start3A_82 = arith.constant 0 : i32
      %dma_start3A_83 = tpu.memref_slice %arg8[%dma_start3A_81, %dma_start3A_82] : memref<10112x16xf32, #tpu.memory_space<vmem_shared>> -> memref<10112x16xf32, #tpu.memory_space<vmem_shared>>
      tpu.enqueue_indirect_dma source(%arg7 : memref<128x16xf32, #tpu.memory_space<vmem>>) target(%dma_start3A_83 : memref<10112x16xf32, #tpu.memory_space<vmem_shared>>) offsets(%dma_start3A_80 : memref<128xi32, #tpu.memory_space<vmem>>) semaphore(%arg9 : memref<!tpu.dma_semaphore, #tpu.memory_space<semaphore_mem>>) {add = true}
      %add3A_84 = arith.constant 7 : i32
      %add3A_85 = arith.addi %add3A_28, %add3A_84 : i32
      %dma_start3A_86 = arith.constant 0 : i32
      %dma_start3A_87 = tpu.memref_slice %arg6[%add3A_85, %dma_start3A_86] : memref<80x128xi32, #tpu.memory_space<vmem>> -> memref<1x128xi32, #tpu.memory_space<vmem>>
      %dma_start3A_88 = tpu.memref_squeeze %dma_start3A_87 : memref<1x128xi32, #tpu.memory_space<vmem>> -> memref<128xi32, #tpu.memory_space<vmem>>
      %dma_start3A_89 = arith.constant 0 : i32
      %dma_start3A_90 = arith.constant 0 : i32
      %dma_start3A_91 = tpu.memref_slice %arg8[%dma_start3A_89, %dma_start3A_90] : memref<10112x16xf32, #tpu.memory_space<vmem_shared>> -> memref<10112x16xf32, #tpu.memory_space<vmem_shared>>
      tpu.enqueue_indirect_dma source(%arg7 : memref<128x16xf32, #tpu.memory_space<vmem>>) target(%dma_start3A_91 : memref<10112x16xf32, #tpu.memory_space<vmem_shared>>) offsets(%dma_start3A_88 : memref<128xi32, #tpu.memory_space<vmem>>) semaphore(%arg9 : memref<!tpu.dma_semaphore, #tpu.memory_space<semaphore_mem>>) {add = true}
      %add3A_92 = arith.constant 0 : i32
      %add3A_93 = arith.addi %add3A_28, %add3A_92 : i32
      %dma_wait3A = arith.constant 0 : i32
      %dma_wait3A_94 = tpu.memref_slice %arg6[%add3A_93, %dma_wait3A] : memref<80x128xi32, #tpu.memory_space<vmem>> -> memref<1x128xi32, #tpu.memory_space<vmem>>
      %dma_wait3A_95 = tpu.memref_squeeze %dma_wait3A_94 : memref<1x128xi32, #tpu.memory_space<vmem>> -> memref<128xi32, #tpu.memory_space<vmem>>
      %dma_wait3A_96 = arith.constant 0 : i32
      %dma_wait3A_97 = arith.constant 0 : i32
      %dma_wait3A_98 = tpu.memref_slice %arg8[%dma_wait3A_96, %dma_wait3A_97] : memref<10112x16xf32, #tpu.memory_space<vmem_shared>> -> memref<10112x16xf32, #tpu.memory_space<vmem_shared>>
      tpu.wait_indirect_dma semaphore(%arg9 : memref<!tpu.dma_semaphore, #tpu.memory_space<semaphore_mem>>) src(%arg7 : memref<128x16xf32, #tpu.memory_space<vmem>>) dst(%dma_wait3A_98 : memref<10112x16xf32, #tpu.memory_space<vmem_shared>>)
      %add3A_99 = arith.constant 1 : i32
      %add3A_100 = arith.addi %add3A_28, %add3A_99 : i32
      %dma_wait3A_101 = arith.constant 0 : i32
      %dma_wait3A_102 = tpu.memref_slice %arg6[%add3A_100, %dma_wait3A_101] : memref<80x128xi32, #tpu.memory_space<vmem>> -> memref<1x128xi32, #tpu.memory_space<vmem>>
      %dma_wait3A_103 = tpu.memref_squeeze %dma_wait3A_102 : memref<1x128xi32, #tpu.memory_space<vmem>> -> memref<128xi32, #tpu.memory_space<vmem>>
      %dma_wait3A_104 = arith.constant 0 : i32
      %dma_wait3A_105 = arith.constant 0 : i32
      %dma_wait3A_106 = tpu.memref_slice %arg8[%dma_wait3A_104, %dma_wait3A_105] : memref<10112x16xf32, #tpu.memory_space<vmem_shared>> -> memref<10112x16xf32, #tpu.memory_space<vmem_shared>>
      tpu.wait_indirect_dma semaphore(%arg9 : memref<!tpu.dma_semaphore, #tpu.memory_space<semaphore_mem>>) src(%arg7 : memref<128x16xf32, #tpu.memory_space<vmem>>) dst(%dma_wait3A_106 : memref<10112x16xf32, #tpu.memory_space<vmem_shared>>)
      %add3A_107 = arith.constant 2 : i32
      %add3A_108 = arith.addi %add3A_28, %add3A_107 : i32
      %dma_wait3A_109 = arith.constant 0 : i32
      %dma_wait3A_110 = tpu.memref_slice %arg6[%add3A_108, %dma_wait3A_109] : memref<80x128xi32, #tpu.memory_space<vmem>> -> memref<1x128xi32, #tpu.memory_space<vmem>>
      %dma_wait3A_111 = tpu.memref_squeeze %dma_wait3A_110 : memref<1x128xi32, #tpu.memory_space<vmem>> -> memref<128xi32, #tpu.memory_space<vmem>>
      %dma_wait3A_112 = arith.constant 0 : i32
      %dma_wait3A_113 = arith.constant 0 : i32
      %dma_wait3A_114 = tpu.memref_slice %arg8[%dma_wait3A_112, %dma_wait3A_113] : memref<10112x16xf32, #tpu.memory_space<vmem_shared>> -> memref<10112x16xf32, #tpu.memory_space<vmem_shared>>
      tpu.wait_indirect_dma semaphore(%arg9 : memref<!tpu.dma_semaphore, #tpu.memory_space<semaphore_mem>>) src(%arg7 : memref<128x16xf32, #tpu.memory_space<vmem>>) dst(%dma_wait3A_114 : memref<10112x16xf32, #tpu.memory_space<vmem_shared>>)
      %add3A_115 = arith.constant 3 : i32
      %add3A_116 = arith.addi %add3A_28, %add3A_115 : i32
      %dma_wait3A_117 = arith.constant 0 : i32
      %dma_wait3A_118 = tpu.memref_slice %arg6[%add3A_116, %dma_wait3A_117] : memref<80x128xi32, #tpu.memory_space<vmem>> -> memref<1x128xi32, #tpu.memory_space<vmem>>
      %dma_wait3A_119 = tpu.memref_squeeze %dma_wait3A_118 : memref<1x128xi32, #tpu.memory_space<vmem>> -> memref<128xi32, #tpu.memory_space<vmem>>
      %dma_wait3A_120 = arith.constant 0 : i32
      %dma_wait3A_121 = arith.constant 0 : i32
      %dma_wait3A_122 = tpu.memref_slice %arg8[%dma_wait3A_120, %dma_wait3A_121] : memref<10112x16xf32, #tpu.memory_space<vmem_shared>> -> memref<10112x16xf32, #tpu.memory_space<vmem_shared>>
      tpu.wait_indirect_dma semaphore(%arg9 : memref<!tpu.dma_semaphore, #tpu.memory_space<semaphore_mem>>) src(%arg7 : memref<128x16xf32, #tpu.memory_space<vmem>>) dst(%dma_wait3A_122 : memref<10112x16xf32, #tpu.memory_space<vmem_shared>>)
      %add3A_123 = arith.constant 4 : i32
      %add3A_124 = arith.addi %add3A_28, %add3A_123 : i32
      %dma_wait3A_125 = arith.constant 0 : i32
      %dma_wait3A_126 = tpu.memref_slice %arg6[%add3A_124, %dma_wait3A_125] : memref<80x128xi32, #tpu.memory_space<vmem>> -> memref<1x128xi32, #tpu.memory_space<vmem>>
      %dma_wait3A_127 = tpu.memref_squeeze %dma_wait3A_126 : memref<1x128xi32, #tpu.memory_space<vmem>> -> memref<128xi32, #tpu.memory_space<vmem>>
      %dma_wait3A_128 = arith.constant 0 : i32
      %dma_wait3A_129 = arith.constant 0 : i32
      %dma_wait3A_130 = tpu.memref_slice %arg8[%dma_wait3A_128, %dma_wait3A_129] : memref<10112x16xf32, #tpu.memory_space<vmem_shared>> -> memref<10112x16xf32, #tpu.memory_space<vmem_shared>>
      tpu.wait_indirect_dma semaphore(%arg9 : memref<!tpu.dma_semaphore, #tpu.memory_space<semaphore_mem>>) src(%arg7 : memref<128x16xf32, #tpu.memory_space<vmem>>) dst(%dma_wait3A_130 : memref<10112x16xf32, #tpu.memory_space<vmem_shared>>)
      %add3A_131 = arith.constant 5 : i32
      %add3A_132 = arith.addi %add3A_28, %add3A_131 : i32
      %dma_wait3A_133 = arith.constant 0 : i32
      %dma_wait3A_134 = tpu.memref_slice %arg6[%add3A_132, %dma_wait3A_133] : memref<80x128xi32, #tpu.memory_space<vmem>> -> memref<1x128xi32, #tpu.memory_space<vmem>>
      %dma_wait3A_135 = tpu.memref_squeeze %dma_wait3A_134 : memref<1x128xi32, #tpu.memory_space<vmem>> -> memref<128xi32, #tpu.memory_space<vmem>>
      %dma_wait3A_136 = arith.constant 0 : i32
      %dma_wait3A_137 = arith.constant 0 : i32
      %dma_wait3A_138 = tpu.memref_slice %arg8[%dma_wait3A_136, %dma_wait3A_137] : memref<10112x16xf32, #tpu.memory_space<vmem_shared>> -> memref<10112x16xf32, #tpu.memory_space<vmem_shared>>
      tpu.wait_indirect_dma semaphore(%arg9 : memref<!tpu.dma_semaphore, #tpu.memory_space<semaphore_mem>>) src(%arg7 : memref<128x16xf32, #tpu.memory_space<vmem>>) dst(%dma_wait3A_138 : memref<10112x16xf32, #tpu.memory_space<vmem_shared>>)
      %add3A_139 = arith.constant 6 : i32
      %add3A_140 = arith.addi %add3A_28, %add3A_139 : i32
      %dma_wait3A_141 = arith.constant 0 : i32
      %dma_wait3A_142 = tpu.memref_slice %arg6[%add3A_140, %dma_wait3A_141] : memref<80x128xi32, #tpu.memory_space<vmem>> -> memref<1x128xi32, #tpu.memory_space<vmem>>
      %dma_wait3A_143 = tpu.memref_squeeze %dma_wait3A_142 : memref<1x128xi32, #tpu.memory_space<vmem>> -> memref<128xi32, #tpu.memory_space<vmem>>
      %dma_wait3A_144 = arith.constant 0 : i32
      %dma_wait3A_145 = arith.constant 0 : i32
      %dma_wait3A_146 = tpu.memref_slice %arg8[%dma_wait3A_144, %dma_wait3A_145] : memref<10112x16xf32, #tpu.memory_space<vmem_shared>> -> memref<10112x16xf32, #tpu.memory_space<vmem_shared>>
      tpu.wait_indirect_dma semaphore(%arg9 : memref<!tpu.dma_semaphore, #tpu.memory_space<semaphore_mem>>) src(%arg7 : memref<128x16xf32, #tpu.memory_space<vmem>>) dst(%dma_wait3A_146 : memref<10112x16xf32, #tpu.memory_space<vmem_shared>>)
      %add3A_147 = arith.constant 7 : i32
      %add3A_148 = arith.addi %add3A_28, %add3A_147 : i32
      %dma_wait3A_149 = arith.constant 0 : i32
      %dma_wait3A_150 = tpu.memref_slice %arg6[%add3A_148, %dma_wait3A_149] : memref<80x128xi32, #tpu.memory_space<vmem>> -> memref<1x128xi32, #tpu.memory_space<vmem>>
      %dma_wait3A_151 = tpu.memref_squeeze %dma_wait3A_150 : memref<1x128xi32, #tpu.memory_space<vmem>> -> memref<128xi32, #tpu.memory_space<vmem>>
      %dma_wait3A_152 = arith.constant 0 : i32
      %dma_wait3A_153 = arith.constant 0 : i32
      %dma_wait3A_154 = tpu.memref_slice %arg8[%dma_wait3A_152, %dma_wait3A_153] : memref<10112x16xf32, #tpu.memory_space<vmem_shared>> -> memref<10112x16xf32, #tpu.memory_space<vmem_shared>>
      tpu.wait_indirect_dma semaphore(%arg9 : memref<!tpu.dma_semaphore, #tpu.memory_space<semaphore_mem>>) src(%arg7 : memref<128x16xf32, #tpu.memory_space<vmem>>) dst(%dma_wait3A_154 : memref<10112x16xf32, #tpu.memory_space<vmem_shared>>)
    }
    %barrier3A_21 = arith.constant 0 : index
    tpu.barrier barrier_id(%barrier3A_21)
    %mul3A_22 = arith.constant 632 : i32
    %mul3A_23 = arith.muli %arg1, %mul3A_22 : i32
    %mul3A_24 = arith.constant 632 : i32
    %mul3A_25 = arith.muli %arg1, %mul3A_24 : i32
    "tpu.region"() ({
      %run_scoped3A = tpu.sem_alloc : memref<!tpu.dma_semaphore, #tpu.memory_space<semaphore_mem>>
      %dma_start3A = arith.constant 0 : i32
      %dma_start3A_26 = tpu.memref_slice %arg5[%arg0, %mul3A_25, %dma_start3A] : memref<2x10112x16xf32, #tpu.memory_space<hbm>> -> memref<1x632x16xf32, #tpu.memory_space<hbm>>
      %dma_start3A_27 = tpu.memref_squeeze %dma_start3A_26 : memref<1x632x16xf32, #tpu.memory_space<hbm>> -> memref<632x16xf32, #tpu.memory_space<hbm>>
      %dma_start3A_28 = arith.constant 0 : i32
      %dma_start3A_29 = tpu.memref_slice %arg8[%mul3A_23, %dma_start3A_28] : memref<10112x16xf32, #tpu.memory_space<vmem_shared>> -> memref<632x16xf32, #tpu.memory_space<vmem_shared>>
      tpu.enqueue_dma source(%dma_start3A_29 : memref<632x16xf32, #tpu.memory_space<vmem_shared>>) target(%dma_start3A_27 : memref<632x16xf32, #tpu.memory_space<hbm>>) target_semaphore(%run_scoped3A : memref<!tpu.dma_semaphore, #tpu.memory_space<semaphore_mem>>)
      %dma_wait3A = arith.constant 0 : i32
      %dma_wait3A_30 = tpu.memref_slice %arg5[%arg0, %mul3A_25, %dma_wait3A] : memref<2x10112x16xf32, #tpu.memory_space<hbm>> -> memref<1x632x16xf32, #tpu.memory_space<hbm>>
      %dma_wait3A_31 = tpu.memref_squeeze %dma_wait3A_30 : memref<1x632x16xf32, #tpu.memory_space<hbm>> -> memref<632x16xf32, #tpu.memory_space<hbm>>
      %dma_wait3A_32 = arith.constant 0 : i32
      %dma_wait3A_33 = tpu.memref_slice %arg8[%mul3A_23, %dma_wait3A_32] : memref<10112x16xf32, #tpu.memory_space<vmem_shared>> -> memref<632x16xf32, #tpu.memory_space<vmem_shared>>
      tpu.wait_dma2 semaphore(%run_scoped3A : memref<!tpu.dma_semaphore, #tpu.memory_space<semaphore_mem>>) src(%dma_wait3A_33 : memref<632x16xf32, #tpu.memory_space<vmem_shared>>) dst(%dma_wait3A_31 : memref<632x16xf32, #tpu.memory_space<hbm>>)
      tpu.yield
    }) : () -> ()
    return
  }
}

module attributes {stable_mosaic.version = 14 : i64} {
  func.func @body(%arg0: i32, %arg1: memref<2000x128xf32, #tpu.memory_space<vmem>>, %arg2: memref<128x64xf32, #tpu.memory_space<vmem>>, %arg3: memref<2x2000x16xf32, #tpu.memory_space<vmem>>, %arg4: memref<2000x64xf32, #tpu.memory_space<vmem>>, %arg5: memref<2000x64xbf16, #tpu.memory_space<vmem>>, %arg6: memref<2000x1xf32, #tpu.memory_space<vmem>>) attributes {dimension_semantics = [#tpu.dimension_semantics<arbitrary>], iteration_bounds = array<i64: 5>, scalar_prefetch = 0 : i64, scratch_operands = 0 : i64, tpu.core_type = #tpu.core_type<tc>, window_params = [{transform_indices = @transform_0, window_bounds = array<i64: 2000, 128>}, {pipeline_mode = #tpu.pipeline_mode<synchronous>, transform_indices = @transform_1, window_bounds = array<i64: 128, 64>}, {transform_indices = @transform_2, window_bounds = array<i64: 2, 2000, 16>}, {transform_indices = @transform_3, window_bounds = array<i64: 2000, 64>}, {transform_indices = @transform_4, window_bounds = array<i64: 2000, 64>}, {transform_indices = @transform_5, window_bounds = array<i64: 2000, 1>}]} {
    %get3A = arith.constant 0 : index
    %get3A_0 = arith.constant 0 : index
    %get3A_1 = arith.constant 0 : index
    %get3A_2 = vector.load %arg3[%get3A, %get3A_0, %get3A_1] : memref<2x2000x16xf32, #tpu.memory_space<vmem>>, vector<2x2000x16xf32>
    %slice3A = vector.extract_strided_slice %get3A_2 {offsets = [0, 0, 0], sizes = [2, 2000, 1], strides = [1, 1, 1]} : vector<2x2000x16xf32> to vector<2x2000x1xf32>
    %squeeze3A = vector.shape_cast %slice3A : vector<2x2000x1xf32> to vector<2x2000xf32>
    %reduce_sum3A = arith.constant dense<0.000000e+00> : vector<2000xf32>
    %reduce_sum3A_3 = vector.multi_reduction <add>, %squeeze3A, %reduce_sum3A [0] : vector<2x2000xf32> to vector<2000xf32>
    %add3A = arith.constant 1.000000e+00 : f32
    %add3A_4 = vector.broadcast %add3A : f32 to vector<2000xf32>
    %add3A_5 = arith.addf %reduce_sum3A_3, %add3A_4 : vector<2000xf32>
    %rsqrt3A = math.rsqrt %add3A_5 : vector<2000xf32>
    %get3A_6 = arith.constant 0 : index
    %get3A_7 = arith.constant 0 : index
    %get3A_8 = vector.load %arg1[%get3A_6, %get3A_7] : memref<2000x128xf32, #tpu.memory_space<vmem>>, vector<2000x128xf32>
    %get3A_9 = arith.constant 0 : index
    %get3A_10 = arith.constant 0 : index
    %get3A_11 = vector.load %arg2[%get3A_9, %get3A_10] : memref<128x64xf32, #tpu.memory_space<vmem>>, vector<128x64xf32>
    %dot_general3A = arith.constant dense<0.000000e+00> : vector<2000x64xf32>
    %dot_general3A_12 = tpu.matmul %get3A_8, %get3A_11, %dot_general3A {dimension_numbers = #tpu.dot_dimension_numbers<[1], [0], [0], [1], [0, 0, 1, 1], [], []>, transpose_lhs_hint = false} : vector<2000x128xf32>, vector<128x64xf32>, vector<2000x64xf32> -> vector<2000x64xf32>
    %broadcast_in_dim3A = vector.shape_cast %rsqrt3A : vector<2000xf32> to vector<2000x1xf32>
    %mul3A = vector.broadcast %broadcast_in_dim3A : vector<2000x1xf32> to vector<2000x64xf32>
    %mul3A_13 = arith.mulf %dot_general3A_12, %mul3A : vector<2000x64xf32>
    %swap3A = arith.constant 0 : index
    %swap3A_14 = arith.constant 0 : index
    %swap3A_15 = vector.load %arg4[%swap3A, %swap3A_14] : memref<2000x64xf32, #tpu.memory_space<vmem>>, vector<2000x64xf32>
    tpu.vector_store %arg4[%swap3A, %swap3A_14], %mul3A_13 {strides = array<i32>} : memref<2000x64xf32, #tpu.memory_space<vmem>>, vector<2000x64xf32>,
    %convert_element_type3A = arith.truncf %mul3A_13 : vector<2000x64xf32> to vector<2000x64xbf16>
    %swap3A_16 = arith.constant 0 : index
    %swap3A_17 = arith.constant 0 : index
    %swap3A_18 = vector.load %arg5[%swap3A_16, %swap3A_17] : memref<2000x64xbf16, #tpu.memory_space<vmem>>, vector<2000x64xbf16>
    tpu.vector_store %arg5[%swap3A_16, %swap3A_17], %convert_element_type3A {strides = array<i32>} : memref<2000x64xbf16, #tpu.memory_space<vmem>>, vector<2000x64xbf16>,
    %broadcast_in_dim3A_19 = vector.shape_cast %rsqrt3A : vector<2000xf32> to vector<2000x1xf32>
    %swap3A_20 = arith.constant 0 : index
    %swap3A_21 = arith.constant 0 : index
    %swap3A_22 = vector.load %arg6[%swap3A_20, %swap3A_21] : memref<2000x1xf32, #tpu.memory_space<vmem>>, vector<2000x1xf32>
    tpu.vector_store %arg6[%swap3A_20, %swap3A_21], %broadcast_in_dim3A_19 {strides = array<i32>} : memref<2000x1xf32, #tpu.memory_space<vmem>>, vector<2000x1xf32>,
    return
  }
  func.func @transform_0(%arg0: i32) -> (i32, i32) {
    %c0_i32 = arith.constant 0 : i32
    %c0_i32_0 = arith.constant 0 : i32
    return %arg0, %c0_i32 : i32, i32
  }
  func.func @transform_1(%arg0: i32) -> (i32, i32) {
    %c0_i32 = arith.constant 0 : i32
    %c0_i32_0 = arith.constant 0 : i32
    %c0_i32_1 = arith.constant 0 : i32
    return %c0_i32, %c0_i32_0 : i32, i32
  }
  func.func @transform_2(%arg0: i32) -> (i32, i32, i32) {
    %c0_i32 = arith.constant 0 : i32
    %c0_i32_0 = arith.constant 0 : i32
    %c0_i32_1 = arith.constant 0 : i32
    return %c0_i32, %arg0, %c0_i32_0 : i32, i32, i32
  }
  func.func @transform_3(%arg0: i32) -> (i32, i32) {
    %c0_i32 = arith.constant 0 : i32
    %c0_i32_0 = arith.constant 0 : i32
    return %arg0, %c0_i32 : i32, i32
  }
  func.func @transform_4(%arg0: i32) -> (i32, i32) {
    %c0_i32 = arith.constant 0 : i32
    %c0_i32_0 = arith.constant 0 : i32
    return %arg0, %c0_i32 : i32, i32
  }
  func.func @transform_5(%arg0: i32) -> (i32, i32) {
    %c0_i32 = arith.constant 0 : i32
    %c0_i32_0 = arith.constant 0 : i32
    return %arg0, %c0_i32 : i32, i32
  }
}

module attributes {stable_mosaic.version = 14 : i64} {
  func.func @body(%arg0: i32, %arg1: memref<2x2000x64xbf16, #tpu.memory_space<vmem>>, %arg2: memref<2000x64xf32, #tpu.memory_space<vmem>>, %arg3: memref<2000x1xf32, #tpu.memory_space<vmem>>, %arg4: memref<1x64xf32, #tpu.memory_space<vmem>>, %arg5: memref<64x64xf32, #tpu.memory_space<vmem>>, %arg6: memref<2000x64xf32, #tpu.memory_space<vmem>>, %arg7: memref<2000x64xbf16, #tpu.memory_space<vmem>>) attributes {dimension_semantics = [#tpu.dimension_semantics<arbitrary>], iteration_bounds = array<i64: 5>, scalar_prefetch = 0 : i64, scratch_operands = 0 : i64, tpu.core_type = #tpu.core_type<tc>, window_params = [{transform_indices = @transform_0, window_bounds = array<i64: 2, 2000, 64>}, {transform_indices = @transform_1, window_bounds = array<i64: 2000, 64>}, {transform_indices = @transform_2, window_bounds = array<i64: 2000, 1>}, {pipeline_mode = #tpu.pipeline_mode<synchronous>, transform_indices = @transform_3, window_bounds = array<i64: 1, 64>}, {pipeline_mode = #tpu.pipeline_mode<synchronous>, transform_indices = @transform_4, window_bounds = array<i64: 64, 64>}, {transform_indices = @transform_5, window_bounds = array<i64: 2000, 64>}, {transform_indices = @transform_6, window_bounds = array<i64: 2000, 64>}]} {
    %get3A = arith.constant 0 : index
    %get3A_0 = arith.constant 0 : index
    %get3A_1 = arith.constant 0 : index
    %get3A_2 = vector.load %arg1[%get3A, %get3A_0, %get3A_1] : memref<2x2000x64xbf16, #tpu.memory_space<vmem>>, vector<2x2000x64xbf16>
    %convert_element_type3A = arith.extf %get3A_2 : vector<2x2000x64xbf16> to vector<2x2000x64xf32>
    %get3A_3 = arith.constant 0 : index
    %get3A_4 = arith.constant 0 : index
    %get3A_5 = vector.load %arg3[%get3A_3, %get3A_4] : memref<2000x1xf32, #tpu.memory_space<vmem>>, vector<2000x1xf32>
    %reduce_sum3A = arith.constant dense<0.000000e+00> : vector<2000x64xf32>
    %reduce_sum3A_6 = vector.multi_reduction <add>, %convert_element_type3A, %reduce_sum3A [0] : vector<2x2000x64xf32> to vector<2000x64xf32>
    %get3A_7 = arith.constant 0 : index
    %get3A_8 = arith.constant 0 : index
    %get3A_9 = vector.load %arg2[%get3A_7, %get3A_8] : memref<2000x64xf32, #tpu.memory_space<vmem>>, vector<2000x64xf32>
    %add3A = arith.addf %reduce_sum3A_6, %get3A_9 : vector<2000x64xf32>
    %mul3A = vector.broadcast %get3A_5 : vector<2000x1xf32> to vector<2000x64xf32>
    %mul3A_10 = arith.mulf %add3A, %mul3A : vector<2000x64xf32>
    %get3A_11 = arith.constant 0 : index
    %get3A_12 = arith.constant 0 : index
    %get3A_13 = vector.load %arg4[%get3A_11, %get3A_12] : memref<1x64xf32, #tpu.memory_space<vmem>>, vector<1x64xf32>
    %add3A_14 = vector.broadcast %get3A_13 : vector<1x64xf32> to vector<2000x64xf32>
    %add3A_15 = arith.addf %mul3A_10, %add3A_14 : vector<2000x64xf32>
    %max3A = arith.constant 0.000000e+00 : f32
    %max3A_16 = vector.broadcast %max3A : f32 to vector<2000x64xf32>
    %max3A_17 = arith.maximumf %add3A_15, %max3A_16 : vector<2000x64xf32>
    %get3A_18 = arith.constant 0 : index
    %get3A_19 = arith.constant 0 : index
    %get3A_20 = vector.load %arg5[%get3A_18, %get3A_19] : memref<64x64xf32, #tpu.memory_space<vmem>>, vector<64x64xf32>
    %dot_general3A = arith.constant dense<0.000000e+00> : vector<2000x64xf32>
    %dot_general3A_21 = tpu.matmul %max3A_17, %get3A_20, %dot_general3A {dimension_numbers = #tpu.dot_dimension_numbers<[1], [0], [0], [1], [0, 0, 1, 1], [], []>, transpose_lhs_hint = false} : vector<2000x64xf32>, vector<64x64xf32>, vector<2000x64xf32> -> vector<2000x64xf32>
    %mul3A_22 = vector.broadcast %get3A_5 : vector<2000x1xf32> to vector<2000x64xf32>
    %mul3A_23 = arith.mulf %dot_general3A_21, %mul3A_22 : vector<2000x64xf32>
    %swap3A = arith.constant 0 : index
    %swap3A_24 = arith.constant 0 : index
    %swap3A_25 = vector.load %arg6[%swap3A, %swap3A_24] : memref<2000x64xf32, #tpu.memory_space<vmem>>, vector<2000x64xf32>
    tpu.vector_store %arg6[%swap3A, %swap3A_24], %mul3A_23 {strides = array<i32>} : memref<2000x64xf32, #tpu.memory_space<vmem>>, vector<2000x64xf32>,
    %convert_element_type3A_26 = arith.truncf %mul3A_23 : vector<2000x64xf32> to vector<2000x64xbf16>
    %swap3A_27 = arith.constant 0 : index
    %swap3A_28 = arith.constant 0 : index
    %swap3A_29 = vector.load %arg7[%swap3A_27, %swap3A_28] : memref<2000x64xbf16, #tpu.memory_space<vmem>>, vector<2000x64xbf16>
    tpu.vector_store %arg7[%swap3A_27, %swap3A_28], %convert_element_type3A_26 {strides = array<i32>} : memref<2000x64xbf16, #tpu.memory_space<vmem>>, vector<2000x64xbf16>,
    return
  }
  func.func @transform_0(%arg0: i32) -> (i32, i32, i32) {
    %c0_i32 = arith.constant 0 : i32
    %c0_i32_0 = arith.constant 0 : i32
    %c0_i32_1 = arith.constant 0 : i32
    return %c0_i32, %arg0, %c0_i32_0 : i32, i32, i32
  }
  func.func @transform_1(%arg0: i32) -> (i32, i32) {
    %c0_i32 = arith.constant 0 : i32
    %c0_i32_0 = arith.constant 0 : i32
    return %arg0, %c0_i32 : i32, i32
  }
  func.func @transform_2(%arg0: i32) -> (i32, i32) {
    %c0_i32 = arith.constant 0 : i32
    %c0_i32_0 = arith.constant 0 : i32
    return %arg0, %c0_i32 : i32, i32
  }
  func.func @transform_3(%arg0: i32) -> (i32, i32) {
    %c0_i32 = arith.constant 0 : i32
    %c0_i32_0 = arith.constant 0 : i32
    %c0_i32_1 = arith.constant 0 : i32
    return %c0_i32, %c0_i32_0 : i32, i32
  }
  func.func @transform_4(%arg0: i32) -> (i32, i32) {
    %c0_i32 = arith.constant 0 : i32
    %c0_i32_0 = arith.constant 0 : i32
    %c0_i32_1 = arith.constant 0 : i32
    return %c0_i32, %c0_i32_0 : i32, i32
  }
  func.func @transform_5(%arg0: i32) -> (i32, i32) {
    %c0_i32 = arith.constant 0 : i32
    %c0_i32_0 = arith.constant 0 : i32
    return %arg0, %c0_i32 : i32, i32
  }
  func.func @transform_6(%arg0: i32) -> (i32, i32) {
    %c0_i32 = arith.constant 0 : i32
    %c0_i32_0 = arith.constant 0 : i32
    return %arg0, %c0_i32 : i32, i32
  }
}

module attributes {stable_mosaic.version = 14 : i64} {
  func.func @body(%arg0: i32, %arg1: memref<2x2000x64xbf16, #tpu.memory_space<vmem>>, %arg2: memref<2000x64xf32, #tpu.memory_space<vmem>>, %arg3: memref<2000x1xf32, #tpu.memory_space<vmem>>, %arg4: memref<1x64xf32, #tpu.memory_space<vmem>>, %arg5: memref<2000x64xf32, #tpu.memory_space<vmem>>) attributes {dimension_semantics = [#tpu.dimension_semantics<arbitrary>], iteration_bounds = array<i64: 5>, scalar_prefetch = 0 : i64, scratch_operands = 0 : i64, tpu.core_type = #tpu.core_type<tc>, window_params = [{transform_indices = @transform_0, window_bounds = array<i64: 2, 2000, 64>}, {transform_indices = @transform_1, window_bounds = array<i64: 2000, 64>}, {transform_indices = @transform_2, window_bounds = array<i64: 2000, 1>}, {pipeline_mode = #tpu.pipeline_mode<synchronous>, transform_indices = @transform_3, window_bounds = array<i64: 1, 64>}, {transform_indices = @transform_4, window_bounds = array<i64: 2000, 64>}]} {
    %get3A = arith.constant 0 : index
    %get3A_0 = arith.constant 0 : index
    %get3A_1 = arith.constant 0 : index
    %get3A_2 = vector.load %arg1[%get3A, %get3A_0, %get3A_1] : memref<2x2000x64xbf16, #tpu.memory_space<vmem>>, vector<2x2000x64xbf16>
    %convert_element_type3A = arith.extf %get3A_2 : vector<2x2000x64xbf16> to vector<2x2000x64xf32>
    %reduce_sum3A = arith.constant dense<0.000000e+00> : vector<2000x64xf32>
    %reduce_sum3A_3 = vector.multi_reduction <add>, %convert_element_type3A, %reduce_sum3A [0] : vector<2x2000x64xf32> to vector<2000x64xf32>
    %get3A_4 = arith.constant 0 : index
    %get3A_5 = arith.constant 0 : index
    %get3A_6 = vector.load %arg2[%get3A_4, %get3A_5] : memref<2000x64xf32, #tpu.memory_space<vmem>>, vector<2000x64xf32>
    %add3A = arith.addf %reduce_sum3A_3, %get3A_6 : vector<2000x64xf32>
    %get3A_7 = arith.constant 0 : index
    %get3A_8 = arith.constant 0 : index
    %get3A_9 = vector.load %arg3[%get3A_7, %get3A_8] : memref<2000x1xf32, #tpu.memory_space<vmem>>, vector<2000x1xf32>
    %mul3A = vector.broadcast %get3A_9 : vector<2000x1xf32> to vector<2000x64xf32>
    %mul3A_10 = arith.mulf %add3A, %mul3A : vector<2000x64xf32>
    %get3A_11 = arith.constant 0 : index
    %get3A_12 = arith.constant 0 : index
    %get3A_13 = vector.load %arg4[%get3A_11, %get3A_12] : memref<1x64xf32, #tpu.memory_space<vmem>>, vector<1x64xf32>
    %add3A_14 = vector.broadcast %get3A_13 : vector<1x64xf32> to vector<2000x64xf32>
    %add3A_15 = arith.addf %mul3A_10, %add3A_14 : vector<2000x64xf32>
    %swap3A = arith.constant 0 : index
    %swap3A_16 = arith.constant 0 : index
    %swap3A_17 = vector.load %arg5[%swap3A, %swap3A_16] : memref<2000x64xf32, #tpu.memory_space<vmem>>, vector<2000x64xf32>
    tpu.vector_store %arg5[%swap3A, %swap3A_16], %add3A_15 {strides = array<i32>} : memref<2000x64xf32, #tpu.memory_space<vmem>>, vector<2000x64xf32>,
    return
  }
  func.func @transform_0(%arg0: i32) -> (i32, i32, i32) {
    %c0_i32 = arith.constant 0 : i32
    %c0_i32_0 = arith.constant 0 : i32
    %c0_i32_1 = arith.constant 0 : i32
    return %c0_i32, %arg0, %c0_i32_0 : i32, i32, i32
  }
  func.func @transform_1(%arg0: i32) -> (i32, i32) {
    %c0_i32 = arith.constant 0 : i32
    %c0_i32_0 = arith.constant 0 : i32
    return %arg0, %c0_i32 : i32, i32
  }
  func.func @transform_2(%arg0: i32) -> (i32, i32) {
    %c0_i32 = arith.constant 0 : i32
    %c0_i32_0 = arith.constant 0 : i32
    return %arg0, %c0_i32 : i32, i32
  }
  func.func @transform_3(%arg0: i32) -> (i32, i32) {
    %c0_i32 = arith.constant 0 : i32
    %c0_i32_0 = arith.constant 0 : i32
    %c0_i32_1 = arith.constant 0 : i32
    return %c0_i32, %c0_i32_0 : i32, i32
  }
  func.func @transform_4(%arg0: i32) -> (i32, i32) {
    %c0_i32 = arith.constant 0 : i32
    %c0_i32_0 = arith.constant 0 : i32
    return %arg0, %c0_i32 : i32, i32
  }
}

</mosaic_0001>

<sc_bundles>
// kernel: kernel.11.cloned.1.call-start
scs
__scs_entry_jumppad:
0x0: {  	(pc) =	sbr.rel $0x88, $3  }
0x1: {  	(tag) =	ssettag $0x0;
	lr =	simm.s32 $0x1  }
0x2: {  	[smem:$0x3F9B] =	sst lr;
	_ =	strace $0xD0000000  }
0x3: {  	_ = 	snop  }
0x4: {  	_ = 	snop  }
0x5: {  	_ = 	snop  }
0x6: {  	_ = 	snop  }
0x7: {  	_ = 	snop  }
__scs_overlays_trampoline_lowered:
0x8: {  	[smem:$0x3FAA] =	sst s0  }
0x9: {  	[smem:$0x3FAB] =	sst s1  }
0xa: {  	[smem:$0x3FAC] =	sst s2  }
0xb: {  	[smem:$0x3FAD] =	sst s3  }
0xc: {  	[smem:$0x3FAE] =	sst s4  }
0xd: {  	[smem:$0x3FAF] =	sst s5  }
0xe: {  	[smem:$0x3FB0] =	sst s6  }
0xf: {  	[smem:$0x3FB1] =	sst s7  }
0x10: {  	[smem:$0x3FB2] =	sst s8  }
0x11: {  	[smem:$0x3FB3] =	sst s9;
	s0 =	simm.s32 @!p0 $0x0  }
0x12: {  	s1 =	sld [smem:$0x3F99];
	s0 =	simm.s32 @p0 $0x1  }
0x13: {  	[smem:$0x3FB4] =	sst s0;
	s0 =	simm.s32 @!p1 $0x0  }
0x14: {  	s2 =	sld [smem:$0x3F98];
	s0 =	simm.s32 @p1 $0x1  }
0x15: {  	[smem:$0x3FB5] =	sst s0;
	s0 =	simm.s32 @!p2 $0x0  }
0x16: {  	s3 =	sld [smem:$0x3FDB];
	s0 =	simm.s32 @p2 $0x1  }
0x17: {  	s4 =	simm.s32 $0x1BF5;
	[smem:$0x3FB7] =	sst s0  }
0x18: {  	s0 =	sld [smem:$0x3F9A];
	_ =	swait.ge [sflag:s4], $0x0  }
0x19: {  	s7 =	sld [smem:$0x3F9B]  }
0x1a: {  	s8 =	sadd.s32 $0xFFFFE003, lr  }
0x1b: {  	s9 =	sadd.s32 $0xFFFFFEF7, lr;
	s5 =	simm.s32 $0xFFFFFFFF;
	p2 =	slt.u32 s8, $0xFFFFF086  }
0x1c: {  	p1 =	slt.u32 s9, $0xF7A;
	s5 =	simm.s32 @!p2 $0x0  }
0x1d: {  	s5 =	simm.s32 @p1 $0x1;
	p0 =	seq.s32 s7, s2  }
0x1e: {  	s7 =	smul.u32 @!p0 $0xF7A, s2;
	p2 =	seq.s32 @!p0 s5, $0x0  }
0x1f: {  	s9 =	smul.u32 $0xF7A, s1;
	s8 =	simm.s32 @!p0 $0x1BF5;
	p2 =	por !p2, p0  }
0x20: {  	[sflag:s8] =	ssyncset.s32 @!p0 $0xFFFFF086;
	s6 =	sadd.s32 @!p0 s3, s7;
	s7 =	simm.s32 @!p0 $0x108  }
0x21: {  	s3 =	sadd.s32 s3, s9;
	s6 =	sadd.s32 @!p0 $0x88, s6;
	s7 =	simm.s32 @p2 $0x1082  }
0x22: {  	[simem:s7], [sflag:s8] =	dma.local @!p0 [hbm:s6], $0xF7A  }
0x23: {  	s9 =	sor.u32 $0xD0000000, s2;
	s6 =	simm.s32 $0x108;
	_ =	swait.ge @!p0 [sflag:s8], $0x0  }
0x24: {  	s3 =	sadd.s32 $0x88, s3;
	s6 =	simm.s32 @!p1 $0x1082;
	[sflag:s4] =	ssyncset.s32 $0xFFFFF086  }
0x25: {  	[simem:s6], [sflag:s4] =	dma.local [hbm:s3], $0xF7A  }
0x26: {  	[smem:$0x3F9B] =	sst s1;
	(tag) =	ssettag s2;
	_ =	strace s9  }
0x27: {  	s1 =	sld [smem:$0x3FAB]  }
0x28: {  	s2 =	sld [smem:$0x3FAC]  }
0x29: {  	s4 =	sld [smem:$0x3FAE]  }
0x2a: {  	p0 =	seq.s32 s5, $0x0;
	s5 =	sld [smem:$0x3FAF]  }
0x2b: {  	s6 =	sld [smem:$0x3FB0]  }
0x2c: {  	s7 =	sld [smem:$0x3FB1]  }
0x2d: {  	s3 =	simm.s32 $0x108;
	s8 =	sld [smem:$0x3FB2]  }
0x2e: {  	s3 =	simm.s32 @!p0 $0x1082;
	s9 =	sld [smem:$0x3FB3]  }
0x2f: {  	lr =	sadd.s32 s0, s3;
	s0 =	sld [smem:$0x3FAA]  }
0x30: {  	s3 =	sld [smem:$0x3FAD]  }
0x31: {  	[smem:$0x3FB6] =	sst s10  }
0x32: {  	s10 =	sld [smem:$0x3FB4];
	_ =	sdelay $0x3  }
0x33: {  	p0 =	seq.s32 s10, $0x1;
	s10 =	sld [smem:$0x3FB6];
	_ =	sdelay $0x3  }
0x34: {  	[smem:$0x3FB6] =	sst s10  }
0x35: {  	s10 =	sld [smem:$0x3FB5];
	_ =	sdelay $0x3  }
0x36: {  	p1 =	seq.s32 s10, $0x1;
	s10 =	sld [smem:$0x3FB6];
	_ =	sdelay $0x3  }
0x37: {  	[smem:$0x3FB6] =	sst s10  }
0x38: {  	s10 =	sld [smem:$0x3FB7]  }
0x39: {  	_ = 	snop;
	(pc) =	sbr.ind lr, $3  }
0x3a: {  	_ = 	snop  }
0x3b: {  	_ = 	snop  }
0x3c: {  	p2 =	seq.s32 s10, $0x1;
	s10 =	sld [smem:$0x3FB6]  }
0x3d: {  	_ =	shalt  }
0x3e: {  	_ =	shalt  }
0x3f: {  	_ =	shalt  }
0x40: {  	_ =	shalt  }
0x41: {  	_ =	shalt  }
0x42: {  	_ =	shalt  }
0x43: {  	_ =	shalt  }
0x44: {  	_ =	shalt  }
0x45: {  	_ =	shalt  }
0x46: {  	_ =	shalt  }
0x47: {  	_ =	shalt  }
0x48: {  	_ =	shalt  }
0x49: {  	_ =	shalt  }
0x4a: {  	_ =	shalt  }
0x4b: {  	_ =	shalt  }
0x4c: {  	_ =	shalt  }
0x4d: {  	_ =	shalt  }
0x4e: {  	_ =	shalt  }
0x4f: {  	_ =	shalt  }
0x50: {  	_ =	shalt  }
0x51: {  	_ =	shalt  }
0x52: {  	_ =	shalt  }
0x53: {  	_ =	shalt  }
0x54: {  	_ =	shalt  }
0x55: {  	_ =	shalt  }
0x56: {  	_ =	shalt  }
0x57: {  	_ =	shalt  }
0x58: {  	_ =	shalt  }
0x59: {  	_ =	shalt  }
0x5a: {  	_ =	shalt  }
0x5b: {  	_ =	shalt  }
0x5c: {  	_ =	shalt  }
0x5d: {  	_ =	shalt  }
0x5e: {  	_ =	shalt  }
0x5f: {  	_ =	shalt  }
0x60: {  	_ =	shalt  }
0x61: {  	_ =	shalt  }
0x62: {  	_ =	shalt  }
0x63: {  	_ =	shalt  }
0x64: {  	_ =	shalt  }
0x65: {  	_ =	shalt  }
0x66: {  	_ =	shalt  }
0x67: {  	_ =	shalt  }
0x68: {  	_ =	shalt  }
0x69: {  	_ =	shalt  }
0x6a: {  	_ =	shalt  }
0x6b: {  	_ =	shalt  }
0x6c: {  	_ =	shalt  }
0x6d: {  	_ =	shalt  }
0x6e: {  	_ =	shalt  }
0x6f: {  	_ =	shalt  }
0x70: {  	_ =	shalt  }
0x71: {  	_ =	shalt  }
0x72: {  	_ =	shalt  }
0x73: {  	_ =	shalt  }
0x74: {  	_ =	shalt  }
0x75: {  	_ =	shalt  }
0x76: {  	_ =	shalt  }
0x77: {  	_ =	shalt  }
0x78: {  	_ =	shalt  }
0x79: {  	_ =	shalt  }
0x7a: {  	_ =	shalt  }
0x7b: {  	_ =	shalt  }
0x7c: {  	_ =	shalt  }
0x7d: {  	_ =	shalt  }
0x7e: {  	_ =	shalt  }
0x7f: {  	_ =	shalt  }
0x80: {  	_ =	shalt  }
0x81: {  	_ =	shalt  }
0x82: {  	_ =	shalt  }
0x83: {  	_ =	shalt  }
0x84: {  	_ =	shalt  }
0x85: {  	_ =	shalt  }
0x86: {  	_ =	shalt  }
0x87: {  	_ =	shalt  }
.Lfunc_end0:
.L_simem_size_0:
called_computation.1_lowered:
.L_overlay_start_0:
0x88: {  	s2 =	sld [smem:$0x3FD9]  }
0x89: {  	s3 =	sld [smem:$0x3FFE];
	_ =	sdelay $0x1  }
0x8a: {  	s1 =	srdreg.scid  }
0x8b: {  	s0 =	sand.u32 $0x1, s1  }
0x8c: {  	s17 =	sshll.u32 s0, $0xA;
	s2 =	sadd.s32 s3, s2  }
0x8d: {  	s2 =	sadd.s32 s2, s17  }
0x8e: {  	[smem:$0x3FC2] =	sst s2  }
0x8f: {  	_ = 	snop  }
0x90: {  	s2 =	sld [smem:$0x3FD0];
	(tm) =	ssettm $0x1  }
0x91: {  	s18 =	sld [smem:$0x3FFB];
	_ =	sdelay $0x3  }
0x92: {  	_ =	strace s18  }
0x93: {  	s3 =	sld [smem:$0x3FFC];
	_ =	sdelay $0x3  }
0x94: {  	_ =	strace s3  }
0x95: {  	s3 =	sld [smem:$0x3FFD];
	_ =	sdelay $0x3  }
0x96: {  	_ =	strace s3  }
0x97: {  	_ =	strace $0x8FFFFFFF  }
0x98: {  	s19 =	sld [smem:$0x3FDB];
	_ =	sdelay $0x1  }
0x99: {  	s4 =	simm.s32 $_scs_section_size  }
0x9a: {  	s5 =	simm.s32 $_size__tile_overlayer_lowered;
	s6 =	simm.s32 $_tile_overlayer_lowered  }
0x9b: {  	s22 =	simm.s32 $0x1BFF;
	s21 =	sshll.u32 s6, $0x1;
	s3 =	sadd.s32 s4, s19  }
0x9c: {  	s7 =	simm.s32 $0x0;
	s20 =	sshll.u32 s5, $0x1;
	s5 =	sadd.s32 s21, s3  }
0x9d: {  	[timem:s7], [sflag:s22] =	dma.local [hbm:s5], s20  }
0x9e: {  	_ =	swait.ge [sflag:s22], s20  }
0x9f: {  	s4 =	ssub.s32 $0x0, s20;
	[sflag:s22] =	ssyncset.done $0x0  }
0xa0: {  	[sflag:s22] =	ssyncadd.s32 s4;
	_ =	sdelay $0x1  }
0xa1: {  	s23 =	simm.s32 $0x1B8B  }
0xa2: {  	_ =	swait.ge [sflag:s23], $0x1  }
0xa3: {  	[sflag:s23] =	ssyncset.done $0x0  }
0xa4: {  	s25 =	simm.s32 $0x1B8E;
	s24 =	sld [smem:$0x3FFE];
	[sflag:s23] =	ssyncadd.s32 $0xFFFFFFFF  }
0xa5: {  	s26 =	simm.s32 $execute0_lowered;
	[smem:$0x3FD2] =	sst s25  }
0xa6: {  	s5 =	sshll.u32 s26, $0x1;
	_ =	strace $0x80000049;
	[dreg:$0x1] =	wrdreg $0xFFFFFFFF  }
0xa7: {  	s28 =	simm.s32 $_size_execute0_lowered;
	s3 =	sadd.s32 s3, s5;
	[dreg:$0x0] =	wrdreg $0x0  }
0xa8: {  	s5 =	sshll.u32 s28, $0x1;
	[dreg:$0x2] =	wrdreg s3  }
0xa9: {  	[dreg:$0x3] =	wrdreg s5  }
0xaa: {  	[dreg:$0x4] =	wrdreg $0xC0  }
0xab: {  	_ =	task [dreg:s7], $0x5FFFF  }
0xac: {  	[dreg:$0x1] =	wrdreg $0xFFFFFFFF  }
0xad: {  	[dreg:$0x0] =	wrdreg $0x60  }
0xae: {  	[dreg:$0x2] =	wrdreg s24  }
0xaf: {  	[dreg:$0x3] =	wrdreg s2  }
0xb0: {  	[dreg:$0x4] =	wrdreg $0x90000  }
0xb1: {  	[dreg:$0x5] =	wrdreg $0x9  }
0xb2: {  	_ =	task.clear_ibuf [dreg:s7], $0x6FFFF;
	_ =	strace $0x90000049  }
0xb3: {  	s29 =	simm.s32 $0x9;
	_ =	strace $0x8000004B  }
0xb4: {  	_ =	swait.ge [sflag:s29], $0x1  }
0xb5: {  	[sflag:s29] =	ssyncadd.s32 $0xFFFFFFFF  }
0xb6: {  	_ =	strace $0x9000004B  }
0xb7: {  	_ =	sfence  }
0xb8: {  	s30 =	sld [smem:$0x0];
	_ =	sdelay $0x2  }
0xb9: {  	s31 =	sshll.u32 s1, $0xD;
	s1 =	sshrl.u32 s1, $0x2  }
0xba: {  	s3 =	sand.u32 $0x4000, s31;
	s1 =	sadd.s32 s1, s30  }
0xbb: {  	s0 =	sor.u32 s3, s0;
	s1 =	sshll.u32 s1, $0x11  }
0xbc: {  	s0 =	sor.u32 s1, s0  }
0xbd: {  	s0 =	sadd.s32 $0x8F2B, s0  }
0xbe: {  	[sflag:s0] =	ssyncadd.remote.s32 $0x1  }
0xbf: {  	_ =	sfence.sel $0xFFFF  }
0xc0: {  	[dreg:$0x0] =	wrdreg $0xFFFFFFFF;
	(pc) =	sbr.abs _section_cstart, $3  }
0xc1: {  	[dreg:$0x1] =	wrdreg $0xFFFFFFFF  }
0xc2: {  	_ =	task.clear_ibuf [dreg:s7], $0x2FFFF;
	_ =	strace $0x9FFFFFFF  }
0xc3: {  	(tm) =	ssettm $0x7FFFFFFF  }
tec
execute0_lowered:
.L_overlay_start_1:
0x0: {  	(tag) =	ssettag $0x1  }
0x1: {  	s0 =	srdreg.scid;
	s1 =	rddreg [dreg:$0x0]  }
0x2: {  	s8 =	rddreg [dreg:$0x1];
	s11 =	stileid.u32  }
0x3: {  	s2 =	rddreg [dreg:$0x2];
	s14 =	simm.s32 $0x80;
	s15 =	simm.s32 $0x5000  }
0x4: {  	s16 =	simm.s32 $0x6000;
	s17 =	simm.s32 $0x1;
	s19 =	simm.s32 $0x7000  }
0x5: {  	s20 =	simm.s32 $0x2;
	s23 =	simm.s32 $0x8000;
	s24 =	simm.s32 $0x3  }
0x6: {  	s29 =	simm.s32 $0x4;
	s31 =	simm.s32 $0x6;
	s18 =	simm.s32 $0x8  }
0x7: {  	s21 =	simm.s32 $0x0;
	s0 =	sand.u32 $0x1, s0;
	s7 =	smul.u32 $0x9E00, s11  }
0x8: {  	s30 =	sshll.u32 s11, $0x6;
	s3 =	sshll.u32 s0, $0x4;
	s6 =	ssub.s32 $0x2, s0  }
0x9: {  	s0 =	smul.u32 $0x9E000, s0;
	s12 =	sor.u32 $0x1C09, s30;
	s4 =	sor.u32 s11, s3  }
0xa: {  	s3 =	simm.s32 $0x0;
	s10 =	sshrl.u32 s6, $0x1;
	s28 =	sshrl.u32 s7, $0x1  }
0xb: {  	s11 =	simm.s32 $0x2800;
	s5 =	smul.u32 $0x500, s4;
	[smem:$0x7FF] =	sst s3  }
0xc: {  	s4 =	sadd.s32 $0x17200, s1;
	s26 =	ssub.s32 s6, s10;
	s0 =	sadd.s32 s7, s0  }
.Ltmp0:
0xd: {  	s13 =	sadd.s32 s28, s2;
	s10 =	simm.s32 $0x9;
	(pc) =	sbr.rel .LBB2_1-.Ltmp0, $4  }
0xe: {  	_ =	strace $0x8000004A;
	s0 =	sshrl.u32 s0, $0x4;
	s13 =	sshrl.u32 s13, $0x3  }
0xf: {  	s9 =	sadd.s32 s5, s1;
	s5 =	sadd.s32 $0xC800, s1;
	s8 =	sadd.s32 s8, s0  }
0x10: {  	s1 =	simm.s32 $0x280;
	s0 =	simm.s32 $0x7;
	s6 =	sadd.s32 $0xD200, s9  }
0x11: {  	s7 =	sadd.s32 $0x2000, s9;
	s9 =	smax.u32 s26, $0x1;
	s26 =	simm.s32 $0x5  }
.LBB2_4:
0x12: {  	_ =	swait.ge [sflag:s29], $0x1000  }
0x13: {  	[sflag:s29] =	ssyncset.done $0x0  }
0x14: {  	[sflag:s29] =	ssyncadd.s32 $0xFFFFF000  }
0x15: {  	[spmem:s2] =	stream.indirect.scatter.add.bf16 [tilespmem:s23], [sflag:$0x8], $0x20, s28, s14, $0xb8;
	[tilespmem:$0xDF00] =	vst v63  }
0x16: {  	_ =	swait.ge [sflag:s26], $0x1000  }
0x17: {  	[sflag:s26] =	ssyncset.done $0x0  }
0x18: {  	[sflag:s26] =	ssyncadd.s32 $0xFFFFF000  }
0x19: {  	_ =	swait.ge [sflag:s31], $0x1000  }
0x1a: {  	[sflag:s31] =	ssyncset.done $0x0  }
0x1b: {  	[sflag:s31] =	ssyncadd.s32 $0xFFFFF000  }
0x1c: {  	_ =	swait.ge [sflag:s0], $0x1000  }
0x1d: {  	[sflag:s0] =	ssyncset.done $0x0  }
0x1e: {  	[sflag:s0] =	ssyncadd.s32 $0xFFFFF000  }
0x1f: {  	_ =	swait.ge [sflag:s18], $0x1000  }
0x20: {  	s21 =	sadd.s32 $0x1, s21;
	[sflag:s18] =	ssyncset.done $0x0  }
0x21: {  	p0 =	sne.s32 s21, s9;
	[sflag:s18] =	ssyncadd.s32 $0xFFFFF000  }
.Ltmp1:
0x22: {  	[bflag:$0x0] =	sbarrier.arrive $0xFFFF;
	(pc) =	sbr.rel @!p0 .LBB2_5-.Ltmp1, $4  }
0x23: {  	[hbm:s8], [sflag:s12] =	dma.local [spmem:s13], $0x9E0  }
0x24: {  	_ =	swait.ge [sflag:s10], $0x9E0  }
0x25: {  	[sflag:s10] =	ssyncset.done $0x0  }
0x26: {  	[sflag:s10] =	ssyncadd.s32 $0xFFFFF620  }
.LBB2_1:
0x27: {  	[tilespmem:s3], [sflag:$0x9] =	stream.linear.gather [hbm4b:s6+s3], $0x2800, $0x38;
	[tilespmem:$0xDF00] =	vst v63  }
0x28: {  	_ =	swait.ge [sflag:s10], $0x2800  }
0x29: {  	[sflag:s10] =	ssyncset.done $0x0  }
0x2a: {  	[sflag:s10] =	ssyncadd.s32 $0xFFFFD800  }
0x2b: {  	[tilespmem:s11], [sflag:$0x9] =	stream.linear.gather [hbm4b:s7+s3], $0x2800, $0x38;
	[tilespmem:$0xDF00] =	vst v63  }
0x2c: {  	_ =	swait.ge [sflag:s10], $0x2800  }
0x2d: {  	[sflag:s10] =	ssyncset.done $0x0  }
0x2e: {  	[sflag:s10] =	ssyncadd.s32 $0xFFFFD800  }
0x2f: {  	[spmem:s13], [sflag:s12] =	dma.local [hbm:s5], $0x9E0  }
0x30: {  	_ =	swait.ge [sflag:s10], $0x9E0  }
0x31: {  	[sflag:s10] =	ssyncset.done $0x0  }
0x32: {  	[sflag:s10] =	ssyncadd.s32 $0xFFFFF620  }
0x33: {  	[bflag:$0x0] =	sbarrier.arrive $0xFFFF  }
0x34: {  	[tilespmem:s15], [sflag:$0x1] =	stream.indirect.gather [hbm4b:s4+s14], $0x20, s3, s14, $0xb8;
	[tilespmem:$0xDF00] =	vst v63  }
0x35: {  	_ = 	snop  }
0x36: {  	[tilespmem:s16], [sflag:$0x2] =	stream.indirect.gather [hbm4b:s4+s14], $0x20, s14, s14, $0xb8;
	[tilespmem:$0xDF00] =	vst v63  }
0x37: {  	_ =	swait.ge [sflag:s17], $0x1000  }
0x38: {  	[sflag:s17] =	ssyncset.done $0x0  }
0x39: {  	[sflag:s17] =	ssyncadd.s32 $0xFFFFF000  }
0x3a: {  	[spmem:s2] =	stream.indirect.scatter.add.bf16 [tilespmem:s15], [sflag:$0x5], $0x20, s11, s14, $0xb8;
	[tilespmem:$0xDF00] =	vst v63  }
0x3b: {  	s22 =	simm.s32 $0x100  }
0x3c: {  	[tilespmem:s19], [sflag:$0x3] =	stream.indirect.gather [hbm4b:s4+s14], $0x20, s22, s14, $0xb8;
	[tilespmem:$0xDF00] =	vst v63  }
0x3d: {  	_ =	swait.ge [sflag:s20], $0x1000  }
0x3e: {  	[sflag:s20] =	ssyncset.done $0x0  }
0x3f: {  	s28 =	simm.s32 $0x2880;
	[sflag:s20] =	ssyncadd.s32 $0xFFFFF000  }
0x40: {  	[spmem:s2] =	stream.indirect.scatter.add.bf16 [tilespmem:s16], [sflag:$0x6], $0x20, s28, s14, $0xb8;
	[tilespmem:$0xDF00] =	vst v63  }
0x41: {  	s30 =	simm.s32 $0x180  }
0x42: {  	[tilespmem:s23], [sflag:$0x4] =	stream.indirect.gather [hbm4b:s4+s14], $0x20, s30, s14, $0xb8;
	[tilespmem:$0xDF00] =	vst v63  }
0x43: {  	_ =	swait.ge [sflag:s24], $0x1000  }
0x44: {  	[sflag:s24] =	ssyncset.done $0x0  }
0x45: {  	s25 =	simm.s32 $0x2900;
	[sflag:s24] =	ssyncadd.s32 $0xFFFFF000  }
0x46: {  	[spmem:s2] =	stream.indirect.scatter.add.bf16 [tilespmem:s19], [sflag:$0x7], $0x20, s25, s14, $0xb8;
	[tilespmem:$0xDF00] =	vst v63  }
0x47: {  	_ =	swait.ge [sflag:s26], $0x1000  }
0x48: {  	[sflag:s26] =	ssyncset.done $0x0  }
0x49: {  	s28 =	simm.s32 $0x200;
	[sflag:s26] =	ssyncadd.s32 $0xFFFFF000  }
0x4a: {  	[tilespmem:s15], [sflag:$0x1] =	stream.indirect.gather [hbm4b:s4+s14], $0x20, s28, s14, $0xb8;
	[tilespmem:$0xDF00] =	vst v63  }
0x4b: {  	_ =	swait.ge [sflag:s29], $0x1000  }
0x4c: {  	[sflag:s29] =	ssyncset.done $0x0  }
0x4d: {  	s30 =	simm.s32 $0x2980;
	[sflag:s29] =	ssyncadd.s32 $0xFFFFF000  }
0x4e: {  	[spmem:s2] =	stream.indirect.scatter.add.bf16 [tilespmem:s23], [sflag:$0x8], $0x20, s30, s14, $0xb8;
	[tilespmem:$0xDF00] =	vst v63  }
0x4f: {  	_ =	swait.ge [sflag:s31], $0x1000  }
0x50: {  	[sflag:s31] =	ssyncset.done $0x0  }
0x51: {  	s22 =	simm.s32 $0x0;
	[sflag:s31] =	ssyncadd.s32 $0xFFFFF000  }
0x52: {  	[tilespmem:s16], [sflag:$0x2] =	stream.indirect.gather [hbm4b:s4+s14], $0x20, s1, s14, $0xb8;
	[tilespmem:$0xDF00] =	vst v63  }
.LBB2_2:
0x53: {  	_ =	swait.ge [sflag:s17], $0x1000  }
0x54: {  	s25 =	sshra.s32 s22, $0x2;
	[sflag:s17] =	ssyncset.done $0x0  }
0x55: {  	s28 =	sadd.s32 $0x2A00, s25;
	[sflag:s17] =	ssyncadd.s32 $0xFFFFF000  }
0x56: {  	[spmem:s2] =	stream.indirect.scatter.add.bf16 [tilespmem:s15], [sflag:$0x5], $0x20, s28, s14, $0xb8;
	[tilespmem:$0xDF00] =	vst v63  }
0x57: {  	_ =	swait.ge [sflag:s0], $0x1000  }
0x58: {  	[sflag:s0] =	ssyncset.done $0x0  }
0x59: {  	s28 =	sadd.s32 $0x300, s25;
	[sflag:s0] =	ssyncadd.s32 $0xFFFFF000  }
0x5a: {  	[tilespmem:s19], [sflag:$0x3] =	stream.indirect.gather [hbm4b:s4+s14], $0x20, s28, s14, $0xb8;
	[tilespmem:$0xDF00] =	vst v63  }
0x5b: {  	_ =	swait.ge [sflag:s20], $0x1000  }
0x5c: {  	[sflag:s20] =	ssyncset.done $0x0  }
0x5d: {  	s28 =	sadd.s32 $0x2A80, s25;
	[sflag:s20] =	ssyncadd.s32 $0xFFFFF000  }
0x5e: {  	[spmem:s2] =	stream.indirect.scatter.add.bf16 [tilespmem:s16], [sflag:$0x6], $0x20, s28, s14, $0xb8;
	[tilespmem:$0xDF00] =	vst v63  }
0x5f: {  	_ =	swait.ge [sflag:s18], $0x1000  }
0x60: {  	[sflag:s18] =	ssyncset.done $0x0  }
0x61: {  	p0 =	seq.s32 s22, $0x9000;
	s28 =	sadd.s32 $0x380, s25;
	[sflag:s18] =	ssyncadd.s32 $0xFFFFF000  }
0x62: {  	[tilespmem:s23], [sflag:$0x4] =	stream.indirect.gather [hbm4b:s4+s14], $0x20, s28, s14, $0xb8;
	[tilespmem:$0xDF00] =	vst v63  }
.Ltmp2:
0x63: {  	_ =	swait.ge [sflag:s24], $0x1000;
	(pc) =	sbr.rel @p0 .LBB2_4-.Ltmp2, $4  }
0x64: {  	[sflag:s24] =	ssyncset.done $0x0  }
0x65: {  	s28 =	sadd.s32 $0x2B00, s25;
	[sflag:s24] =	ssyncadd.s32 $0xFFFFF000  }
0x66: {  	[spmem:s2] =	stream.indirect.scatter.add.bf16 [tilespmem:s19], [sflag:$0x7], $0x20, s28, s14, $0xb8;
	[tilespmem:$0xDF00] =	vst v63  }
0x67: {  	s28 =	sadd.s32 $0x2B80, s25  }
0x68: {  	_ =	swait.ge [sflag:s26], $0x1000  }
0x69: {  	[sflag:s26] =	ssyncset.done $0x0  }
0x6a: {  	s30 =	sadd.s32 $0x400, s25;
	[sflag:s26] =	ssyncadd.s32 $0xFFFFF000  }
0x6b: {  	[tilespmem:s15], [sflag:$0x1] =	stream.indirect.gather [hbm4b:s4+s14], $0x20, s30, s14, $0xb8;
	[tilespmem:$0xDF00] =	vst v63  }
0x6c: {  	_ =	swait.ge [sflag:s29], $0x1000  }
0x6d: {  	[sflag:s29] =	ssyncset.done $0x0  }
0x6e: {  	[sflag:s29] =	ssyncadd.s32 $0xFFFFF000  }
0x6f: {  	[spmem:s2] =	stream.indirect.scatter.add.bf16 [tilespmem:s23], [sflag:$0x8], $0x20, s28, s14, $0xb8;
	[tilespmem:$0xDF00] =	vst v63  }
.Ltmp3:
0x70: {  	_ = 	snop;
	(pc) =	sbr.rel .LBB2_2-.Ltmp3, $4  }
0x71: {  	_ =	swait.ge [sflag:s31], $0x1000  }
0x72: {  	[sflag:s31] =	ssyncset.done $0x0  }
0x73: {  	s22 =	sadd.s32 $0x800, s22;
	s30 =	sadd.s32 $0x480, s25;
	[sflag:s31] =	ssyncadd.s32 $0xFFFFF000  }
0x74: {  	[tilespmem:s16], [sflag:$0x2] =	stream.indirect.gather [hbm4b:s4+s14], $0x20, s30, s14, $0xb8;
	[tilespmem:$0xDF00] =	vst v63  }
.LBB2_5:
0x75: {  	_ =	sfence.sel $0x180000  }
0x76: {  	[bflag:$0x0] =	sbarrier.arrive $0xFFFF  }
0x77: {  	_ =	strace $0x9000004A  }
0x78: {  	s0 =	stileid.u32;
	[bflag:$0x2] =	sbarrier.arrive $0xFFFF  }
0x79: {  	p0 =	sne.s32 s0, $0x0;
	s0 =	rddreg [dreg:$0x3]  }
0x7a: {  	s0 =	sadd.s32 @!p0 $0x100000, s0  }
0x7b: {  	[sflag:s0] =	ssyncadd.tile.s32 @!p0 $0x1;
	_ =	shalt  }
.Lfunc_end2:
_tile_overlayer_lowered:
.L_overlay_start_2:
0x7c: {  	(tag) =	ssettag $0x2  }
0x7d: {  	s0 =	rddreg [dreg:$0x0];
	s2 =	stileid.u32  }
0x7e: {  	s1 =	rddreg [dreg:$0x1];
	p0 =	sne.s32 s2, $0x0  }
0x7f: {  	s3 =	rddreg [dreg:$0x2];
	[bflag:$0x3] =	sbarrier.arrive $0xFFFF;
	s2 =	simm.s32 @!p0 $0x1C09  }
0x80: {  	[timem:s3], [sflag:s2] =	dma.local @!p0 [hbm:s0], s1  }
0x81: {  	s0 =	simm.s32 @!p0 $0x9  }
0x82: {  	_ =	swait.ge @!p0 [sflag:s0], s1  }
0x83: {  	s1 =	ssub.s32 @!p0 $0x0, s1;
	[sflag:s0] =	ssyncset.done @!p0 $0x0  }
0x84: {  	[sflag:s0] =	ssyncadd.s32 @!p0 s1  }
0x85: {  	[bflag:$0x3] =	sbarrier.arrive $0xFFFF  }
0x86: {  	_ =	shalt  }

// kernel: kernel.14.cloned.1.call-start
scs
__scs_entry_jumppad:
0x0: {  	(pc) =	sbr.rel $0x88, $3  }
0x1: {  	(tag) =	ssettag $0x0;
	lr =	simm.s32 $0x1  }
0x2: {  	[smem:$0x3F9B] =	sst lr;
	_ =	strace $0xD0000000  }
0x3: {  	_ = 	snop  }
0x4: {  	_ = 	snop  }
0x5: {  	_ = 	snop  }
0x6: {  	_ = 	snop  }
0x7: {  	_ = 	snop  }
__scs_overlays_trampoline_lowered:
0x8: {  	[smem:$0x3FAA] =	sst s0  }
0x9: {  	[smem:$0x3FAB] =	sst s1  }
0xa: {  	[smem:$0x3FAC] =	sst s2  }
0xb: {  	[smem:$0x3FAD] =	sst s3  }
0xc: {  	[smem:$0x3FAE] =	sst s4  }
0xd: {  	[smem:$0x3FAF] =	sst s5  }
0xe: {  	[smem:$0x3FB0] =	sst s6  }
0xf: {  	[smem:$0x3FB1] =	sst s7  }
0x10: {  	[smem:$0x3FB2] =	sst s8  }
0x11: {  	[smem:$0x3FB3] =	sst s9;
	s0 =	simm.s32 @!p0 $0x0  }
0x12: {  	s1 =	sld [smem:$0x3F99];
	s0 =	simm.s32 @p0 $0x1  }
0x13: {  	[smem:$0x3FB4] =	sst s0;
	s0 =	simm.s32 @!p1 $0x0  }
0x14: {  	s2 =	sld [smem:$0x3F98];
	s0 =	simm.s32 @p1 $0x1  }
0x15: {  	[smem:$0x3FB5] =	sst s0;
	s0 =	simm.s32 @!p2 $0x0  }
0x16: {  	s3 =	sld [smem:$0x3FDB];
	s0 =	simm.s32 @p2 $0x1  }
0x17: {  	s4 =	simm.s32 $0x1BF5;
	[smem:$0x3FB7] =	sst s0  }
0x18: {  	s0 =	sld [smem:$0x3F9A];
	_ =	swait.ge [sflag:s4], $0x0  }
0x19: {  	s7 =	sld [smem:$0x3F9B]  }
0x1a: {  	s8 =	sadd.s32 $0xFFFFE003, lr  }
0x1b: {  	s9 =	sadd.s32 $0xFFFFFEF7, lr;
	s5 =	simm.s32 $0xFFFFFFFF;
	p2 =	slt.u32 s8, $0xFFFFF086  }
0x1c: {  	p1 =	slt.u32 s9, $0xF7A;
	s5 =	simm.s32 @!p2 $0x0  }
0x1d: {  	s5 =	simm.s32 @p1 $0x1;
	p0 =	seq.s32 s7, s2  }
0x1e: {  	s7 =	smul.u32 @!p0 $0xF7A, s2;
	p2 =	seq.s32 @!p0 s5, $0x0  }
0x1f: {  	s9 =	smul.u32 $0xF7A, s1;
	s8 =	simm.s32 @!p0 $0x1BF5;
	p2 =	por !p2, p0  }
0x20: {  	[sflag:s8] =	ssyncset.s32 @!p0 $0xFFFFF086;
	s6 =	sadd.s32 @!p0 s3, s7;
	s7 =	simm.s32 @!p0 $0x108  }
0x21: {  	s3 =	sadd.s32 s3, s9;
	s6 =	sadd.s32 @!p0 $0x88, s6;
	s7 =	simm.s32 @p2 $0x1082  }
0x22: {  	[simem:s7], [sflag:s8] =	dma.local @!p0 [hbm:s6], $0xF7A  }
0x23: {  	s9 =	sor.u32 $0xD0000000, s2;
	s6 =	simm.s32 $0x108;
	_ =	swait.ge @!p0 [sflag:s8], $0x0  }
0x24: {  	s3 =	sadd.s32 $0x88, s3;
	s6 =	simm.s32 @!p1 $0x1082;
	[sflag:s4] =	ssyncset.s32 $0xFFFFF086  }
0x25: {  	[simem:s6], [sflag:s4] =	dma.local [hbm:s3], $0xF7A  }
0x26: {  	[smem:$0x3F9B] =	sst s1;
	(tag) =	ssettag s2;
	_ =	strace s9  }
0x27: {  	s1 =	sld [smem:$0x3FAB]  }
0x28: {  	s2 =	sld [smem:$0x3FAC]  }
0x29: {  	s4 =	sld [smem:$0x3FAE]  }
0x2a: {  	p0 =	seq.s32 s5, $0x0;
	s5 =	sld [smem:$0x3FAF]  }
0x2b: {  	s6 =	sld [smem:$0x3FB0]  }
0x2c: {  	s7 =	sld [smem:$0x3FB1]  }
0x2d: {  	s3 =	simm.s32 $0x108;
	s8 =	sld [smem:$0x3FB2]  }
0x2e: {  	s3 =	simm.s32 @!p0 $0x1082;
	s9 =	sld [smem:$0x3FB3]  }
0x2f: {  	lr =	sadd.s32 s0, s3;
	s0 =	sld [smem:$0x3FAA]  }
0x30: {  	s3 =	sld [smem:$0x3FAD]  }
0x31: {  	[smem:$0x3FB6] =	sst s10  }
0x32: {  	s10 =	sld [smem:$0x3FB4];
	_ =	sdelay $0x3  }
0x33: {  	p0 =	seq.s32 s10, $0x1;
	s10 =	sld [smem:$0x3FB6];
	_ =	sdelay $0x3  }
0x34: {  	[smem:$0x3FB6] =	sst s10  }
0x35: {  	s10 =	sld [smem:$0x3FB5];
	_ =	sdelay $0x3  }
0x36: {  	p1 =	seq.s32 s10, $0x1;
	s10 =	sld [smem:$0x3FB6];
	_ =	sdelay $0x3  }
0x37: {  	[smem:$0x3FB6] =	sst s10  }
0x38: {  	s10 =	sld [smem:$0x3FB7]  }
0x39: {  	_ = 	snop;
	(pc) =	sbr.ind lr, $3  }
0x3a: {  	_ = 	snop  }
0x3b: {  	_ = 	snop  }
0x3c: {  	p2 =	seq.s32 s10, $0x1;
	s10 =	sld [smem:$0x3FB6]  }
0x3d: {  	_ =	shalt  }
0x3e: {  	_ =	shalt  }
0x3f: {  	_ =	shalt  }
0x40: {  	_ =	shalt  }
0x41: {  	_ =	shalt  }
0x42: {  	_ =	shalt  }
0x43: {  	_ =	shalt  }
0x44: {  	_ =	shalt  }
0x45: {  	_ =	shalt  }
0x46: {  	_ =	shalt  }
0x47: {  	_ =	shalt  }
0x48: {  	_ =	shalt  }
0x49: {  	_ =	shalt  }
0x4a: {  	_ =	shalt  }
0x4b: {  	_ =	shalt  }
0x4c: {  	_ =	shalt  }
0x4d: {  	_ =	shalt  }
0x4e: {  	_ =	shalt  }
0x4f: {  	_ =	shalt  }
0x50: {  	_ =	shalt  }
0x51: {  	_ =	shalt  }
0x52: {  	_ =	shalt  }
0x53: {  	_ =	shalt  }
0x54: {  	_ =	shalt  }
0x55: {  	_ =	shalt  }
0x56: {  	_ =	shalt  }
0x57: {  	_ =	shalt  }
0x58: {  	_ =	shalt  }
0x59: {  	_ =	shalt  }
0x5a: {  	_ =	shalt  }
0x5b: {  	_ =	shalt  }
0x5c: {  	_ =	shalt  }
0x5d: {  	_ =	shalt  }
0x5e: {  	_ =	shalt  }
0x5f: {  	_ =	shalt  }
0x60: {  	_ =	shalt  }
0x61: {  	_ =	shalt  }
0x62: {  	_ =	shalt  }
0x63: {  	_ =	shalt  }
0x64: {  	_ =	shalt  }
0x65: {  	_ =	shalt  }
0x66: {  	_ =	shalt  }
0x67: {  	_ =	shalt  }
0x68: {  	_ =	shalt  }
0x69: {  	_ =	shalt  }
0x6a: {  	_ =	shalt  }
0x6b: {  	_ =	shalt  }
0x6c: {  	_ =	shalt  }
0x6d: {  	_ =	shalt  }
0x6e: {  	_ =	shalt  }
0x6f: {  	_ =	shalt  }
0x70: {  	_ =	shalt  }
0x71: {  	_ =	shalt  }
0x72: {  	_ =	shalt  }
0x73: {  	_ =	shalt  }
0x74: {  	_ =	shalt  }
0x75: {  	_ =	shalt  }
0x76: {  	_ =	shalt  }
0x77: {  	_ =	shalt  }
0x78: {  	_ =	shalt  }
0x79: {  	_ =	shalt  }
0x7a: {  	_ =	shalt  }
0x7b: {  	_ =	shalt  }
0x7c: {  	_ =	shalt  }
0x7d: {  	_ =	shalt  }
0x7e: {  	_ =	shalt  }
0x7f: {  	_ =	shalt  }
0x80: {  	_ =	shalt  }
0x81: {  	_ =	shalt  }
0x82: {  	_ =	shalt  }
0x83: {  	_ =	shalt  }
0x84: {  	_ =	shalt  }
0x85: {  	_ =	shalt  }
0x86: {  	_ =	shalt  }
0x87: {  	_ =	shalt  }
.Lfunc_end0:
.L_simem_size_0:
called_computation.2_lowered:
.L_overlay_start_0:
0x88: {  	s2 =	sld [smem:$0x3FD9]  }
0x89: {  	s3 =	sld [smem:$0x3FFE];
	_ =	sdelay $0x1  }
0x8a: {  	s1 =	srdreg.scid  }
0x8b: {  	s0 =	sand.u32 $0x1, s1  }
0x8c: {  	s17 =	sshll.u32 s0, $0xA;
	s2 =	sadd.s32 s3, s2  }
0x8d: {  	s2 =	sadd.s32 s2, s17  }
0x8e: {  	[smem:$0x3FC2] =	sst s2  }
0x8f: {  	_ = 	snop  }
0x90: {  	s2 =	sld [smem:$0x3FD0];
	(tm) =	ssettm $0x1  }
0x91: {  	s18 =	sld [smem:$0x3FFB];
	_ =	sdelay $0x3  }
0x92: {  	_ =	strace s18  }
0x93: {  	s3 =	sld [smem:$0x3FFC];
	_ =	sdelay $0x3  }
0x94: {  	_ =	strace s3  }
0x95: {  	s3 =	sld [smem:$0x3FFD];
	_ =	sdelay $0x3  }
0x96: {  	_ =	strace s3  }
0x97: {  	_ =	strace $0x8FFFFFFF  }
0x98: {  	s19 =	sld [smem:$0x3FDB];
	_ =	sdelay $0x1  }
0x99: {  	s4 =	simm.s32 $_scs_section_size  }
0x9a: {  	s5 =	simm.s32 $_size__tile_overlayer_lowered;
	s6 =	simm.s32 $_tile_overlayer_lowered  }
0x9b: {  	s22 =	simm.s32 $0x1BFF;
	s21 =	sshll.u32 s6, $0x1;
	s3 =	sadd.s32 s4, s19  }
0x9c: {  	s7 =	simm.s32 $0x0;
	s20 =	sshll.u32 s5, $0x1;
	s5 =	sadd.s32 s21, s3  }
0x9d: {  	[timem:s7], [sflag:s22] =	dma.local [hbm:s5], s20  }
0x9e: {  	_ =	swait.ge [sflag:s22], s20  }
0x9f: {  	s4 =	ssub.s32 $0x0, s20;
	[sflag:s22] =	ssyncset.done $0x0  }
0xa0: {  	[sflag:s22] =	ssyncadd.s32 s4;
	_ =	sdelay $0x1  }
0xa1: {  	s23 =	simm.s32 $0x1B8B  }
0xa2: {  	_ =	swait.ge [sflag:s23], $0x1  }
0xa3: {  	[sflag:s23] =	ssyncset.done $0x0  }
0xa4: {  	s25 =	simm.s32 $0x1B8E;
	s24 =	sld [smem:$0x3FFE];
	[sflag:s23] =	ssyncadd.s32 $0xFFFFFFFF  }
0xa5: {  	s26 =	simm.s32 $execute0_lowered;
	[smem:$0x3FD2] =	sst s25  }
0xa6: {  	s5 =	sshll.u32 s26, $0x1;
	_ =	strace $0x8000004C;
	[dreg:$0x1] =	wrdreg $0xFFFFFFFF  }
0xa7: {  	s28 =	simm.s32 $_size_execute0_lowered;
	s3 =	sadd.s32 s3, s5;
	[dreg:$0x0] =	wrdreg $0x0  }
0xa8: {  	s5 =	sshll.u32 s28, $0x1;
	[dreg:$0x2] =	wrdreg s3  }
0xa9: {  	[dreg:$0x3] =	wrdreg s5  }
0xaa: {  	[dreg:$0x4] =	wrdreg $0xC0  }
0xab: {  	_ =	task [dreg:s7], $0x5FFFF  }
0xac: {  	[dreg:$0x1] =	wrdreg $0xFFFFFFFF  }
0xad: {  	[dreg:$0x0] =	wrdreg $0x60  }
0xae: {  	[dreg:$0x2] =	wrdreg s24  }
0xaf: {  	[dreg:$0x3] =	wrdreg s2  }
0xb0: {  	[dreg:$0x4] =	wrdreg $0x90000  }
0xb1: {  	[dreg:$0x5] =	wrdreg $0x9  }
0xb2: {  	_ =	task.clear_ibuf [dreg:s7], $0x6FFFF;
	_ =	strace $0x9000004C  }
0xb3: {  	s29 =	simm.s32 $0x9;
	_ =	strace $0x8000004E  }
0xb4: {  	_ =	swait.ge [sflag:s29], $0x1  }
0xb5: {  	[sflag:s29] =	ssyncadd.s32 $0xFFFFFFFF  }
0xb6: {  	_ =	strace $0x9000004E  }
0xb7: {  	_ =	sfence  }
0xb8: {  	s30 =	sld [smem:$0x0];
	_ =	sdelay $0x2  }
0xb9: {  	s31 =	sshll.u32 s1, $0xD;
	s1 =	sshrl.u32 s1, $0x2  }
0xba: {  	s3 =	sand.u32 $0x4000, s31;
	s1 =	sadd.s32 s1, s30  }
0xbb: {  	s0 =	sor.u32 s3, s0;
	s1 =	sshll.u32 s1, $0x11  }
0xbc: {  	s0 =	sor.u32 s1, s0  }
0xbd: {  	s0 =	sadd.s32 $0x8F2B, s0  }
0xbe: {  	[sflag:s0] =	ssyncadd.remote.s32 $0x1  }
0xbf: {  	_ =	sfence.sel $0xFFFF  }
0xc0: {  	[dreg:$0x0] =	wrdreg $0xFFFFFFFF;
	(pc) =	sbr.abs _section_cstart, $3  }
0xc1: {  	[dreg:$0x1] =	wrdreg $0xFFFFFFFF  }
0xc2: {  	_ =	task.clear_ibuf [dreg:s7], $0x2FFFF;
	_ =	strace $0x9FFFFFFF  }
0xc3: {  	(tm) =	ssettm $0x7FFFFFFF  }
tec
execute0_lowered:
.L_overlay_start_1:
0x0: {  	(tag) =	ssettag $0x1  }
0x1: {  	s0 =	srdreg.scid;
	s1 =	rddreg [dreg:$0x0]  }
0x2: {  	s8 =	rddreg [dreg:$0x1];
	s11 =	stileid.u32  }
0x3: {  	s2 =	rddreg [dreg:$0x2];
	s14 =	simm.s32 $0x80;
	s15 =	simm.s32 $0x5000  }
0x4: {  	s16 =	simm.s32 $0x6000;
	s17 =	simm.s32 $0x1;
	s19 =	simm.s32 $0x7000  }
0x5: {  	s20 =	simm.s32 $0x2;
	s23 =	simm.s32 $0x8000;
	s24 =	simm.s32 $0x3  }
0x6: {  	s29 =	simm.s32 $0x4;
	s31 =	simm.s32 $0x6;
	s18 =	simm.s32 $0x8  }
0x7: {  	s21 =	simm.s32 $0x0;
	s0 =	sand.u32 $0x1, s0;
	s7 =	smul.u32 $0x9E00, s11  }
0x8: {  	s30 =	sshll.u32 s11, $0x6;
	s3 =	sshll.u32 s0, $0x4;
	s6 =	ssub.s32 $0x2, s0  }
0x9: {  	s0 =	smul.u32 $0x9E000, s0;
	s12 =	sor.u32 $0x1C09, s30;
	s4 =	sor.u32 s11, s3  }
0xa: {  	s3 =	simm.s32 $0x0;
	s10 =	sshrl.u32 s6, $0x1;
	s28 =	sshrl.u32 s7, $0x1  }
0xb: {  	s11 =	simm.s32 $0x2800;
	s5 =	smul.u32 $0x500, s4;
	[smem:$0x7FF] =	sst s3  }
0xc: {  	s4 =	sadd.s32 $0x17200, s1;
	s26 =	ssub.s32 s6, s10;
	s0 =	sadd.s32 s7, s0  }
.Ltmp0:
0xd: {  	s13 =	sadd.s32 s28, s2;
	s10 =	simm.s32 $0x9;
	(pc) =	sbr.rel .LBB2_1-.Ltmp0, $4  }
0xe: {  	_ =	strace $0x8000004D;
	s0 =	sshrl.u32 s0, $0x4;
	s13 =	sshrl.u32 s13, $0x3  }
0xf: {  	s9 =	sadd.s32 s5, s1;
	s5 =	sadd.s32 $0xC800, s1;
	s8 =	sadd.s32 s8, s0  }
0x10: {  	s1 =	simm.s32 $0x280;
	s0 =	simm.s32 $0x7;
	s6 =	sadd.s32 $0xD200, s9  }
0x11: {  	s7 =	sadd.s32 $0x2000, s9;
	s9 =	smax.u32 s26, $0x1;
	s26 =	simm.s32 $0x5  }
.LBB2_4:
0x12: {  	_ =	swait.ge [sflag:s29], $0x1000  }
0x13: {  	[sflag:s29] =	ssyncset.done $0x0  }
0x14: {  	[sflag:s29] =	ssyncadd.s32 $0xFFFFF000  }
0x15: {  	[spmem:s2] =	stream.indirect.scatter.add.bf16 [tilespmem:s23], [sflag:$0x8], $0x20, s28, s14, $0xb8;
	[tilespmem:$0xDF00] =	vst v63  }
0x16: {  	_ =	swait.ge [sflag:s26], $0x1000  }
0x17: {  	[sflag:s26] =	ssyncset.done $0x0  }
0x18: {  	[sflag:s26] =	ssyncadd.s32 $0xFFFFF000  }
0x19: {  	_ =	swait.ge [sflag:s31], $0x1000  }
0x1a: {  	[sflag:s31] =	ssyncset.done $0x0  }
0x1b: {  	[sflag:s31] =	ssyncadd.s32 $0xFFFFF000  }
0x1c: {  	_ =	swait.ge [sflag:s0], $0x1000  }
0x1d: {  	[sflag:s0] =	ssyncset.done $0x0  }
0x1e: {  	[sflag:s0] =	ssyncadd.s32 $0xFFFFF000  }
0x1f: {  	_ =	swait.ge [sflag:s18], $0x1000  }
0x20: {  	s21 =	sadd.s32 $0x1, s21;
	[sflag:s18] =	ssyncset.done $0x0  }
0x21: {  	p0 =	sne.s32 s21, s9;
	[sflag:s18] =	ssyncadd.s32 $0xFFFFF000  }
.Ltmp1:
0x22: {  	[bflag:$0x0] =	sbarrier.arrive $0xFFFF;
	(pc) =	sbr.rel @!p0 .LBB2_5-.Ltmp1, $4  }
0x23: {  	[hbm:s8], [sflag:s12] =	dma.local [spmem:s13], $0x9E0  }
0x24: {  	_ =	swait.ge [sflag:s10], $0x9E0  }
0x25: {  	[sflag:s10] =	ssyncset.done $0x0  }
0x26: {  	[sflag:s10] =	ssyncadd.s32 $0xFFFFF620  }
.LBB2_1:
0x27: {  	[tilespmem:s3], [sflag:$0x9] =	stream.linear.gather [hbm4b:s6+s3], $0x2800, $0x38;
	[tilespmem:$0xDF00] =	vst v63  }
0x28: {  	_ =	swait.ge [sflag:s10], $0x2800  }
0x29: {  	[sflag:s10] =	ssyncset.done $0x0  }
0x2a: {  	[sflag:s10] =	ssyncadd.s32 $0xFFFFD800  }
0x2b: {  	[tilespmem:s11], [sflag:$0x9] =	stream.linear.gather [hbm4b:s7+s3], $0x2800, $0x38;
	[tilespmem:$0xDF00] =	vst v63  }
0x2c: {  	_ =	swait.ge [sflag:s10], $0x2800  }
0x2d: {  	[sflag:s10] =	ssyncset.done $0x0  }
0x2e: {  	[sflag:s10] =	ssyncadd.s32 $0xFFFFD800  }
0x2f: {  	[spmem:s13], [sflag:s12] =	dma.local [hbm:s5], $0x9E0  }
0x30: {  	_ =	swait.ge [sflag:s10], $0x9E0  }
0x31: {  	[sflag:s10] =	ssyncset.done $0x0  }
0x32: {  	[sflag:s10] =	ssyncadd.s32 $0xFFFFF620  }
0x33: {  	[bflag:$0x0] =	sbarrier.arrive $0xFFFF  }
0x34: {  	[tilespmem:s15], [sflag:$0x1] =	stream.indirect.gather [hbm4b:s4+s14], $0x20, s3, s14, $0xb8;
	[tilespmem:$0xDF00] =	vst v63  }
0x35: {  	_ = 	snop  }
0x36: {  	[tilespmem:s16], [sflag:$0x2] =	stream.indirect.gather [hbm4b:s4+s14], $0x20, s14, s14, $0xb8;
	[tilespmem:$0xDF00] =	vst v63  }
0x37: {  	_ =	swait.ge [sflag:s17], $0x1000  }
0x38: {  	[sflag:s17] =	ssyncset.done $0x0  }
0x39: {  	[sflag:s17] =	ssyncadd.s32 $0xFFFFF000  }
0x3a: {  	[spmem:s2] =	stream.indirect.scatter.add.bf16 [tilespmem:s15], [sflag:$0x5], $0x20, s11, s14, $0xb8;
	[tilespmem:$0xDF00] =	vst v63  }
0x3b: {  	s22 =	simm.s32 $0x100  }
0x3c: {  	[tilespmem:s19], [sflag:$0x3] =	stream.indirect.gather [hbm4b:s4+s14], $0x20, s22, s14, $0xb8;
	[tilespmem:$0xDF00] =	vst v63  }
0x3d: {  	_ =	swait.ge [sflag:s20], $0x1000  }
0x3e: {  	[sflag:s20] =	ssyncset.done $0x0  }
0x3f: {  	s28 =	simm.s32 $0x2880;
	[sflag:s20] =	ssyncadd.s32 $0xFFFFF000  }
0x40: {  	[spmem:s2] =	stream.indirect.scatter.add.bf16 [tilespmem:s16], [sflag:$0x6], $0x20, s28, s14, $0xb8;
	[tilespmem:$0xDF00] =	vst v63  }
0x41: {  	s30 =	simm.s32 $0x180  }
0x42: {  	[tilespmem:s23], [sflag:$0x4] =	stream.indirect.gather [hbm4b:s4+s14], $0x20, s30, s14, $0xb8;
	[tilespmem:$0xDF00] =	vst v63  }
0x43: {  	_ =	swait.ge [sflag:s24], $0x1000  }
0x44: {  	[sflag:s24] =	ssyncset.done $0x0  }
0x45: {  	s25 =	simm.s32 $0x2900;
	[sflag:s24] =	ssyncadd.s32 $0xFFFFF000  }
0x46: {  	[spmem:s2] =	stream.indirect.scatter.add.bf16 [tilespmem:s19], [sflag:$0x7], $0x20, s25, s14, $0xb8;
	[tilespmem:$0xDF00] =	vst v63  }
0x47: {  	_ =	swait.ge [sflag:s26], $0x1000  }
0x48: {  	[sflag:s26] =	ssyncset.done $0x0  }
0x49: {  	s28 =	simm.s32 $0x200;
	[sflag:s26] =	ssyncadd.s32 $0xFFFFF000  }
0x4a: {  	[tilespmem:s15], [sflag:$0x1] =	stream.indirect.gather [hbm4b:s4+s14], $0x20, s28, s14, $0xb8;
	[tilespmem:$0xDF00] =	vst v63  }
0x4b: {  	_ =	swait.ge [sflag:s29], $0x1000  }
0x4c: {  	[sflag:s29] =	ssyncset.done $0x0  }
0x4d: {  	s30 =	simm.s32 $0x2980;
	[sflag:s29] =	ssyncadd.s32 $0xFFFFF000  }
0x4e: {  	[spmem:s2] =	stream.indirect.scatter.add.bf16 [tilespmem:s23], [sflag:$0x8], $0x20, s30, s14, $0xb8;
	[tilespmem:$0xDF00] =	vst v63  }
0x4f: {  	_ =	swait.ge [sflag:s31], $0x1000  }
0x50: {  	[sflag:s31] =	ssyncset.done $0x0  }
0x51: {  	s22 =	simm.s32 $0x0;
	[sflag:s31] =	ssyncadd.s32 $0xFFFFF000  }
0x52: {  	[tilespmem:s16], [sflag:$0x2] =	stream.indirect.gather [hbm4b:s4+s14], $0x20, s1, s14, $0xb8;
	[tilespmem:$0xDF00] =	vst v63  }
.LBB2_2:
0x53: {  	_ =	swait.ge [sflag:s17], $0x1000  }
0x54: {  	s25 =	sshra.s32 s22, $0x2;
	[sflag:s17] =	ssyncset.done $0x0  }
0x55: {  	s28 =	sadd.s32 $0x2A00, s25;
	[sflag:s17] =	ssyncadd.s32 $0xFFFFF000  }
0x56: {  	[spmem:s2] =	stream.indirect.scatter.add.bf16 [tilespmem:s15], [sflag:$0x5], $0x20, s28, s14, $0xb8;
	[tilespmem:$0xDF00] =	vst v63  }
0x57: {  	_ =	swait.ge [sflag:s0], $0x1000  }
0x58: {  	[sflag:s0] =	ssyncset.done $0x0  }
0x59: {  	s28 =	sadd.s32 $0x300, s25;
	[sflag:s0] =	ssyncadd.s32 $0xFFFFF000  }
0x5a: {  	[tilespmem:s19], [sflag:$0x3] =	stream.indirect.gather [hbm4b:s4+s14], $0x20, s28, s14, $0xb8;
	[tilespmem:$0xDF00] =	vst v63  }
0x5b: {  	_ =	swait.ge [sflag:s20], $0x1000  }
0x5c: {  	[sflag:s20] =	ssyncset.done $0x0  }
0x5d: {  	s28 =	sadd.s32 $0x2A80, s25;
	[sflag:s20] =	ssyncadd.s32 $0xFFFFF000  }
0x5e: {  	[spmem:s2] =	stream.indirect.scatter.add.bf16 [tilespmem:s16], [sflag:$0x6], $0x20, s28, s14, $0xb8;
	[tilespmem:$0xDF00] =	vst v63  }
0x5f: {  	_ =	swait.ge [sflag:s18], $0x1000  }
0x60: {  	[sflag:s18] =	ssyncset.done $0x0  }
0x61: {  	p0 =	seq.s32 s22, $0x9000;
	s28 =	sadd.s32 $0x380, s25;
	[sflag:s18] =	ssyncadd.s32 $0xFFFFF000  }
0x62: {  	[tilespmem:s23], [sflag:$0x4] =	stream.indirect.gather [hbm4b:s4+s14], $0x20, s28, s14, $0xb8;
	[tilespmem:$0xDF00] =	vst v63  }
.Ltmp2:
0x63: {  	_ =	swait.ge [sflag:s24], $0x1000;
	(pc) =	sbr.rel @p0 .LBB2_4-.Ltmp2, $4  }
0x64: {  	[sflag:s24] =	ssyncset.done $0x0  }
0x65: {  	s28 =	sadd.s32 $0x2B00, s25;
	[sflag:s24] =	ssyncadd.s32 $0xFFFFF000  }
0x66: {  	[spmem:s2] =	stream.indirect.scatter.add.bf16 [tilespmem:s19], [sflag:$0x7], $0x20, s28, s14, $0xb8;
	[tilespmem:$0xDF00] =	vst v63  }
0x67: {  	s28 =	sadd.s32 $0x2B80, s25  }
0x68: {  	_ =	swait.ge [sflag:s26], $0x1000  }
0x69: {  	[sflag:s26] =	ssyncset.done $0x0  }
0x6a: {  	s30 =	sadd.s32 $0x400, s25;
	[sflag:s26] =	ssyncadd.s32 $0xFFFFF000  }
0x6b: {  	[tilespmem:s15], [sflag:$0x1] =	stream.indirect.gather [hbm4b:s4+s14], $0x20, s30, s14, $0xb8;
	[tilespmem:$0xDF00] =	vst v63  }
0x6c: {  	_ =	swait.ge [sflag:s29], $0x1000  }
0x6d: {  	[sflag:s29] =	ssyncset.done $0x0  }
0x6e: {  	[sflag:s29] =	ssyncadd.s32 $0xFFFFF000  }
0x6f: {  	[spmem:s2] =	stream.indirect.scatter.add.bf16 [tilespmem:s23], [sflag:$0x8], $0x20, s28, s14, $0xb8;
	[tilespmem:$0xDF00] =	vst v63  }
.Ltmp3:
0x70: {  	_ = 	snop;
	(pc) =	sbr.rel .LBB2_2-.Ltmp3, $4  }
0x71: {  	_ =	swait.ge [sflag:s31], $0x1000  }
0x72: {  	[sflag:s31] =	ssyncset.done $0x0  }
0x73: {  	s22 =	sadd.s32 $0x800, s22;
	s30 =	sadd.s32 $0x480, s25;
	[sflag:s31] =	ssyncadd.s32 $0xFFFFF000  }
0x74: {  	[tilespmem:s16], [sflag:$0x2] =	stream.indirect.gather [hbm4b:s4+s14], $0x20, s30, s14, $0xb8;
	[tilespmem:$0xDF00] =	vst v63  }
.LBB2_5:
0x75: {  	_ =	sfence.sel $0x180000  }
0x76: {  	[bflag:$0x0] =	sbarrier.arrive $0xFFFF  }
0x77: {  	_ =	strace $0x9000004D  }
0x78: {  	s0 =	stileid.u32;
	[bflag:$0x2] =	sbarrier.arrive $0xFFFF  }
0x79: {  	p0 =	sne.s32 s0, $0x0;
	s0 =	rddreg [dreg:$0x3]  }
0x7a: {  	s0 =	sadd.s32 @!p0 $0x100000, s0  }
0x7b: {  	[sflag:s0] =	ssyncadd.tile.s32 @!p0 $0x1;
	_ =	shalt  }
.Lfunc_end2:
_tile_overlayer_lowered:
.L_overlay_start_2:
0x7c: {  	(tag) =	ssettag $0x2  }
0x7d: {  	s0 =	rddreg [dreg:$0x0];
	s2 =	stileid.u32  }
0x7e: {  	s1 =	rddreg [dreg:$0x1];
	p0 =	sne.s32 s2, $0x0  }
0x7f: {  	s3 =	rddreg [dreg:$0x2];
	[bflag:$0x3] =	sbarrier.arrive $0xFFFF;
	s2 =	simm.s32 @!p0 $0x1C09  }
0x80: {  	[timem:s3], [sflag:s2] =	dma.local @!p0 [hbm:s0], s1  }
0x81: {  	s0 =	simm.s32 @!p0 $0x9  }
0x82: {  	_ =	swait.ge @!p0 [sflag:s0], s1  }
0x83: {  	s1 =	ssub.s32 @!p0 $0x0, s1;
	[sflag:s0] =	ssyncset.done @!p0 $0x0  }
0x84: {  	[sflag:s0] =	ssyncadd.s32 @!p0 s1  }
0x85: {  	[bflag:$0x3] =	sbarrier.arrive $0xFFFF  }
0x86: {  	_ =	shalt  }

// kernel: kernel.8.cloned.1.call-start
scs
__scs_entry_jumppad:
0x0: {  	(pc) =	sbr.rel $0x88, $3  }
0x1: {  	(tag) =	ssettag $0x0;
	lr =	simm.s32 $0x1  }
0x2: {  	[smem:$0x3F9B] =	sst lr;
	_ =	strace $0xD0000000  }
0x3: {  	_ = 	snop  }
0x4: {  	_ = 	snop  }
0x5: {  	_ = 	snop  }
0x6: {  	_ = 	snop  }
0x7: {  	_ = 	snop  }
__scs_overlays_trampoline_lowered:
0x8: {  	[smem:$0x3FAA] =	sst s0  }
0x9: {  	[smem:$0x3FAB] =	sst s1  }
0xa: {  	[smem:$0x3FAC] =	sst s2  }
0xb: {  	[smem:$0x3FAD] =	sst s3  }
0xc: {  	[smem:$0x3FAE] =	sst s4  }
0xd: {  	[smem:$0x3FAF] =	sst s5  }
0xe: {  	[smem:$0x3FB0] =	sst s6  }
0xf: {  	[smem:$0x3FB1] =	sst s7  }
0x10: {  	[smem:$0x3FB2] =	sst s8  }
0x11: {  	[smem:$0x3FB3] =	sst s9;
	s0 =	simm.s32 @!p0 $0x0  }
0x12: {  	s1 =	sld [smem:$0x3F99];
	s0 =	simm.s32 @p0 $0x1  }
0x13: {  	[smem:$0x3FB4] =	sst s0;
	s0 =	simm.s32 @!p1 $0x0  }
0x14: {  	s2 =	sld [smem:$0x3F98];
	s0 =	simm.s32 @p1 $0x1  }
0x15: {  	[smem:$0x3FB5] =	sst s0;
	s0 =	simm.s32 @!p2 $0x0  }
0x16: {  	s3 =	sld [smem:$0x3FDB];
	s0 =	simm.s32 @p2 $0x1  }
0x17: {  	s4 =	simm.s32 $0x1BF5;
	[smem:$0x3FB7] =	sst s0  }
0x18: {  	s0 =	sld [smem:$0x3F9A];
	_ =	swait.ge [sflag:s4], $0x0  }
0x19: {  	s7 =	sld [smem:$0x3F9B]  }
0x1a: {  	s8 =	sadd.s32 $0xFFFFE003, lr  }
0x1b: {  	s9 =	sadd.s32 $0xFFFFFEF7, lr;
	s5 =	simm.s32 $0xFFFFFFFF;
	p2 =	slt.u32 s8, $0xFFFFF086  }
0x1c: {  	p1 =	slt.u32 s9, $0xF7A;
	s5 =	simm.s32 @!p2 $0x0  }
0x1d: {  	s5 =	simm.s32 @p1 $0x1;
	p0 =	seq.s32 s7, s2  }
0x1e: {  	s7 =	smul.u32 @!p0 $0xF7A, s2;
	p2 =	seq.s32 @!p0 s5, $0x0  }
0x1f: {  	s9 =	smul.u32 $0xF7A, s1;
	s8 =	simm.s32 @!p0 $0x1BF5;
	p2 =	por !p2, p0  }
0x20: {  	[sflag:s8] =	ssyncset.s32 @!p0 $0xFFFFF086;
	s6 =	sadd.s32 @!p0 s3, s7;
	s7 =	simm.s32 @!p0 $0x108  }
0x21: {  	s3 =	sadd.s32 s3, s9;
	s6 =	sadd.s32 @!p0 $0x88, s6;
	s7 =	simm.s32 @p2 $0x1082  }
0x22: {  	[simem:s7], [sflag:s8] =	dma.local @!p0 [hbm:s6], $0xF7A  }
0x23: {  	s9 =	sor.u32 $0xD0000000, s2;
	s6 =	simm.s32 $0x108;
	_ =	swait.ge @!p0 [sflag:s8], $0x0  }
0x24: {  	s3 =	sadd.s32 $0x88, s3;
	s6 =	simm.s32 @!p1 $0x1082;
	[sflag:s4] =	ssyncset.s32 $0xFFFFF086  }
0x25: {  	[simem:s6], [sflag:s4] =	dma.local [hbm:s3], $0xF7A  }
0x26: {  	[smem:$0x3F9B] =	sst s1;
	(tag) =	ssettag s2;
	_ =	strace s9  }
0x27: {  	s1 =	sld [smem:$0x3FAB]  }
0x28: {  	s2 =	sld [smem:$0x3FAC]  }
0x29: {  	s4 =	sld [smem:$0x3FAE]  }
0x2a: {  	p0 =	seq.s32 s5, $0x0;
	s5 =	sld [smem:$0x3FAF]  }
0x2b: {  	s6 =	sld [smem:$0x3FB0]  }
0x2c: {  	s7 =	sld [smem:$0x3FB1]  }
0x2d: {  	s3 =	simm.s32 $0x108;
	s8 =	sld [smem:$0x3FB2]  }
0x2e: {  	s3 =	simm.s32 @!p0 $0x1082;
	s9 =	sld [smem:$0x3FB3]  }
0x2f: {  	lr =	sadd.s32 s0, s3;
	s0 =	sld [smem:$0x3FAA]  }
0x30: {  	s3 =	sld [smem:$0x3FAD]  }
0x31: {  	[smem:$0x3FB6] =	sst s10  }
0x32: {  	s10 =	sld [smem:$0x3FB4];
	_ =	sdelay $0x3  }
0x33: {  	p0 =	seq.s32 s10, $0x1;
	s10 =	sld [smem:$0x3FB6];
	_ =	sdelay $0x3  }
0x34: {  	[smem:$0x3FB6] =	sst s10  }
0x35: {  	s10 =	sld [smem:$0x3FB5];
	_ =	sdelay $0x3  }
0x36: {  	p1 =	seq.s32 s10, $0x1;
	s10 =	sld [smem:$0x3FB6];
	_ =	sdelay $0x3  }
0x37: {  	[smem:$0x3FB6] =	sst s10  }
0x38: {  	s10 =	sld [smem:$0x3FB7]  }
0x39: {  	_ = 	snop;
	(pc) =	sbr.ind lr, $3  }
0x3a: {  	_ = 	snop  }
0x3b: {  	_ = 	snop  }
0x3c: {  	p2 =	seq.s32 s10, $0x1;
	s10 =	sld [smem:$0x3FB6]  }
0x3d: {  	_ =	shalt  }
0x3e: {  	_ =	shalt  }
0x3f: {  	_ =	shalt  }
0x40: {  	_ =	shalt  }
0x41: {  	_ =	shalt  }
0x42: {  	_ =	shalt  }
0x43: {  	_ =	shalt  }
0x44: {  	_ =	shalt  }
0x45: {  	_ =	shalt  }
0x46: {  	_ =	shalt  }
0x47: {  	_ =	shalt  }
0x48: {  	_ =	shalt  }
0x49: {  	_ =	shalt  }
0x4a: {  	_ =	shalt  }
0x4b: {  	_ =	shalt  }
0x4c: {  	_ =	shalt  }
0x4d: {  	_ =	shalt  }
0x4e: {  	_ =	shalt  }
0x4f: {  	_ =	shalt  }
0x50: {  	_ =	shalt  }
0x51: {  	_ =	shalt  }
0x52: {  	_ =	shalt  }
0x53: {  	_ =	shalt  }
0x54: {  	_ =	shalt  }
0x55: {  	_ =	shalt  }
0x56: {  	_ =	shalt  }
0x57: {  	_ =	shalt  }
0x58: {  	_ =	shalt  }
0x59: {  	_ =	shalt  }
0x5a: {  	_ =	shalt  }
0x5b: {  	_ =	shalt  }
0x5c: {  	_ =	shalt  }
0x5d: {  	_ =	shalt  }
0x5e: {  	_ =	shalt  }
0x5f: {  	_ =	shalt  }
0x60: {  	_ =	shalt  }
0x61: {  	_ =	shalt  }
0x62: {  	_ =	shalt  }
0x63: {  	_ =	shalt  }
0x64: {  	_ =	shalt  }
0x65: {  	_ =	shalt  }
0x66: {  	_ =	shalt  }
0x67: {  	_ =	shalt  }
0x68: {  	_ =	shalt  }
0x69: {  	_ =	shalt  }
0x6a: {  	_ =	shalt  }
0x6b: {  	_ =	shalt  }
0x6c: {  	_ =	shalt  }
0x6d: {  	_ =	shalt  }
0x6e: {  	_ =	shalt  }
0x6f: {  	_ =	shalt  }
0x70: {  	_ =	shalt  }
0x71: {  	_ =	shalt  }
0x72: {  	_ =	shalt  }
0x73: {  	_ =	shalt  }
0x74: {  	_ =	shalt  }
0x75: {  	_ =	shalt  }
0x76: {  	_ =	shalt  }
0x77: {  	_ =	shalt  }
0x78: {  	_ =	shalt  }
0x79: {  	_ =	shalt  }
0x7a: {  	_ =	shalt  }
0x7b: {  	_ =	shalt  }
0x7c: {  	_ =	shalt  }
0x7d: {  	_ =	shalt  }
0x7e: {  	_ =	shalt  }
0x7f: {  	_ =	shalt  }
0x80: {  	_ =	shalt  }
0x81: {  	_ =	shalt  }
0x82: {  	_ =	shalt  }
0x83: {  	_ =	shalt  }
0x84: {  	_ =	shalt  }
0x85: {  	_ =	shalt  }
0x86: {  	_ =	shalt  }
0x87: {  	_ =	shalt  }
.Lfunc_end0:
.L_simem_size_0:
called_computation_lowered:
.L_overlay_start_0:
0x88: {  	s2 =	sld [smem:$0x3FD9]  }
0x89: {  	s3 =	sld [smem:$0x3FFE];
	_ =	sdelay $0x1  }
0x8a: {  	s1 =	srdreg.scid  }
0x8b: {  	s0 =	sand.u32 $0x1, s1  }
0x8c: {  	s17 =	sshll.u32 s0, $0xA;
	s2 =	sadd.s32 s3, s2  }
0x8d: {  	s2 =	sadd.s32 s2, s17  }
0x8e: {  	[smem:$0x3FC2] =	sst s2  }
0x8f: {  	_ = 	snop  }
0x90: {  	s2 =	sld [smem:$0x3FD0];
	(tm) =	ssettm $0x1  }
0x91: {  	s18 =	sld [smem:$0x3FFB];
	_ =	sdelay $0x3  }
0x92: {  	_ =	strace s18  }
0x93: {  	s3 =	sld [smem:$0x3FFC];
	_ =	sdelay $0x3  }
0x94: {  	_ =	strace s3  }
0x95: {  	s3 =	sld [smem:$0x3FFD];
	_ =	sdelay $0x3  }
0x96: {  	_ =	strace s3  }
0x97: {  	_ =	strace $0x8FFFFFFF  }
0x98: {  	s19 =	sld [smem:$0x3FDB];
	_ =	sdelay $0x1  }
0x99: {  	s4 =	simm.s32 $_scs_section_size  }
0x9a: {  	s5 =	simm.s32 $_size__tile_overlayer_lowered;
	s6 =	simm.s32 $_tile_overlayer_lowered  }
0x9b: {  	s22 =	simm.s32 $0x1BFF;
	s21 =	sshll.u32 s6, $0x1;
	s3 =	sadd.s32 s4, s19  }
0x9c: {  	s7 =	simm.s32 $0x0;
	s20 =	sshll.u32 s5, $0x1;
	s5 =	sadd.s32 s21, s3  }
0x9d: {  	[timem:s7], [sflag:s22] =	dma.local [hbm:s5], s20  }
0x9e: {  	_ =	swait.ge [sflag:s22], s20  }
0x9f: {  	s4 =	ssub.s32 $0x0, s20;
	[sflag:s22] =	ssyncset.done $0x0  }
0xa0: {  	[sflag:s22] =	ssyncadd.s32 s4;
	_ =	sdelay $0x1  }
0xa1: {  	s23 =	simm.s32 $0x1B8B  }
0xa2: {  	_ =	swait.ge [sflag:s23], $0x1  }
0xa3: {  	[sflag:s23] =	ssyncset.done $0x0  }
0xa4: {  	s25 =	simm.s32 $0x1B8E;
	s24 =	sld [smem:$0x3FFE];
	[sflag:s23] =	ssyncadd.s32 $0xFFFFFFFF  }
0xa5: {  	s26 =	simm.s32 $execute0_lowered;
	[smem:$0x3FD2] =	sst s25  }
0xa6: {  	s5 =	sshll.u32 s26, $0x1;
	_ =	strace $0x80000046;
	[dreg:$0x1] =	wrdreg $0xFFFFFFFF  }
0xa7: {  	s28 =	simm.s32 $_size_execute0_lowered;
	s3 =	sadd.s32 s3, s5;
	[dreg:$0x0] =	wrdreg $0x0  }
0xa8: {  	s5 =	sshll.u32 s28, $0x1;
	[dreg:$0x2] =	wrdreg s3  }
0xa9: {  	[dreg:$0x3] =	wrdreg s5  }
0xaa: {  	[dreg:$0x4] =	wrdreg $0xC0  }
0xab: {  	_ =	task [dreg:s7], $0x5FFFF  }
0xac: {  	[dreg:$0x1] =	wrdreg $0xFFFFFFFF  }
0xad: {  	[dreg:$0x0] =	wrdreg $0x60  }
0xae: {  	[dreg:$0x2] =	wrdreg s24  }
0xaf: {  	[dreg:$0x3] =	wrdreg s2  }
0xb0: {  	[dreg:$0x4] =	wrdreg $0x30000  }
0xb1: {  	[dreg:$0x5] =	wrdreg $0x9  }
0xb2: {  	_ =	task.clear_ibuf [dreg:s7], $0x6FFFF;
	_ =	strace $0x90000046  }
0xb3: {  	s29 =	simm.s32 $0x9;
	_ =	strace $0x80000048  }
0xb4: {  	_ =	swait.ge [sflag:s29], $0x1  }
0xb5: {  	[sflag:s29] =	ssyncadd.s32 $0xFFFFFFFF  }
0xb6: {  	_ =	strace $0x90000048  }
0xb7: {  	_ =	sfence  }
0xb8: {  	s30 =	sld [smem:$0x0];
	_ =	sdelay $0x2  }
0xb9: {  	s31 =	sshll.u32 s1, $0xD;
	s1 =	sshrl.u32 s1, $0x2  }
0xba: {  	s3 =	sand.u32 $0x4000, s31;
	s1 =	sadd.s32 s1, s30  }
0xbb: {  	s0 =	sor.u32 s3, s0;
	s1 =	sshll.u32 s1, $0x11  }
0xbc: {  	s0 =	sor.u32 s1, s0  }
0xbd: {  	s0 =	sadd.s32 $0x8F2B, s0  }
0xbe: {  	[sflag:s0] =	ssyncadd.remote.s32 $0x1  }
0xbf: {  	_ =	sfence.sel $0xFFFF  }
0xc0: {  	[dreg:$0x0] =	wrdreg $0xFFFFFFFF;
	(pc) =	sbr.abs _section_cstart, $3  }
0xc1: {  	[dreg:$0x1] =	wrdreg $0xFFFFFFFF  }
0xc2: {  	_ =	task.clear_ibuf [dreg:s7], $0x2FFFF;
	_ =	strace $0x9FFFFFFF  }
0xc3: {  	(tm) =	ssettm $0x7FFFFFFF  }
tec
execute0_lowered:
.L_overlay_start_1:
0x0: {  	(tag) =	ssettag $0x1  }
0x1: {  	s5 =	rddreg [dreg:$0x0]  }
0x2: {  	s7 =	rddreg [dreg:$0x1]  }
0x3: {  	s0 =	srdreg.scid;
	s2 =	rddreg [dreg:$0x2];
	s3 =	simm.s32 $0x0  }
0x4: {  	s13 =	simm.s32 $0x80;
	s4 =	sand.u32 $0x1, s0;
	s0 =	stileid.u32  }
0x5: {  	s14 =	simm.s32 $0x1;
	s15 =	simm.s32 $0x0;
	s8 =	smul.u32 $0x2780, s0  }
0x6: {  	[smem:$0x7FF] =	sst s3;
	s1 =	sshll.u32 s4, $0x4;
	s9 =	smul.u32 $0x27800, s4  }
0x7: {  	s10 =	ssub.s32 $0x2, s4;
	s4 =	sadd.s32 $0xC000, s5;
	s1 =	sor.u32 s0, s1  }
0x8: {  	s31 =	sshll.u32 s0, $0x6;
	s11 =	sshrl.u32 s10, $0x1;
	s6 =	smul.u32 $0x500, s1  }
0x9: {  	s1 =	rddreg [dreg:$0x3];
	_ =	strace $0x80000047;
	s9 =	sadd.s32 s8, s9  }
0xa: {  	s10 =	ssub.s32 s10, s11;
	s12 =	sadd.s32 s8, s2;
	s11 =	sor.u32 $0x1C02, s31  }
0xb: {  	s9 =	sshrl.u32 s9, $0x3;
	s8 =	smax.u32 s10, $0x1;
	s10 =	simm.s32 $0x2800  }
0xc: {  	s12 =	sshrl.u32 s12, $0x3;
	s6 =	sadd.s32 s6, s5;
	s5 =	sadd.s32 $0xC200, s5  }
0xd: {  	s7 =	sadd.s32 s7, s9;
	s9 =	simm.s32 $0x2;
	s6 =	sadd.s32 $0x2000, s6  }
.LBB2_1:
0xe: {  	[tilespmem:s3], [sflag:$0x2] =	stream.linear.gather [hbm4b:s6+s3], $0x2800, $0x38;
	[tilespmem:$0x5780] =	vst v63  }
0xf: {  	_ =	swait.ge [sflag:s9], $0x2800  }
0x10: {  	[sflag:s9] =	ssyncset.done $0x0  }
0x11: {  	[sflag:s9] =	ssyncadd.s32 $0xFFFFD800  }
0x12: {  	[tilespmem:s10], [sflag:$0x2] =	stream.linear.gather [hbm4b:s4+s3], $0x800, $0x38;
	[tilespmem:$0x5780] =	vst v63  }
0x13: {  	_ =	swait.ge [sflag:s9], $0x800  }
0x14: {  	[sflag:s9] =	ssyncset.done $0x0  }
0x15: {  	[sflag:s9] =	ssyncadd.s32 $0xFFFFF800  }
0x16: {  	[spmem:s12], [sflag:s11] =	dma.local [hbm:s5], $0x4F0  }
0x17: {  	_ =	swait.ge [sflag:s9], $0x4F0  }
0x18: {  	[sflag:s9] =	ssyncset.done $0x0  }
0x19: {  	[sflag:s9] =	ssyncadd.s32 $0xFFFFFB10  }
0x1a: {  	s16 =	simm.s32 $0x0;
	[bflag:$0x0] =	sbarrier.arrive $0xFFFF  }
0x1b: {  	[spmem:s2] =	stream.indirect.scatter.add.f32 [tilespmem:s10], [sflag:$0x1], $0x10, s16, s13, $0xb8;
	[tilespmem:$0x5780] =	vst v63  }
0x1c: {  	s24 =	simm.s32 $0x80  }
0x1d: {  	[spmem:s2] =	stream.indirect.scatter.add.f32 [tilespmem:s10], [sflag:$0x1], $0x10, s24, s13, $0xb8;
	[tilespmem:$0x5780] =	vst v63  }
0x1e: {  	s25 =	simm.s32 $0x100  }
0x1f: {  	[spmem:s2] =	stream.indirect.scatter.add.f32 [tilespmem:s10], [sflag:$0x1], $0x10, s25, s13, $0xb8;
	[tilespmem:$0x5780] =	vst v63  }
0x20: {  	s26 =	simm.s32 $0x180  }
0x21: {  	[spmem:s2] =	stream.indirect.scatter.add.f32 [tilespmem:s10], [sflag:$0x1], $0x10, s26, s13, $0xb8;
	[tilespmem:$0x5780] =	vst v63  }
0x22: {  	s28 =	simm.s32 $0x200  }
0x23: {  	[spmem:s2] =	stream.indirect.scatter.add.f32 [tilespmem:s10], [sflag:$0x1], $0x10, s28, s13, $0xb8;
	[tilespmem:$0x5780] =	vst v63  }
0x24: {  	s29 =	simm.s32 $0x280  }
0x25: {  	[spmem:s2] =	stream.indirect.scatter.add.f32 [tilespmem:s10], [sflag:$0x1], $0x10, s29, s13, $0xb8;
	[tilespmem:$0x5780] =	vst v63  }
0x26: {  	s30 =	simm.s32 $0x300  }
0x27: {  	[spmem:s2] =	stream.indirect.scatter.add.f32 [tilespmem:s10], [sflag:$0x1], $0x10, s30, s13, $0xb8;
	[tilespmem:$0x5780] =	vst v63  }
0x28: {  	s31 =	simm.s32 $0x380  }
0x29: {  	[spmem:s2] =	stream.indirect.scatter.add.f32 [tilespmem:s10], [sflag:$0x1], $0x10, s31, s13, $0xb8;
	[tilespmem:$0x5780] =	vst v63  }
0x2a: {  	_ =	swait.ge [sflag:s14], $0x800  }
0x2b: {  	[sflag:s14] =	ssyncset.done $0x0  }
0x2c: {  	[sflag:s14] =	ssyncadd.s32 $0xFFFFF800  }
0x2d: {  	_ =	swait.ge [sflag:s14], $0x800  }
0x2e: {  	[sflag:s14] =	ssyncset.done $0x0  }
0x2f: {  	[sflag:s14] =	ssyncadd.s32 $0xFFFFF800  }
0x30: {  	_ =	swait.ge [sflag:s14], $0x800  }
0x31: {  	[sflag:s14] =	ssyncset.done $0x0  }
0x32: {  	[sflag:s14] =	ssyncadd.s32 $0xFFFFF800  }
0x33: {  	_ =	swait.ge [sflag:s14], $0x800  }
0x34: {  	[sflag:s14] =	ssyncset.done $0x0  }
0x35: {  	[sflag:s14] =	ssyncadd.s32 $0xFFFFF800  }
0x36: {  	_ =	swait.ge [sflag:s14], $0x800  }
0x37: {  	[sflag:s14] =	ssyncset.done $0x0  }
0x38: {  	[sflag:s14] =	ssyncadd.s32 $0xFFFFF800  }
0x39: {  	_ =	swait.ge [sflag:s14], $0x800  }
0x3a: {  	[sflag:s14] =	ssyncset.done $0x0  }
0x3b: {  	[sflag:s14] =	ssyncadd.s32 $0xFFFFF800  }
0x3c: {  	_ =	swait.ge [sflag:s14], $0x800  }
0x3d: {  	[sflag:s14] =	ssyncset.done $0x0  }
0x3e: {  	[sflag:s14] =	ssyncadd.s32 $0xFFFFF800  }
0x3f: {  	_ =	swait.ge [sflag:s14], $0x800  }
0x40: {  	s18 =	simm.s32 $0x2000;
	s16 =	simm.s32 $0x1000;
	[sflag:s14] =	ssyncset.done $0x0  }
.LBB2_2:
0x41: {  	s19 =	sshra.s32 s16, $0x2  }
0x42: {  	[sflag:s14] =	ssyncadd.s32 $0xFFFFF800;
	s16 =	smov.u32 s18;
	s17 =	sadd.s32 $0x1000, s18  }
0x43: {  	[spmem:s2] =	stream.indirect.scatter.add.f32 [tilespmem:s10], [sflag:$0x1], $0x10, s19, s13, $0xb8;
	[tilespmem:$0x5780] =	vst v63  }
0x44: {  	p0 =	sne.s32 s18, $0x9000;
	s18 =	sadd.s32 $0x80, s19  }
0x45: {  	[spmem:s2] =	stream.indirect.scatter.add.f32 [tilespmem:s10], [sflag:$0x1], $0x10, s18, s13, $0xb8;
	[tilespmem:$0x5780] =	vst v63  }
0x46: {  	s18 =	sadd.s32 $0x100, s19  }
0x47: {  	[spmem:s2] =	stream.indirect.scatter.add.f32 [tilespmem:s10], [sflag:$0x1], $0x10, s18, s13, $0xb8;
	[tilespmem:$0x5780] =	vst v63  }
0x48: {  	s18 =	sadd.s32 $0x180, s19  }
0x49: {  	[spmem:s2] =	stream.indirect.scatter.add.f32 [tilespmem:s10], [sflag:$0x1], $0x10, s18, s13, $0xb8;
	[tilespmem:$0x5780] =	vst v63  }
0x4a: {  	s18 =	sadd.s32 $0x200, s19  }
0x4b: {  	[spmem:s2] =	stream.indirect.scatter.add.f32 [tilespmem:s10], [sflag:$0x1], $0x10, s18, s13, $0xb8;
	[tilespmem:$0x5780] =	vst v63  }
0x4c: {  	s18 =	sadd.s32 $0x280, s19  }
0x4d: {  	[spmem:s2] =	stream.indirect.scatter.add.f32 [tilespmem:s10], [sflag:$0x1], $0x10, s18, s13, $0xb8;
	[tilespmem:$0x5780] =	vst v63  }
0x4e: {  	s18 =	sadd.s32 $0x300, s19  }
0x4f: {  	[spmem:s2] =	stream.indirect.scatter.add.f32 [tilespmem:s10], [sflag:$0x1], $0x10, s18, s13, $0xb8;
	[tilespmem:$0x5780] =	vst v63  }
0x50: {  	s18 =	sadd.s32 $0x380, s19  }
0x51: {  	[spmem:s2] =	stream.indirect.scatter.add.f32 [tilespmem:s10], [sflag:$0x1], $0x10, s18, s13, $0xb8;
	[tilespmem:$0x5780] =	vst v63  }
0x52: {  	_ =	swait.ge [sflag:s14], $0x800  }
0x53: {  	[sflag:s14] =	ssyncset.done $0x0  }
0x54: {  	[sflag:s14] =	ssyncadd.s32 $0xFFFFF800  }
0x55: {  	_ =	swait.ge [sflag:s14], $0x800  }
0x56: {  	[sflag:s14] =	ssyncset.done $0x0  }
0x57: {  	[sflag:s14] =	ssyncadd.s32 $0xFFFFF800  }
0x58: {  	_ =	swait.ge [sflag:s14], $0x800  }
0x59: {  	[sflag:s14] =	ssyncset.done $0x0  }
0x5a: {  	[sflag:s14] =	ssyncadd.s32 $0xFFFFF800  }
0x5b: {  	_ =	swait.ge [sflag:s14], $0x800  }
0x5c: {  	[sflag:s14] =	ssyncset.done $0x0  }
0x5d: {  	[sflag:s14] =	ssyncadd.s32 $0xFFFFF800  }
0x5e: {  	_ =	swait.ge [sflag:s14], $0x800  }
0x5f: {  	[sflag:s14] =	ssyncset.done $0x0  }
0x60: {  	[sflag:s14] =	ssyncadd.s32 $0xFFFFF800  }
0x61: {  	_ =	swait.ge [sflag:s14], $0x800  }
0x62: {  	[sflag:s14] =	ssyncset.done $0x0  }
0x63: {  	[sflag:s14] =	ssyncadd.s32 $0xFFFFF800  }
.Ltmp0:
0x64: {  	_ =	swait.ge [sflag:s14], $0x800;
	(pc) =	sbr.rel @p0 .LBB2_2-.Ltmp0, $4  }
0x65: {  	[sflag:s14] =	ssyncset.done $0x0  }
0x66: {  	[sflag:s14] =	ssyncadd.s32 $0xFFFFF800  }
0x67: {  	_ =	swait.ge [sflag:s14], $0x800  }
0x68: {  	s18 =	smov.u32 s17;
	[sflag:s14] =	ssyncset.done $0x0  }
0x69: {  	s16 =	sshra.s32 s16, $0x2;
	[sflag:s14] =	ssyncadd.s32 $0xFFFFF800  }
0x6a: {  	[spmem:s2] =	stream.indirect.scatter.add.f32 [tilespmem:s10], [sflag:$0x1], $0x10, s16, s13, $0xb8;
	[tilespmem:$0x5780] =	vst v63  }
0x6b: {  	s17 =	sadd.s32 $0x80, s16  }
0x6c: {  	[spmem:s2] =	stream.indirect.scatter.add.f32 [tilespmem:s10], [sflag:$0x1], $0x10, s17, s13, $0xb8;
	[tilespmem:$0x5780] =	vst v63  }
0x6d: {  	s26 =	sadd.s32 $0x100, s16  }
0x6e: {  	[spmem:s2] =	stream.indirect.scatter.add.f32 [tilespmem:s10], [sflag:$0x1], $0x10, s26, s13, $0xb8;
	[tilespmem:$0x5780] =	vst v63  }
0x6f: {  	s28 =	sadd.s32 $0x180, s16  }
0x70: {  	[spmem:s2] =	stream.indirect.scatter.add.f32 [tilespmem:s10], [sflag:$0x1], $0x10, s28, s13, $0xb8;
	[tilespmem:$0x5780] =	vst v63  }
0x71: {  	s29 =	sadd.s32 $0x200, s16  }
0x72: {  	[spmem:s2] =	stream.indirect.scatter.add.f32 [tilespmem:s10], [sflag:$0x1], $0x10, s29, s13, $0xb8;
	[tilespmem:$0x5780] =	vst v63  }
0x73: {  	s30 =	sadd.s32 $0x280, s16  }
0x74: {  	[spmem:s2] =	stream.indirect.scatter.add.f32 [tilespmem:s10], [sflag:$0x1], $0x10, s30, s13, $0xb8;
	[tilespmem:$0x5780] =	vst v63  }
0x75: {  	s31 =	sadd.s32 $0x300, s16  }
0x76: {  	[spmem:s2] =	stream.indirect.scatter.add.f32 [tilespmem:s10], [sflag:$0x1], $0x10, s31, s13, $0xb8;
	[tilespmem:$0x5780] =	vst v63  }
0x77: {  	s16 =	sadd.s32 $0x380, s16  }
0x78: {  	[spmem:s2] =	stream.indirect.scatter.add.f32 [tilespmem:s10], [sflag:$0x1], $0x10, s16, s13, $0xb8;
	[tilespmem:$0x5780] =	vst v63  }
0x79: {  	_ =	swait.ge [sflag:s14], $0x800  }
0x7a: {  	[sflag:s14] =	ssyncset.done $0x0  }
0x7b: {  	[sflag:s14] =	ssyncadd.s32 $0xFFFFF800  }
0x7c: {  	_ =	swait.ge [sflag:s14], $0x800  }
0x7d: {  	[sflag:s14] =	ssyncset.done $0x0  }
0x7e: {  	[sflag:s14] =	ssyncadd.s32 $0xFFFFF800  }
0x7f: {  	_ =	swait.ge [sflag:s14], $0x800  }
0x80: {  	[sflag:s14] =	ssyncset.done $0x0  }
0x81: {  	[sflag:s14] =	ssyncadd.s32 $0xFFFFF800  }
0x82: {  	_ =	swait.ge [sflag:s14], $0x800  }
0x83: {  	[sflag:s14] =	ssyncset.done $0x0  }
0x84: {  	[sflag:s14] =	ssyncadd.s32 $0xFFFFF800  }
0x85: {  	_ =	swait.ge [sflag:s14], $0x800  }
0x86: {  	[sflag:s14] =	ssyncset.done $0x0  }
0x87: {  	[sflag:s14] =	ssyncadd.s32 $0xFFFFF800  }
0x88: {  	_ =	swait.ge [sflag:s14], $0x800  }
0x89: {  	[sflag:s14] =	ssyncset.done $0x0  }
0x8a: {  	[sflag:s14] =	ssyncadd.s32 $0xFFFFF800  }
0x8b: {  	_ =	swait.ge [sflag:s14], $0x800  }
0x8c: {  	[sflag:s14] =	ssyncset.done $0x0  }
0x8d: {  	[sflag:s14] =	ssyncadd.s32 $0xFFFFF800  }
0x8e: {  	_ =	swait.ge [sflag:s14], $0x800  }
0x8f: {  	s15 =	sadd.s32 $0x1, s15;
	[sflag:s14] =	ssyncset.done $0x0  }
0x90: {  	p0 =	sne.s32 s15, s8;
	[sflag:s14] =	ssyncadd.s32 $0xFFFFF800  }
.Ltmp1:
0x91: {  	[bflag:$0x0] =	sbarrier.arrive $0xFFFF;
	(pc) =	sbr.rel @p0 .LBB2_1-.Ltmp1, $4  }
0x92: {  	[hbm:s7], [sflag:s11] =	dma.local [spmem:s12], $0x4F0  }
0x93: {  	_ =	swait.ge [sflag:s9], $0x4F0  }
0x94: {  	[sflag:s9] =	ssyncset.done $0x0  }
0x95: {  	[sflag:s9] =	ssyncadd.s32 $0xFFFFFB10  }
0x96: {  	_ =	sfence.sel $0x180000  }
0x97: {  	[bflag:$0x0] =	sbarrier.arrive $0xFFFF  }
0x98: {  	p0 =	sne.s32 s0, $0x0;
	_ =	strace $0x90000047  }
0x99: {  	s0 =	sadd.s32 @!p0 $0x100000, s1;
	[bflag:$0x2] =	sbarrier.arrive $0xFFFF  }
0x9a: {  	[sflag:s0] =	ssyncadd.tile.s32 @!p0 $0x1;
	_ =	shalt  }
.Lfunc_end2:
_tile_overlayer_lowered:
.L_overlay_start_2:
0x9b: {  	(tag) =	ssettag $0x2  }
0x9c: {  	s0 =	rddreg [dreg:$0x0];
	s2 =	stileid.u32  }
0x9d: {  	s1 =	rddreg [dreg:$0x1];
	p0 =	sne.s32 s2, $0x0  }
0x9e: {  	s3 =	rddreg [dreg:$0x2];
	[bflag:$0x3] =	sbarrier.arrive $0xFFFF;
	s2 =	simm.s32 @!p0 $0x1C02  }
0x9f: {  	[timem:s3], [sflag:s2] =	dma.local @!p0 [hbm:s0], s1  }
0xa0: {  	s0 =	simm.s32 @!p0 $0x2  }
0xa1: {  	_ =	swait.ge @!p0 [sflag:s0], s1  }
0xa2: {  	s1 =	ssub.s32 @!p0 $0x0, s1;
	[sflag:s0] =	ssyncset.done @!p0 $0x0  }
0xa3: {  	[sflag:s0] =	ssyncadd.s32 @!p0 s1  }
0xa4: {  	[bflag:$0x3] =	sbarrier.arrive $0xFFFF  }
0xa5: {  	_ =	shalt  }

</sc_bundles>
